<compile_context>
chip_gen: v7x
topology: tpu7x:2x2x1
jax: 0.10.2.dev20260603
libtpu: 0.0.44.dev20260713+nightly
codegen_flags: <defaults>
</compile_context>

<pallas_src>
import functools

import jax
import jax.numpy as jnp
from jax import lax
from jax.experimental import pallas as pl
from jax.experimental.pallas import tpu as pltpu
from jax.experimental.pallas import tpu_sc as plsc

_N = 100000
_R = 100352
_EP = 3309568
_K = 1024
_CH_EX = 101
_CH_NUM = 202
_RPW = _R // 16


def _ex_body(src1, dst1, U, V, X12,
             exw, xs12,
             idx_s, idx_d, u_b, v_b, x_b, sem):
    c = lax.axis_index("c")
    s = lax.axis_index("s")
    w = s * 2 + c

    def chunk(g, carry):
        e0 = (w * _CH_EX + g) * _K
        pltpu.sync_copy(src1.at[pl.ds(e0, _K)], idx_s)
        pltpu.sync_copy(dst1.at[pl.ds(e0, _K)], idx_d)
        cps = [pltpu.async_copy(U.at[idx_s], u_b, sem),
               pltpu.async_copy(V.at[idx_d], v_b, sem),
               pltpu.async_copy(X12.at[idx_s], x_b, sem)]
        for cp in cps:
            cp.wait()

        def vec(t, carry2):
            for i in range(4):
                r = t * 4 + i
                u16 = u_b[r, pl.ds(0, 16)]
                v16 = v_b[r, pl.ds(0, 16)]
                e = u16 + v16
                e = jnp.where(e >= 0.0, e, 0.2 * e)
                u_b[r, pl.ds(0, 16)] = jnp.exp(e)
            return carry2

        lax.fori_loop(0, _K // 4, vec, 0)
        pltpu.sync_copy(u_b, exw.at[pl.ds(e0, _K), :])
        pltpu.sync_copy(x_b, xs12.at[pl.ds(e0, _K), :])
        return carry

    lax.fori_loop(0, _CH_EX, chunk, 0)


_KN = 1024
_CH_KN = _EP // (16 * _KN)


def _num_body(dst1, ex4, XS, Z16,
              o0A, o0B, o1A, o1B, o2A, o2B, o3A, o3B,
              idx_d, ex_b, x_b, num_sh, sem):
    c = lax.axis_index("c")
    s = lax.axis_index("s")
    outs = ((o0A, o0B), (o1A, o1B), (o2A, o2B), (o3A, o3B))

    for lidx in range(4):
        off = 0 if lidx < 2 else 24
        outA, outB = outs[lidx]
        pltpu.sync_copy(Z16.at[pl.ds(s * _RPW, _RPW), :],
                        num_sh.at[pl.ds(s * _RPW, _RPW), :])
        plsc.subcore_barrier()

        def chunk(g, carry, lidx=lidx, off=off):
            e0 = (s * _CH_KN + g) * _KN
            pltpu.sync_copy(dst1.at[pl.ds(e0, _KN)], idx_d)
            pltpu.sync_copy(ex4.at[lidx, pl.ds(e0, _KN)], ex_b)

            @pl.when(c == 0)
            def _():
                pltpu.sync_copy(XS.at[pl.ds(e0, _KN), pl.ds(off, 16)], x_b)

            @pl.when(c == 1)
            def _():
                pltpu.sync_copy(XS.at[pl.ds(e0, _KN), pl.ds(off + 8, 16)],
                                x_b)

            def grp(t, carry2):
                ex16 = ex_b[pl.ds(t * 16, 16)]
                for i in range(16):
                    w16 = jnp.broadcast_to(
                        lax.slice(ex16, (i,), (i + 1,)), (16,))
                    r = t * 16 + i
                    x_b[r, pl.ds(0, 16)] = x_b[r, pl.ds(0, 16)] * w16
                return carry2

            lax.fori_loop(0, _KN // 16, grp, 0)
            pltpu.sync_copy(x_b, num_sh.at[idx_d], add=True)
            return carry

        lax.fori_loop(0, _CH_KN, chunk, 0)
        plsc.subcore_barrier()

        @pl.when(c == 0)
        def _(outA=outA):
            pltpu.sync_copy(num_sh.at[pl.ds(s * _RPW, _RPW), :],
                            outA.at[pl.ds(s * _RPW, _RPW), :])

        @pl.when(c == 1)
        def _(outB=outB):
            pltpu.sync_copy(num_sh.at[pl.ds(s * _RPW, _RPW), :],
                            outB.at[pl.ds(s * _RPW, _RPW), :])


def _mesh():
    return plsc.VectorSubcoreMesh(core_axis_name="c", subcore_axis_name="s")


_SC_PARAMS = pltpu.CompilerParams(use_tc_tiling_on_sc=False)


def _ex_call(src1, dst1, U, V, X12):
    f32 = jnp.float32
    return pl.kernel(
        _ex_body,
        out_type=[jax.ShapeDtypeStruct((_EP, 16), f32),
                  jax.ShapeDtypeStruct((_EP, 48), f32)],
        mesh=_mesh(),
        compiler_params=_SC_PARAMS,
        scratch_types=[
            pltpu.VMEM((_K,), jnp.int32),
            pltpu.VMEM((_K,), jnp.int32),
            pltpu.VMEM((_K, 16), f32),
            pltpu.VMEM((_K, 16), f32),
            pltpu.VMEM((_K, 48), f32),
            pltpu.SemaphoreType.DMA,
        ],
    )(src1, dst1, U, V, X12)


def _num_call(dst1, ex4, XS, Z16):
    f32 = jnp.float32
    res = pl.kernel(
        _num_body,
        out_type=[jax.ShapeDtypeStruct((_R, 16), f32)] * 8,
        mesh=_mesh(),
        compiler_params=_SC_PARAMS,
        scratch_types=[
            pltpu.VMEM((_KN,), jnp.int32),
            pltpu.VMEM((_KN,), f32),
            pltpu.VMEM((_KN, 16), f32),
            pltpu.VMEM_SHARED((_R, 16), f32),
            pltpu.SemaphoreType.DMA,
        ],
    )(dst1, ex4, XS, Z16)
    nums, dens = [], []
    for l in range(4):
        outA, outB = res[2 * l], res[2 * l + 1]
        nums.append(jnp.concatenate([outA, outB[:, 8:12]], axis=1))
        dens.append(outB[:, 12])
    return nums, dens


_SB = 8192


def _split_body(exw_blk, out_blk):
    out_blk[...] = jnp.transpose(exw_blk[:, 0:4])


def _split_stage(exw):
    return pl.pallas_call(
        _split_body,
        grid=(_EP // _SB,),
        in_specs=[pl.BlockSpec((_SB, 16), lambda i: (i, 0))],
        out_specs=pl.BlockSpec((4, _SB), lambda i: (0, i)),
        out_shape=jax.ShapeDtypeStruct((4, _EP), jnp.float32),
    )(exw)


_BLK = 2000


def _final_body(num1, num2, num3, num4, dens, x2, W1, W2, W3, W4, bias,
                x1n_o, x2n_o, ld_o):
    inv = 1.0 / (dens[...] + 1e-16)
    s1 = jnp.dot(num1[...], W1[...], preferred_element_type=jnp.float32) * inv[:, 0:1] + bias[0, :][None, :]
    t1 = jnp.dot(num2[...], W2[...], preferred_element_type=jnp.float32) * inv[:, 1:2] + bias[1, :][None, :]
    s2 = jnp.dot(num3[...], W3[...], preferred_element_type=jnp.float32) * inv[:, 2:3] + bias[2, :][None, :]
    t2 = jnp.dot(num4[...], W4[...], preferred_element_type=jnp.float32) * inv[:, 3:4] + bias[3, :][None, :]
    x1n = x2[...] * jnp.exp(s1) + t1
    x2n = x1n * jnp.exp(s2) + t2
    x1n_o[...] = x1n
    x2n_o[...] = x2n
    ld_o[...] = jnp.sum(s1 + s2, axis=1, keepdims=True)


def _final_stage(num1, num2, num3, num4, dens, x2, W1, W2, W3, W4, bias):
    n = num1.shape[0]
    grid = (n // _BLK,)
    row = lambda i: (i, 0)
    full = lambda i: (0, 0)
    x1n, x2n, ld = pl.pallas_call(
        _final_body,
        grid=grid,
        in_specs=[
            pl.BlockSpec((_BLK, 20), row),
            pl.BlockSpec((_BLK, 20), row),
            pl.BlockSpec((_BLK, 20), row),
            pl.BlockSpec((_BLK, 20), row),
            pl.BlockSpec((_BLK, 4), row),
            pl.BlockSpec((_BLK, 20), row),
            pl.BlockSpec((20, 20), full),
            pl.BlockSpec((20, 20), full),
            pl.BlockSpec((20, 20), full),
            pl.BlockSpec((20, 20), full),
            pl.BlockSpec((4, 20), full),
        ],
        out_specs=[
            pl.BlockSpec((_BLK, 20), row),
            pl.BlockSpec((_BLK, 20), row),
            pl.BlockSpec((_BLK, 1), row),
        ],
        out_shape=[
            jax.ShapeDtypeStruct((n, 20), jnp.float32),
            jax.ShapeDtypeStruct((n, 20), jnp.float32),
            jax.ShapeDtypeStruct((n, 1), jnp.float32),
        ],
    )(num1, num2, num3, num4, dens, x2, W1, W2, W3, W4, bias)
    return x1n, x2n, ld[:, 0]


def kernel(x, edge_index, F1_W, F1_as, F1_ad, F1_b, F2_W, F2_as, F2_ad, F2_b,
           G1_W, G1_as, G1_ad, G1_b, G2_W, G2_as, G2_ad, G2_b):
    n = x.shape[0]
    loops = jnp.arange(n, dtype=edge_index.dtype)
    src = jnp.concatenate([edge_index[0], loops])
    dst = jnp.concatenate([edge_index[1], loops])
    ea = src.shape[0]
    pad = jnp.full((_EP - ea,), _N, dtype=jnp.int32)
    src1 = jnp.concatenate([src, pad])
    dst1 = jnp.concatenate([dst, pad])
    x1, x2 = x[:, :20], x[:, 20:]

    U4 = jnp.stack([x1 @ (F1_W @ F1_as), x1 @ (F2_W @ F2_as),
                    x2 @ (G1_W @ G1_as), x2 @ (G2_W @ G2_as)], axis=1)
    V4 = jnp.stack([x1 @ (F1_W @ F1_ad), x1 @ (F2_W @ F2_ad),
                    x2 @ (G1_W @ G1_ad), x2 @ (G2_W @ G2_ad)], axis=1)
    U = jnp.pad(U4, ((0, _R - _N), (0, 12)))
    V = jnp.pad(V4, ((0, _R - _N), (0, 12)))
    ones = jnp.ones((_R, 1), jnp.float32)
    zpad = jnp.zeros((_R, 3), jnp.float32)
    rp = ((0, _R - _N), (0, 0))
    X12 = jnp.concatenate([jnp.pad(x1, rp), ones, zpad,
                           jnp.pad(x2, rp), ones, zpad], axis=1)
    Z16 = jnp.zeros((_R, 16), jnp.float32)

    exw, xs12 = _ex_call(src1, dst1, U, V, X12)
    ex4 = _split_stage(exw)
    (num1, num2, num3, num4), dlist = _num_call(dst1, ex4, xs12, Z16)
    dens = jnp.stack(dlist, axis=1)[:n]

    bias = jnp.stack([F1_b, F2_b, G1_b, G2_b], axis=0)
    x1n, x2n, ld = _final_stage(num1[:n], num2[:n], num3[:n], num4[:n],
                                dens, x2, F1_W, F2_W, G1_W, G2_W, bias)
    return (x1n, x2n, ld)

# --- scband reference (transcript-rebuilt; emitter-appended) ---
"""Pipeline reference for scband-gnf-68152541053663 (READ-ONLY COPY).

The authoritative reference and input builder live on the scoring server;
editing this copy changes nothing except your own understanding.
"""

import jax, jax.numpy as jnp
import numpy as np

N = 100000
E = 3200000


def _gat(x, src, dst, W, a_s, a_d, b, n):
    # PyG-style GATConv (heads=1, add_self_loops already applied via src/dst)
    h = x @ W
    e = (h @ a_s)[src] + (h @ a_d)[dst]
    e = jax.nn.leaky_relu(e, 0.2)
    m = jax.ops.segment_max(e, dst, num_segments=n)
    m = jnp.where(jnp.isfinite(m), m, 0.0)
    ex = jnp.exp(e - m[dst])
    den = jax.ops.segment_sum(ex, dst, num_segments=n)
    alpha = ex / (den[dst] + 1e-16)
    out = jax.ops.segment_sum(h[src] * alpha[:, None], dst, num_segments=n)
    return out + b


def setup_inputs(seed: int = 0) -> dict:
    key = jax.random.key(seed)
    ks = jax.random.split(key, 6)
    x = jax.random.normal(ks[0], (N, 40), dtype=jnp.float32)
    edge_index = jax.random.randint(ks[1], (2, E), 0, N, dtype=jnp.int32)

    def gp(k):
        k1, k2, k3 = jax.random.split(k, 3)
        return (jax.random.normal(k1, (20, 20), dtype=jnp.float32) * 0.1,
                jax.random.normal(k2, (20,), dtype=jnp.float32) * 0.1,
                jax.random.normal(k3, (20,), dtype=jnp.float32) * 0.1,
                jnp.zeros((20,), dtype=jnp.float32))

    inp = {"x": x, "edge_index": edge_index}
    for i, name in enumerate(["F1", "F2", "G1", "G2"]):
        W, a_s, a_d, b = gp(ks[2 + i])
        inp[name + "_W"] = W
        inp[name + "_as"] = a_s
        inp[name + "_ad"] = a_d
        inp[name + "_b"] = b
    return inp


def reference(x, edge_index, F1_W, F1_as, F1_ad, F1_b, F2_W, F2_as, F2_ad, F2_b,
              G1_W, G1_as, G1_ad, G1_b, G2_W, G2_as, G2_ad, G2_b):
    n = x.shape[0]
    loops = jnp.arange(n, dtype=edge_index.dtype)
    src = jnp.concatenate([edge_index[0], loops])
    dst = jnp.concatenate([edge_index[1], loops])
    x1, x2 = x[:, :20], x[:, 20:]
    # f_a: s,t from x1; new x1 = x2*exp(s)+t
    s1 = _gat(x1, src, dst, F1_W, F1_as, F1_ad, F1_b, n)
    t1 = _gat(x1, src, dst, F2_W, F2_as, F2_ad, F2_b, n)
    x1n = x2 * jnp.exp(s1) + t1
    # f_b: s,t from x2; new x2 = x1n*exp(s)+t
    s2 = _gat(x2, src, dst, G1_W, G1_as, G1_ad, G1_b, n)
    t2 = _gat(x2, src, dst, G2_W, G2_as, G2_ad, G2_b, n)
    x2n = x1n * jnp.exp(s2) + t2
    log_det_xz = jnp.sum(s1, axis=1) + jnp.sum(s2, axis=1)
    return (x1n, x2n, log_det_xz)

if __name__ == "__main__":
    import jax
    _d = setup_inputs()
    print(jax.jit(kernel)(*tuple(_d.values())))

</pallas_src>

<mosaic_0001>
#map = affine_map<(d0, d1) -> (0)>
#map1 = affine_map<(d0, d1) -> (0, 0)>
module attributes {stable_mosaic.version = 14 : i64} {
  func.func @_num_body(%arg0: i32, %arg1: i32, %arg2: memref<3309568xi32, #tpu.memory_space<hbm>>, %arg3: memref<4x3309568xf32, #tpu.memory_space<hbm>>, %arg4: memref<3309568x48xf32, #tpu.memory_space<hbm>>, %arg5: memref<100352x16xf32, #tpu.memory_space<hbm>>, %arg6: memref<100352x16xf32, #tpu.memory_space<hbm>>, %arg7: memref<100352x16xf32, #tpu.memory_space<hbm>>, %arg8: memref<100352x16xf32, #tpu.memory_space<hbm>>, %arg9: memref<100352x16xf32, #tpu.memory_space<hbm>>, %arg10: memref<100352x16xf32, #tpu.memory_space<hbm>>, %arg11: memref<100352x16xf32, #tpu.memory_space<hbm>>, %arg12: memref<100352x16xf32, #tpu.memory_space<hbm>>, %arg13: memref<100352x16xf32, #tpu.memory_space<hbm>>, %arg14: memref<1024xi32, #tpu.memory_space<vmem>>, %arg15: memref<1024xf32, #tpu.memory_space<vmem>>, %arg16: memref<1024x16xf32, #tpu.memory_space<vmem>>, %arg17: memref<100352x16xf32, #tpu.memory_space<vmem_shared>>, %arg18: memref<!tpu.dma_semaphore, #tpu.memory_space<semaphore_mem>>) attributes {dimension_semantics = [#tpu.dimension_semantics<core_parallel>, #tpu.dimension_semantics<subcore_parallel>], iteration_bounds = array<i64: 2, 16>, scalar_prefetch = 0 : i64, scratch_operands = 5 : i64, tpu.core_type = #tpu.core_type<sc_vector_subcore>, window_params = [{transform_indices = #map}, {transform_indices = #map1}, {transform_indices = #map1}, {transform_indices = #map1}, {transform_indices = #map1}, {transform_indices = #map1}, {transform_indices = #map1}, {transform_indices = #map1}, {transform_indices = #map1}, {transform_indices = #map1}, {transform_indices = #map1}, {transform_indices = #map1}]} {
    %mul3A = arith.constant 6272 : i32
    %mul3A_0 = arith.muli %arg1, %mul3A : i32
    %mul3A_1 = arith.constant 6272 : i32
    %mul3A_2 = arith.muli %arg1, %mul3A_1 : i32
    "tpu.region"() ({
      %run_scoped3A = tpu.sem_alloc : memref<!tpu.dma_semaphore, #tpu.memory_space<semaphore_mem>>
      %dma_start3A = arith.constant 0 : i32
      %dma_start3A_82 = tpu.memref_slice %arg17[%mul3A_2, %dma_start3A] : memref<100352x16xf32, #tpu.memory_space<vmem_shared>> -> memref<6272x16xf32, #tpu.memory_space<vmem_shared>>
      %dma_start3A_83 = arith.constant 0 : i32
      %dma_start3A_84 = tpu.memref_slice %arg5[%mul3A_0, %dma_start3A_83] : memref<100352x16xf32, #tpu.memory_space<hbm>> -> memref<6272x16xf32, #tpu.memory_space<hbm>>
      tpu.enqueue_dma source(%dma_start3A_84 : memref<6272x16xf32, #tpu.memory_space<hbm>>) target(%dma_start3A_82 : memref<6272x16xf32, #tpu.memory_space<vmem_shared>>) target_semaphore(%run_scoped3A : memref<!tpu.dma_semaphore, #tpu.memory_space<semaphore_mem>>)
      %dma_wait3A = arith.constant 0 : i32
      %dma_wait3A_85 = tpu.memref_slice %arg17[%mul3A_2, %dma_wait3A] : memref<100352x16xf32, #tpu.memory_space<vmem_shared>> -> memref<6272x16xf32, #tpu.memory_space<vmem_shared>>
      %dma_wait3A_86 = arith.constant 0 : i32
      %dma_wait3A_87 = tpu.memref_slice %arg5[%mul3A_0, %dma_wait3A_86] : memref<100352x16xf32, #tpu.memory_space<hbm>> -> memref<6272x16xf32, #tpu.memory_space<hbm>>
      tpu.wait_dma2 semaphore(%run_scoped3A : memref<!tpu.dma_semaphore, #tpu.memory_space<semaphore_mem>>) src(%dma_wait3A_87 : memref<6272x16xf32, #tpu.memory_space<hbm>>) dst(%dma_wait3A_85 : memref<6272x16xf32, #tpu.memory_space<vmem_shared>>)
      tpu.yield
    }) : () -> ()
    %barrier3A = arith.constant 0 : index
    tpu.barrier barrier_id(%barrier3A)
    %scan3A = arith.constant 0 : i32
    %scan3A_3 = arith.constant 0 : i32
    %scan3A_4 = arith.constant 202 : i32
    %scan3A_5 = arith.addi %scan3A_3, %scan3A_4 : i32
    %scan3A_6 = arith.constant 1 : i32
    scf.for %scan3A_82 = %scan3A_3 to %scan3A_5 step %scan3A_6  : i32 {
      %mul3A_83 = arith.constant 202 : i32
      %mul3A_84 = arith.muli %arg1, %mul3A_83 : i32
      %add3A = arith.addi %mul3A_84, %scan3A_82 : i32
      %mul3A_85 = arith.constant 1024 : i32
      %mul3A_86 = arith.muli %add3A, %mul3A_85 : i32
      "tpu.region"() ({
        %run_scoped3A_103 = tpu.sem_alloc : memref<!tpu.dma_semaphore, #tpu.memory_space<semaphore_mem>>
        %dma_start3A = tpu.memref_slice %arg2[%mul3A_86] : memref<3309568xi32, #tpu.memory_space<hbm>> -> memref<1024xi32, #tpu.memory_space<hbm>>
        %dma_start3A_104 = tpu.memref_slice %arg2[%mul3A_86] : memref<3309568xi32, #tpu.memory_space<hbm>> -> memref<1024xi32, #tpu.memory_space<hbm>>
        tpu.enqueue_dma source(%dma_start3A_104 : memref<1024xi32, #tpu.memory_space<hbm>>) target(%arg14 : memref<1024xi32, #tpu.memory_space<vmem>>) target_semaphore(%run_scoped3A_103 : memref<!tpu.dma_semaphore, #tpu.memory_space<semaphore_mem>>)
        %dma_wait3A = tpu.memref_slice %arg2[%mul3A_86] : memref<3309568xi32, #tpu.memory_space<hbm>> -> memref<1024xi32, #tpu.memory_space<hbm>>
        %dma_wait3A_105 = tpu.memref_slice %arg2[%mul3A_86] : memref<3309568xi32, #tpu.memory_space<hbm>> -> memref<1024xi32, #tpu.memory_space<hbm>>
        tpu.wait_dma2 semaphore(%run_scoped3A_103 : memref<!tpu.dma_semaphore, #tpu.memory_space<semaphore_mem>>) src(%dma_wait3A_105 : memref<1024xi32, #tpu.memory_space<hbm>>) dst(%arg14 : memref<1024xi32, #tpu.memory_space<vmem>>)
        tpu.yield
      }) : () -> ()
      %run_scoped3A = arith.constant 0 : i32
      "tpu.region"() ({
        %run_scoped3A_103 = tpu.sem_alloc : memref<!tpu.dma_semaphore, #tpu.memory_space<semaphore_mem>>
        %dma_start3A = tpu.memref_slice %arg3[%run_scoped3A, %mul3A_86] : memref<4x3309568xf32, #tpu.memory_space<hbm>> -> memref<1x1024xf32, #tpu.memory_space<hbm>>
        %dma_start3A_104 = tpu.memref_squeeze %dma_start3A : memref<1x1024xf32, #tpu.memory_space<hbm>> -> memref<1024xf32, #tpu.memory_space<hbm>>
        %dma_start3A_105 = tpu.memref_slice %arg3[%run_scoped3A, %mul3A_86] : memref<4x3309568xf32, #tpu.memory_space<hbm>> -> memref<1x1024xf32, #tpu.memory_space<hbm>>
        %dma_start3A_106 = tpu.memref_squeeze %dma_start3A_105 : memref<1x1024xf32, #tpu.memory_space<hbm>> -> memref<1024xf32, #tpu.memory_space<hbm>>
        tpu.enqueue_dma source(%dma_start3A_106 : memref<1024xf32, #tpu.memory_space<hbm>>) target(%arg15 : memref<1024xf32, #tpu.memory_space<vmem>>) target_semaphore(%run_scoped3A_103 : memref<!tpu.dma_semaphore, #tpu.memory_space<semaphore_mem>>)
        %dma_wait3A = tpu.memref_slice %arg3[%run_scoped3A, %mul3A_86] : memref<4x3309568xf32, #tpu.memory_space<hbm>> -> memref<1x1024xf32, #tpu.memory_space<hbm>>
        %dma_wait3A_107 = tpu.memref_squeeze %dma_wait3A : memref<1x1024xf32, #tpu.memory_space<hbm>> -> memref<1024xf32, #tpu.memory_space<hbm>>
        %dma_wait3A_108 = tpu.memref_slice %arg3[%run_scoped3A, %mul3A_86] : memref<4x3309568xf32, #tpu.memory_space<hbm>> -> memref<1x1024xf32, #tpu.memory_space<hbm>>
        %dma_wait3A_109 = tpu.memref_squeeze %dma_wait3A_108 : memref<1x1024xf32, #tpu.memory_space<hbm>> -> memref<1024xf32, #tpu.memory_space<hbm>>
        tpu.wait_dma2 semaphore(%run_scoped3A_103 : memref<!tpu.dma_semaphore, #tpu.memory_space<semaphore_mem>>) src(%dma_wait3A_109 : memref<1024xf32, #tpu.memory_space<hbm>>) dst(%arg15 : memref<1024xf32, #tpu.memory_space<vmem>>)
        tpu.yield
      }) : () -> ()
      %eq3A_87 = arith.constant 0 : i32
      %eq3A_88 = arith.cmpi eq, %arg0, %eq3A_87 : i32
      %convert_element_type3A_89 = arith.extui %eq3A_88 : i1 to i32
      %cond3A_90 = arith.constant 0 : i32
      %cond3A_91 = arith.cmpi ne, %convert_element_type3A_89, %cond3A_90 : i32
      scf.if %cond3A_91 {
        "tpu.region"() ({
          %run_scoped3A_103 = tpu.sem_alloc : memref<!tpu.dma_semaphore, #tpu.memory_space<semaphore_mem>>
          %dma_start3A = arith.constant 0 : i32
          %dma_start3A_104 = tpu.memref_slice %arg4[%mul3A_86, %dma_start3A] : memref<3309568x48xf32, #tpu.memory_space<hbm>> -> memref<1024x16xf32, #tpu.memory_space<hbm>>
          %dma_start3A_105 = arith.constant 0 : i32
          %dma_start3A_106 = tpu.memref_slice %arg4[%mul3A_86, %dma_start3A_105] : memref<3309568x48xf32, #tpu.memory_space<hbm>> -> memref<1024x16xf32, #tpu.memory_space<hbm>>
          tpu.enqueue_dma source(%dma_start3A_106 : memref<1024x16xf32, #tpu.memory_space<hbm>>) target(%arg16 : memref<1024x16xf32, #tpu.memory_space<vmem>>) target_semaphore(%run_scoped3A_103 : memref<!tpu.dma_semaphore, #tpu.memory_space<semaphore_mem>>)
          %dma_wait3A = arith.constant 0 : i32
          %dma_wait3A_107 = tpu.memref_slice %arg4[%mul3A_86, %dma_wait3A] : memref<3309568x48xf32, #tpu.memory_space<hbm>> -> memref<1024x16xf32, #tpu.memory_space<hbm>>
          %dma_wait3A_108 = arith.constant 0 : i32
          %dma_wait3A_109 = tpu.memref_slice %arg4[%mul3A_86, %dma_wait3A_108] : memref<3309568x48xf32, #tpu.memory_space<hbm>> -> memref<1024x16xf32, #tpu.memory_space<hbm>>
          tpu.wait_dma2 semaphore(%run_scoped3A_103 : memref<!tpu.dma_semaphore, #tpu.memory_space<semaphore_mem>>) src(%dma_wait3A_109 : memref<1024x16xf32, #tpu.memory_space<hbm>>) dst(%arg16 : memref<1024x16xf32, #tpu.memory_space<vmem>>)
          tpu.yield
        }) : () -> ()
      } else {
      }
      %eq3A_92 = arith.constant 1 : i32
      %eq3A_93 = arith.cmpi eq, %arg0, %eq3A_92 : i32
      %convert_element_type3A_94 = arith.extui %eq3A_93 : i1 to i32
      %cond3A_95 = arith.constant 0 : i32
      %cond3A_96 = arith.cmpi ne, %convert_element_type3A_94, %cond3A_95 : i32
      scf.if %cond3A_96 {
        "tpu.region"() ({
          %run_scoped3A_103 = tpu.sem_alloc : memref<!tpu.dma_semaphore, #tpu.memory_space<semaphore_mem>>
          %dma_start3A = arith.constant 8 : i32
          %dma_start3A_104 = tpu.memref_slice %arg4[%mul3A_86, %dma_start3A] : memref<3309568x48xf32, #tpu.memory_space<hbm>> -> memref<1024x16xf32, #tpu.memory_space<hbm>>
          %dma_start3A_105 = arith.constant 8 : i32
          %dma_start3A_106 = tpu.memref_slice %arg4[%mul3A_86, %dma_start3A_105] : memref<3309568x48xf32, #tpu.memory_space<hbm>> -> memref<1024x16xf32, #tpu.memory_space<hbm>>
          tpu.enqueue_dma source(%dma_start3A_106 : memref<1024x16xf32, #tpu.memory_space<hbm>>) target(%arg16 : memref<1024x16xf32, #tpu.memory_space<vmem>>) target_semaphore(%run_scoped3A_103 : memref<!tpu.dma_semaphore, #tpu.memory_space<semaphore_mem>>)
          %dma_wait3A = arith.constant 8 : i32
          %dma_wait3A_107 = tpu.memref_slice %arg4[%mul3A_86, %dma_wait3A] : memref<3309568x48xf32, #tpu.memory_space<hbm>> -> memref<1024x16xf32, #tpu.memory_space<hbm>>
          %dma_wait3A_108 = arith.constant 8 : i32
          %dma_wait3A_109 = tpu.memref_slice %arg4[%mul3A_86, %dma_wait3A_108] : memref<3309568x48xf32, #tpu.memory_space<hbm>> -> memref<1024x16xf32, #tpu.memory_space<hbm>>
          tpu.wait_dma2 semaphore(%run_scoped3A_103 : memref<!tpu.dma_semaphore, #tpu.memory_space<semaphore_mem>>) src(%dma_wait3A_109 : memref<1024x16xf32, #tpu.memory_space<hbm>>) dst(%arg16 : memref<1024x16xf32, #tpu.memory_space<vmem>>)
          tpu.yield
        }) : () -> ()
      } else {
      }
      %scan3A_97 = arith.constant 0 : i32
      %scan3A_98 = arith.constant 0 : i32
      %scan3A_99 = arith.constant 64 : i32
      %scan3A_100 = arith.addi %scan3A_98, %scan3A_99 : i32
      %scan3A_101 = arith.constant 1 : i32
      scf.for %scan3A_103 = %scan3A_98 to %scan3A_100 step %scan3A_101  : i32 {
        %mul3A_104 = arith.constant 16 : i32
        %mul3A_105 = arith.muli %scan3A_103, %mul3A_104 : i32
        %get3A = arith.index_cast %mul3A_105 : i32 to index
        %get3A_106 = tpu.vector_load %arg15[%get3A] {strides = array<i32>} : memref<1024xf32, #tpu.memory_space<vmem>>, vector<16xf32>,
        %get3A_107 = vector.shape_cast %get3A_106 : vector<16xf32> to vector<16xf32>
        %slice3A = vector.extract_strided_slice %get3A_107 {offsets = [0], sizes = [1], strides = [1]} : vector<16xf32> to vector<1xf32>
        %broadcast_in_dim3A = vector.shape_cast %slice3A : vector<1xf32> to vector<1xf32>
        %broadcast_in_dim3A_108 = vector.broadcast %broadcast_in_dim3A : vector<1xf32> to vector<16xf32>
        %mul3A_109 = arith.constant 16 : i32
        %mul3A_110 = arith.muli %scan3A_103, %mul3A_109 : i32
        %add3A_111 = arith.constant 0 : i32
        %add3A_112 = arith.addi %mul3A_110, %add3A_111 : i32
        %get3A_113 = arith.index_cast %add3A_112 : i32 to index
        %get3A_114 = arith.constant 0 : index
        %get3A_115 = tpu.vector_load %arg16[%get3A_113, %get3A_114] {strides = array<i32>} : memref<1024x16xf32, #tpu.memory_space<vmem>>, vector<1x16xf32>,
        %get3A_116 = vector.shape_cast %get3A_115 : vector<1x16xf32> to vector<16xf32>
        %mul3A_117 = arith.mulf %get3A_116, %broadcast_in_dim3A_108 : vector<16xf32>
        %swap3A = arith.index_cast %add3A_112 : i32 to index
        %swap3A_118 = arith.constant 0 : index
        %swap3A_119 = tpu.vector_load %arg16[%swap3A, %swap3A_118] {strides = array<i32>} : memref<1024x16xf32, #tpu.memory_space<vmem>>, vector<1x16xf32>,
        %swap3A_120 = vector.shape_cast %swap3A_119 : vector<1x16xf32> to vector<16xf32>
        %swap3A_121 = vector.shape_cast %mul3A_117 : vector<16xf32> to vector<1x16xf32>
        tpu.vector_store %arg16[%swap3A, %swap3A_118], %swap3A_121 {strides = array<i32>} : memref<1024x16xf32, #tpu.memory_space<vmem>>, vector<1x16xf32>,
        %slice3A_122 = vector.extract_strided_slice %get3A_107 {offsets = [1], sizes = [1], strides = [1]} : vector<16xf32> to vector<1xf32>
        %broadcast_in_dim3A_123 = vector.shape_cast %slice3A_122 : vector<1xf32> to vector<1xf32>
        %broadcast_in_dim3A_124 = vector.broadcast %broadcast_in_dim3A_123 : vector<1xf32> to vector<16xf32>
        %mul3A_125 = arith.constant 16 : i32
        %mul3A_126 = arith.muli %scan3A_103, %mul3A_125 : i32
        %add3A_127 = arith.constant 1 : i32
        %add3A_128 = arith.addi %mul3A_126, %add3A_127 : i32
        %get3A_129 = arith.index_cast %add3A_128 : i32 to index
        %get3A_130 = arith.constant 0 : index
        %get3A_131 = tpu.vector_load %arg16[%get3A_129, %get3A_130] {strides = array<i32>} : memref<1024x16xf32, #tpu.memory_space<vmem>>, vector<1x16xf32>,
        %get3A_132 = vector.shape_cast %get3A_131 : vector<1x16xf32> to vector<16xf32>
        %mul3A_133 = arith.mulf %get3A_132, %broadcast_in_dim3A_124 : vector<16xf32>
        %swap3A_134 = arith.index_cast %add3A_128 : i32 to index
        %swap3A_135 = arith.constant 0 : index
        %swap3A_136 = tpu.vector_load %arg16[%swap3A_134, %swap3A_135] {strides = array<i32>} : memref<1024x16xf32, #tpu.memory_space<vmem>>, vector<1x16xf32>,
        %swap3A_137 = vector.shape_cast %swap3A_136 : vector<1x16xf32> to vector<16xf32>
        %swap3A_138 = vector.shape_cast %mul3A_133 : vector<16xf32> to vector<1x16xf32>
        tpu.vector_store %arg16[%swap3A_134, %swap3A_135], %swap3A_138 {strides = array<i32>} : memref<1024x16xf32, #tpu.memory_space<vmem>>, vector<1x16xf32>,
        %slice3A_139 = vector.extract_strided_slice %get3A_107 {offsets = [2], sizes = [1], strides = [1]} : vector<16xf32> to vector<1xf32>
        %broadcast_in_dim3A_140 = vector.shape_cast %slice3A_139 : vector<1xf32> to vector<1xf32>
        %broadcast_in_dim3A_141 = vector.broadcast %broadcast_in_dim3A_140 : vector<1xf32> to vector<16xf32>
        %mul3A_142 = arith.constant 16 : i32
        %mul3A_143 = arith.muli %scan3A_103, %mul3A_142 : i32
        %add3A_144 = arith.constant 2 : i32
        %add3A_145 = arith.addi %mul3A_143, %add3A_144 : i32
        %get3A_146 = arith.index_cast %add3A_145 : i32 to index
        %get3A_147 = arith.constant 0 : index
        %get3A_148 = tpu.vector_load %arg16[%get3A_146, %get3A_147] {strides = array<i32>} : memref<1024x16xf32, #tpu.memory_space<vmem>>, vector<1x16xf32>,
        %get3A_149 = vector.shape_cast %get3A_148 : vector<1x16xf32> to vector<16xf32>
        %mul3A_150 = arith.mulf %get3A_149, %broadcast_in_dim3A_141 : vector<16xf32>
        %swap3A_151 = arith.index_cast %add3A_145 : i32 to index
        %swap3A_152 = arith.constant 0 : index
        %swap3A_153 = tpu.vector_load %arg16[%swap3A_151, %swap3A_152] {strides = array<i32>} : memref<1024x16xf32, #tpu.memory_space<vmem>>, vector<1x16xf32>,
        %swap3A_154 = vector.shape_cast %swap3A_153 : vector<1x16xf32> to vector<16xf32>
        %swap3A_155 = vector.shape_cast %mul3A_150 : vector<16xf32> to vector<1x16xf32>
        tpu.vector_store %arg16[%swap3A_151, %swap3A_152], %swap3A_155 {strides = array<i32>} : memref<1024x16xf32, #tpu.memory_space<vmem>>, vector<1x16xf32>,
        %slice3A_156 = vector.extract_strided_slice %get3A_107 {offsets = [3], sizes = [1], strides = [1]} : vector<16xf32> to vector<1xf32>
        %broadcast_in_dim3A_157 = vector.shape_cast %slice3A_156 : vector<1xf32> to vector<1xf32>
        %broadcast_in_dim3A_158 = vector.broadcast %broadcast_in_dim3A_157 : vector<1xf32> to vector<16xf32>
        %mul3A_159 = arith.constant 16 : i32
        %mul3A_160 = arith.muli %scan3A_103, %mul3A_159 : i32
        %add3A_161 = arith.constant 3 : i32
        %add3A_162 = arith.addi %mul3A_160, %add3A_161 : i32
        %get3A_163 = arith.index_cast %add3A_162 : i32 to index
        %get3A_164 = arith.constant 0 : index
        %get3A_165 = tpu.vector_load %arg16[%get3A_163, %get3A_164] {strides = array<i32>} : memref<1024x16xf32, #tpu.memory_space<vmem>>, vector<1x16xf32>,
        %get3A_166 = vector.shape_cast %get3A_165 : vector<1x16xf32> to vector<16xf32>
        %mul3A_167 = arith.mulf %get3A_166, %broadcast_in_dim3A_158 : vector<16xf32>
        %swap3A_168 = arith.index_cast %add3A_162 : i32 to index
        %swap3A_169 = arith.constant 0 : index
        %swap3A_170 = tpu.vector_load %arg16[%swap3A_168, %swap3A_169] {strides = array<i32>} : memref<1024x16xf32, #tpu.memory_space<vmem>>, vector<1x16xf32>,
        %swap3A_171 = vector.shape_cast %swap3A_170 : vector<1x16xf32> to vector<16xf32>
        %swap3A_172 = vector.shape_cast %mul3A_167 : vector<16xf32> to vector<1x16xf32>
        tpu.vector_store %arg16[%swap3A_168, %swap3A_169], %swap3A_172 {strides = array<i32>} : memref<1024x16xf32, #tpu.memory_space<vmem>>, vector<1x16xf32>,
        %slice3A_173 = vector.extract_strided_slice %get3A_107 {offsets = [4], sizes = [1], strides = [1]} : vector<16xf32> to vector<1xf32>
        %broadcast_in_dim3A_174 = vector.shape_cast %slice3A_173 : vector<1xf32> to vector<1xf32>
        %broadcast_in_dim3A_175 = vector.broadcast %broadcast_in_dim3A_174 : vector<1xf32> to vector<16xf32>
        %mul3A_176 = arith.constant 16 : i32
        %mul3A_177 = arith.muli %scan3A_103, %mul3A_176 : i32
        %add3A_178 = arith.constant 4 : i32
        %add3A_179 = arith.addi %mul3A_177, %add3A_178 : i32
        %get3A_180 = arith.index_cast %add3A_179 : i32 to index
        %get3A_181 = arith.constant 0 : index
        %get3A_182 = tpu.vector_load %arg16[%get3A_180, %get3A_181] {strides = array<i32>} : memref<1024x16xf32, #tpu.memory_space<vmem>>, vector<1x16xf32>,
        %get3A_183 = vector.shape_cast %get3A_182 : vector<1x16xf32> to vector<16xf32>
        %mul3A_184 = arith.mulf %get3A_183, %broadcast_in_dim3A_175 : vector<16xf32>
        %swap3A_185 = arith.index_cast %add3A_179 : i32 to index
        %swap3A_186 = arith.constant 0 : index
        %swap3A_187 = tpu.vector_load %arg16[%swap3A_185, %swap3A_186] {strides = array<i32>} : memref<1024x16xf32, #tpu.memory_space<vmem>>, vector<1x16xf32>,
        %swap3A_188 = vector.shape_cast %swap3A_187 : vector<1x16xf32> to vector<16xf32>
        %swap3A_189 = vector.shape_cast %mul3A_184 : vector<16xf32> to vector<1x16xf32>
        tpu.vector_store %arg16[%swap3A_185, %swap3A_186], %swap3A_189 {strides = array<i32>} : memref<1024x16xf32, #tpu.memory_space<vmem>>, vector<1x16xf32>,
        %slice3A_190 = vector.extract_strided_slice %get3A_107 {offsets = [5], sizes = [1], strides = [1]} : vector<16xf32> to vector<1xf32>
        %broadcast_in_dim3A_191 = vector.shape_cast %slice3A_190 : vector<1xf32> to vector<1xf32>
        %broadcast_in_dim3A_192 = vector.broadcast %broadcast_in_dim3A_191 : vector<1xf32> to vector<16xf32>
        %mul3A_193 = arith.constant 16 : i32
        %mul3A_194 = arith.muli %scan3A_103, %mul3A_193 : i32
        %add3A_195 = arith.constant 5 : i32
        %add3A_196 = arith.addi %mul3A_194, %add3A_195 : i32
        %get3A_197 = arith.index_cast %add3A_196 : i32 to index
        %get3A_198 = arith.constant 0 : index
        %get3A_199 = tpu.vector_load %arg16[%get3A_197, %get3A_198] {strides = array<i32>} : memref<1024x16xf32, #tpu.memory_space<vmem>>, vector<1x16xf32>,
        %get3A_200 = vector.shape_cast %get3A_199 : vector<1x16xf32> to vector<16xf32>
        %mul3A_201 = arith.mulf %get3A_200, %broadcast_in_dim3A_192 : vector<16xf32>
        %swap3A_202 = arith.index_cast %add3A_196 : i32 to index
        %swap3A_203 = arith.constant 0 : index
        %swap3A_204 = tpu.vector_load %arg16[%swap3A_202, %swap3A_203] {strides = array<i32>} : memref<1024x16xf32, #tpu.memory_space<vmem>>, vector<1x16xf32>,
        %swap3A_205 = vector.shape_cast %swap3A_204 : vector<1x16xf32> to vector<16xf32>
        %swap3A_206 = vector.shape_cast %mul3A_201 : vector<16xf32> to vector<1x16xf32>
        tpu.vector_store %arg16[%swap3A_202, %swap3A_203], %swap3A_206 {strides = array<i32>} : memref<1024x16xf32, #tpu.memory_space<vmem>>, vector<1x16xf32>,
        %slice3A_207 = vector.extract_strided_slice %get3A_107 {offsets = [6], sizes = [1], strides = [1]} : vector<16xf32> to vector<1xf32>
        %broadcast_in_dim3A_208 = vector.shape_cast %slice3A_207 : vector<1xf32> to vector<1xf32>
        %broadcast_in_dim3A_209 = vector.broadcast %broadcast_in_dim3A_208 : vector<1xf32> to vector<16xf32>
        %mul3A_210 = arith.constant 16 : i32
        %mul3A_211 = arith.muli %scan3A_103, %mul3A_210 : i32
        %add3A_212 = arith.constant 6 : i32
        %add3A_213 = arith.addi %mul3A_211, %add3A_212 : i32
        %get3A_214 = arith.index_cast %add3A_213 : i32 to index
        %get3A_215 = arith.constant 0 : index
        %get3A_216 = tpu.vector_load %arg16[%get3A_214, %get3A_215] {strides = array<i32>} : memref<1024x16xf32, #tpu.memory_space<vmem>>, vector<1x16xf32>,
        %get3A_217 = vector.shape_cast %get3A_216 : vector<1x16xf32> to vector<16xf32>
        %mul3A_218 = arith.mulf %get3A_217, %broadcast_in_dim3A_209 : vector<16xf32>
        %swap3A_219 = arith.index_cast %add3A_213 : i32 to index
        %swap3A_220 = arith.constant 0 : index
        %swap3A_221 = tpu.vector_load %arg16[%swap3A_219, %swap3A_220] {strides = array<i32>} : memref<1024x16xf32, #tpu.memory_space<vmem>>, vector<1x16xf32>,
        %swap3A_222 = vector.shape_cast %swap3A_221 : vector<1x16xf32> to vector<16xf32>
        %swap3A_223 = vector.shape_cast %mul3A_218 : vector<16xf32> to vector<1x16xf32>
        tpu.vector_store %arg16[%swap3A_219, %swap3A_220], %swap3A_223 {strides = array<i32>} : memref<1024x16xf32, #tpu.memory_space<vmem>>, vector<1x16xf32>,
        %slice3A_224 = vector.extract_strided_slice %get3A_107 {offsets = [7], sizes = [1], strides = [1]} : vector<16xf32> to vector<1xf32>
        %broadcast_in_dim3A_225 = vector.shape_cast %slice3A_224 : vector<1xf32> to vector<1xf32>
        %broadcast_in_dim3A_226 = vector.broadcast %broadcast_in_dim3A_225 : vector<1xf32> to vector<16xf32>
        %mul3A_227 = arith.constant 16 : i32
        %mul3A_228 = arith.muli %scan3A_103, %mul3A_227 : i32
        %add3A_229 = arith.constant 7 : i32
        %add3A_230 = arith.addi %mul3A_228, %add3A_229 : i32
        %get3A_231 = arith.index_cast %add3A_230 : i32 to index
        %get3A_232 = arith.constant 0 : index
        %get3A_233 = tpu.vector_load %arg16[%get3A_231, %get3A_232] {strides = array<i32>} : memref<1024x16xf32, #tpu.memory_space<vmem>>, vector<1x16xf32>,
        %get3A_234 = vector.shape_cast %get3A_233 : vector<1x16xf32> to vector<16xf32>
        %mul3A_235 = arith.mulf %get3A_234, %broadcast_in_dim3A_226 : vector<16xf32>
        %swap3A_236 = arith.index_cast %add3A_230 : i32 to index
        %swap3A_237 = arith.constant 0 : index
        %swap3A_238 = tpu.vector_load %arg16[%swap3A_236, %swap3A_237] {strides = array<i32>} : memref<1024x16xf32, #tpu.memory_space<vmem>>, vector<1x16xf32>,
        %swap3A_239 = vector.shape_cast %swap3A_238 : vector<1x16xf32> to vector<16xf32>
        %swap3A_240 = vector.shape_cast %mul3A_235 : vector<16xf32> to vector<1x16xf32>
        tpu.vector_store %arg16[%swap3A_236, %swap3A_237], %swap3A_240 {strides = array<i32>} : memref<1024x16xf32, #tpu.memory_space<vmem>>, vector<1x16xf32>,
        %slice3A_241 = vector.extract_strided_slice %get3A_107 {offsets = [8], sizes = [1], strides = [1]} : vector<16xf32> to vector<1xf32>
        %broadcast_in_dim3A_242 = vector.shape_cast %slice3A_241 : vector<1xf32> to vector<1xf32>
        %broadcast_in_dim3A_243 = vector.broadcast %broadcast_in_dim3A_242 : vector<1xf32> to vector<16xf32>
        %mul3A_244 = arith.constant 16 : i32
        %mul3A_245 = arith.muli %scan3A_103, %mul3A_244 : i32
        %add3A_246 = arith.constant 8 : i32
        %add3A_247 = arith.addi %mul3A_245, %add3A_246 : i32
        %get3A_248 = arith.index_cast %add3A_247 : i32 to index
        %get3A_249 = arith.constant 0 : index
        %get3A_250 = tpu.vector_load %arg16[%get3A_248, %get3A_249] {strides = array<i32>} : memref<1024x16xf32, #tpu.memory_space<vmem>>, vector<1x16xf32>,
        %get3A_251 = vector.shape_cast %get3A_250 : vector<1x16xf32> to vector<16xf32>
        %mul3A_252 = arith.mulf %get3A_251, %broadcast_in_dim3A_243 : vector<16xf32>
        %swap3A_253 = arith.index_cast %add3A_247 : i32 to index
        %swap3A_254 = arith.constant 0 : index
        %swap3A_255 = tpu.vector_load %arg16[%swap3A_253, %swap3A_254] {strides = array<i32>} : memref<1024x16xf32, #tpu.memory_space<vmem>>, vector<1x16xf32>,
        %swap3A_256 = vector.shape_cast %swap3A_255 : vector<1x16xf32> to vector<16xf32>
        %swap3A_257 = vector.shape_cast %mul3A_252 : vector<16xf32> to vector<1x16xf32>
        tpu.vector_store %arg16[%swap3A_253, %swap3A_254], %swap3A_257 {strides = array<i32>} : memref<1024x16xf32, #tpu.memory_space<vmem>>, vector<1x16xf32>,
        %slice3A_258 = vector.extract_strided_slice %get3A_107 {offsets = [9], sizes = [1], strides = [1]} : vector<16xf32> to vector<1xf32>
        %broadcast_in_dim3A_259 = vector.shape_cast %slice3A_258 : vector<1xf32> to vector<1xf32>
        %broadcast_in_dim3A_260 = vector.broadcast %broadcast_in_dim3A_259 : vector<1xf32> to vector<16xf32>
        %mul3A_261 = arith.constant 16 : i32
        %mul3A_262 = arith.muli %scan3A_103, %mul3A_261 : i32
        %add3A_263 = arith.constant 9 : i32
        %add3A_264 = arith.addi %mul3A_262, %add3A_263 : i32
        %get3A_265 = arith.index_cast %add3A_264 : i32 to index
        %get3A_266 = arith.constant 0 : index
        %get3A_267 = tpu.vector_load %arg16[%get3A_265, %get3A_266] {strides = array<i32>} : memref<1024x16xf32, #tpu.memory_space<vmem>>, vector<1x16xf32>,
        %get3A_268 = vector.shape_cast %get3A_267 : vector<1x16xf32> to vector<16xf32>
        %mul3A_269 = arith.mulf %get3A_268, %broadcast_in_dim3A_260 : vector<16xf32>
        %swap3A_270 = arith.index_cast %add3A_264 : i32 to index
        %swap3A_271 = arith.constant 0 : index
        %swap3A_272 = tpu.vector_load %arg16[%swap3A_270, %swap3A_271] {strides = array<i32>} : memref<1024x16xf32, #tpu.memory_space<vmem>>, vector<1x16xf32>,
        %swap3A_273 = vector.shape_cast %swap3A_272 : vector<1x16xf32> to vector<16xf32>
        %swap3A_274 = vector.shape_cast %mul3A_269 : vector<16xf32> to vector<1x16xf32>
        tpu.vector_store %arg16[%swap3A_270, %swap3A_271], %swap3A_274 {strides = array<i32>} : memref<1024x16xf32, #tpu.memory_space<vmem>>, vector<1x16xf32>,
        %slice3A_275 = vector.extract_strided_slice %get3A_107 {offsets = [10], sizes = [1], strides = [1]} : vector<16xf32> to vector<1xf32>
        %broadcast_in_dim3A_276 = vector.shape_cast %slice3A_275 : vector<1xf32> to vector<1xf32>
        %broadcast_in_dim3A_277 = vector.broadcast %broadcast_in_dim3A_276 : vector<1xf32> to vector<16xf32>
        %mul3A_278 = arith.constant 16 : i32
        %mul3A_279 = arith.muli %scan3A_103, %mul3A_278 : i32
        %add3A_280 = arith.constant 10 : i32
        %add3A_281 = arith.addi %mul3A_279, %add3A_280 : i32
        %get3A_282 = arith.index_cast %add3A_281 : i32 to index
        %get3A_283 = arith.constant 0 : index
        %get3A_284 = tpu.vector_load %arg16[%get3A_282, %get3A_283] {strides = array<i32>} : memref<1024x16xf32, #tpu.memory_space<vmem>>, vector<1x16xf32>,
        %get3A_285 = vector.shape_cast %get3A_284 : vector<1x16xf32> to vector<16xf32>
        %mul3A_286 = arith.mulf %get3A_285, %broadcast_in_dim3A_277 : vector<16xf32>
        %swap3A_287 = arith.index_cast %add3A_281 : i32 to index
        %swap3A_288 = arith.constant 0 : index
        %swap3A_289 = tpu.vector_load %arg16[%swap3A_287, %swap3A_288] {strides = array<i32>} : memref<1024x16xf32, #tpu.memory_space<vmem>>, vector<1x16xf32>,
        %swap3A_290 = vector.shape_cast %swap3A_289 : vector<1x16xf32> to vector<16xf32>
        %swap3A_291 = vector.shape_cast %mul3A_286 : vector<16xf32> to vector<1x16xf32>
        tpu.vector_store %arg16[%swap3A_287, %swap3A_288], %swap3A_291 {strides = array<i32>} : memref<1024x16xf32, #tpu.memory_space<vmem>>, vector<1x16xf32>,
        %slice3A_292 = vector.extract_strided_slice %get3A_107 {offsets = [11], sizes = [1], strides = [1]} : vector<16xf32> to vector<1xf32>
        %broadcast_in_dim3A_293 = vector.shape_cast %slice3A_292 : vector<1xf32> to vector<1xf32>
        %broadcast_in_dim3A_294 = vector.broadcast %broadcast_in_dim3A_293 : vector<1xf32> to vector<16xf32>
        %mul3A_295 = arith.constant 16 : i32
        %mul3A_296 = arith.muli %scan3A_103, %mul3A_295 : i32
        %add3A_297 = arith.constant 11 : i32
        %add3A_298 = arith.addi %mul3A_296, %add3A_297 : i32
        %get3A_299 = arith.index_cast %add3A_298 : i32 to index
        %get3A_300 = arith.constant 0 : index
        %get3A_301 = tpu.vector_load %arg16[%get3A_299, %get3A_300] {strides = array<i32>} : memref<1024x16xf32, #tpu.memory_space<vmem>>, vector<1x16xf32>,
        %get3A_302 = vector.shape_cast %get3A_301 : vector<1x16xf32> to vector<16xf32>
        %mul3A_303 = arith.mulf %get3A_302, %broadcast_in_dim3A_294 : vector<16xf32>
        %swap3A_304 = arith.index_cast %add3A_298 : i32 to index
        %swap3A_305 = arith.constant 0 : index
        %swap3A_306 = tpu.vector_load %arg16[%swap3A_304, %swap3A_305] {strides = array<i32>} : memref<1024x16xf32, #tpu.memory_space<vmem>>, vector<1x16xf32>,
        %swap3A_307 = vector.shape_cast %swap3A_306 : vector<1x16xf32> to vector<16xf32>
        %swap3A_308 = vector.shape_cast %mul3A_303 : vector<16xf32> to vector<1x16xf32>
        tpu.vector_store %arg16[%swap3A_304, %swap3A_305], %swap3A_308 {strides = array<i32>} : memref<1024x16xf32, #tpu.memory_space<vmem>>, vector<1x16xf32>,
        %slice3A_309 = vector.extract_strided_slice %get3A_107 {offsets = [12], sizes = [1], strides = [1]} : vector<16xf32> to vector<1xf32>
        %broadcast_in_dim3A_310 = vector.shape_cast %slice3A_309 : vector<1xf32> to vector<1xf32>
        %broadcast_in_dim3A_311 = vector.broadcast %broadcast_in_dim3A_310 : vector<1xf32> to vector<16xf32>
        %mul3A_312 = arith.constant 16 : i32
        %mul3A_313 = arith.muli %scan3A_103, %mul3A_312 : i32
        %add3A_314 = arith.constant 12 : i32
        %add3A_315 = arith.addi %mul3A_313, %add3A_314 : i32
        %get3A_316 = arith.index_cast %add3A_315 : i32 to index
        %get3A_317 = arith.constant 0 : index
        %get3A_318 = tpu.vector_load %arg16[%get3A_316, %get3A_317] {strides = array<i32>} : memref<1024x16xf32, #tpu.memory_space<vmem>>, vector<1x16xf32>,
        %get3A_319 = vector.shape_cast %get3A_318 : vector<1x16xf32> to vector<16xf32>
        %mul3A_320 = arith.mulf %get3A_319, %broadcast_in_dim3A_311 : vector<16xf32>
        %swap3A_321 = arith.index_cast %add3A_315 : i32 to index
        %swap3A_322 = arith.constant 0 : index
        %swap3A_323 = tpu.vector_load %arg16[%swap3A_321, %swap3A_322] {strides = array<i32>} : memref<1024x16xf32, #tpu.memory_space<vmem>>, vector<1x16xf32>,
        %swap3A_324 = vector.shape_cast %swap3A_323 : vector<1x16xf32> to vector<16xf32>
        %swap3A_325 = vector.shape_cast %mul3A_320 : vector<16xf32> to vector<1x16xf32>
        tpu.vector_store %arg16[%swap3A_321, %swap3A_322], %swap3A_325 {strides = array<i32>} : memref<1024x16xf32, #tpu.memory_space<vmem>>, vector<1x16xf32>,
        %slice3A_326 = vector.extract_strided_slice %get3A_107 {offsets = [13], sizes = [1], strides = [1]} : vector<16xf32> to vector<1xf32>
        %broadcast_in_dim3A_327 = vector.shape_cast %slice3A_326 : vector<1xf32> to vector<1xf32>
        %broadcast_in_dim3A_328 = vector.broadcast %broadcast_in_dim3A_327 : vector<1xf32> to vector<16xf32>
        %mul3A_329 = arith.constant 16 : i32
        %mul3A_330 = arith.muli %scan3A_103, %mul3A_329 : i32
        %add3A_331 = arith.constant 13 : i32
        %add3A_332 = arith.addi %mul3A_330, %add3A_331 : i32
        %get3A_333 = arith.index_cast %add3A_332 : i32 to index
        %get3A_334 = arith.constant 0 : index
        %get3A_335 = tpu.vector_load %arg16[%get3A_333, %get3A_334] {strides = array<i32>} : memref<1024x16xf32, #tpu.memory_space<vmem>>, vector<1x16xf32>,
        %get3A_336 = vector.shape_cast %get3A_335 : vector<1x16xf32> to vector<16xf32>
        %mul3A_337 = arith.mulf %get3A_336, %broadcast_in_dim3A_328 : vector<16xf32>
        %swap3A_338 = arith.index_cast %add3A_332 : i32 to index
        %swap3A_339 = arith.constant 0 : index
        %swap3A_340 = tpu.vector_load %arg16[%swap3A_338, %swap3A_339] {strides = array<i32>} : memref<1024x16xf32, #tpu.memory_space<vmem>>, vector<1x16xf32>,
        %swap3A_341 = vector.shape_cast %swap3A_340 : vector<1x16xf32> to vector<16xf32>
        %swap3A_342 = vector.shape_cast %mul3A_337 : vector<16xf32> to vector<1x16xf32>
        tpu.vector_store %arg16[%swap3A_338, %swap3A_339], %swap3A_342 {strides = array<i32>} : memref<1024x16xf32, #tpu.memory_space<vmem>>, vector<1x16xf32>,
        %slice3A_343 = vector.extract_strided_slice %get3A_107 {offsets = [14], sizes = [1], strides = [1]} : vector<16xf32> to vector<1xf32>
        %broadcast_in_dim3A_344 = vector.shape_cast %slice3A_343 : vector<1xf32> to vector<1xf32>
        %broadcast_in_dim3A_345 = vector.broadcast %broadcast_in_dim3A_344 : vector<1xf32> to vector<16xf32>
        %mul3A_346 = arith.constant 16 : i32
        %mul3A_347 = arith.muli %scan3A_103, %mul3A_346 : i32
        %add3A_348 = arith.constant 14 : i32
        %add3A_349 = arith.addi %mul3A_347, %add3A_348 : i32
        %get3A_350 = arith.index_cast %add3A_349 : i32 to index
        %get3A_351 = arith.constant 0 : index
        %get3A_352 = tpu.vector_load %arg16[%get3A_350, %get3A_351] {strides = array<i32>} : memref<1024x16xf32, #tpu.memory_space<vmem>>, vector<1x16xf32>,
        %get3A_353 = vector.shape_cast %get3A_352 : vector<1x16xf32> to vector<16xf32>
        %mul3A_354 = arith.mulf %get3A_353, %broadcast_in_dim3A_345 : vector<16xf32>
        %swap3A_355 = arith.index_cast %add3A_349 : i32 to index
        %swap3A_356 = arith.constant 0 : index
        %swap3A_357 = tpu.vector_load %arg16[%swap3A_355, %swap3A_356] {strides = array<i32>} : memref<1024x16xf32, #tpu.memory_space<vmem>>, vector<1x16xf32>,
        %swap3A_358 = vector.shape_cast %swap3A_357 : vector<1x16xf32> to vector<16xf32>
        %swap3A_359 = vector.shape_cast %mul3A_354 : vector<16xf32> to vector<1x16xf32>
        tpu.vector_store %arg16[%swap3A_355, %swap3A_356], %swap3A_359 {strides = array<i32>} : memref<1024x16xf32, #tpu.memory_space<vmem>>, vector<1x16xf32>,
        %slice3A_360 = vector.extract_strided_slice %get3A_107 {offsets = [15], sizes = [1], strides = [1]} : vector<16xf32> to vector<1xf32>
        %broadcast_in_dim3A_361 = vector.shape_cast %slice3A_360 : vector<1xf32> to vector<1xf32>
        %broadcast_in_dim3A_362 = vector.broadcast %broadcast_in_dim3A_361 : vector<1xf32> to vector<16xf32>
        %mul3A_363 = arith.constant 16 : i32
        %mul3A_364 = arith.muli %scan3A_103, %mul3A_363 : i32
        %add3A_365 = arith.constant 15 : i32
        %add3A_366 = arith.addi %mul3A_364, %add3A_365 : i32
        %get3A_367 = arith.index_cast %add3A_366 : i32 to index
        %get3A_368 = arith.constant 0 : index
        %get3A_369 = tpu.vector_load %arg16[%get3A_367, %get3A_368] {strides = array<i32>} : memref<1024x16xf32, #tpu.memory_space<vmem>>, vector<1x16xf32>,
        %get3A_370 = vector.shape_cast %get3A_369 : vector<1x16xf32> to vector<16xf32>
        %mul3A_371 = arith.mulf %get3A_370, %broadcast_in_dim3A_362 : vector<16xf32>
        %swap3A_372 = arith.index_cast %add3A_366 : i32 to index
        %swap3A_373 = arith.constant 0 : index
        %swap3A_374 = tpu.vector_load %arg16[%swap3A_372, %swap3A_373] {strides = array<i32>} : memref<1024x16xf32, #tpu.memory_space<vmem>>, vector<1x16xf32>,
        %swap3A_375 = vector.shape_cast %swap3A_374 : vector<1x16xf32> to vector<16xf32>
        %swap3A_376 = vector.shape_cast %mul3A_371 : vector<16xf32> to vector<1x16xf32>
        tpu.vector_store %arg16[%swap3A_372, %swap3A_373], %swap3A_376 {strides = array<i32>} : memref<1024x16xf32, #tpu.memory_space<vmem>>, vector<1x16xf32>,
      }
      %scan3A_102 = arith.constant 64 : i32
      "tpu.region"() ({
        %run_scoped3A_103 = tpu.sem_alloc : memref<!tpu.dma_semaphore, #tpu.memory_space<semaphore_mem>>
        %dma_start3A = arith.constant 0 : i32
        %dma_start3A_104 = arith.constant 0 : i32
        %dma_start3A_105 = tpu.memref_slice %arg17[%dma_start3A, %dma_start3A_104] : memref<100352x16xf32, #tpu.memory_space<vmem_shared>> -> memref<100352x16xf32, #tpu.memory_space<vmem_shared>>
        tpu.enqueue_indirect_dma source(%arg16 : memref<1024x16xf32, #tpu.memory_space<vmem>>) target(%dma_start3A_105 : memref<100352x16xf32, #tpu.memory_space<vmem_shared>>) offsets(%arg14 : memref<1024xi32, #tpu.memory_space<vmem>>) semaphore(%run_scoped3A_103 : memref<!tpu.dma_semaphore, #tpu.memory_space<semaphore_mem>>) {add = true}
        %dma_wait3A = arith.constant 0 : i32
        %dma_wait3A_106 = arith.constant 0 : i32
        %dma_wait3A_107 = tpu.memref_slice %arg17[%dma_wait3A, %dma_wait3A_106] : memref<100352x16xf32, #tpu.memory_space<vmem_shared>> -> memref<100352x16xf32, #tpu.memory_space<vmem_shared>>
        tpu.wait_indirect_dma semaphore(%run_scoped3A_103 : memref<!tpu.dma_semaphore, #tpu.memory_space<semaphore_mem>>) src(%arg16 : memref<1024x16xf32, #tpu.memory_space<vmem>>) dst(%dma_wait3A_107 : memref<100352x16xf32, #tpu.memory_space<vmem_shared>>)
        tpu.yield
      }) : () -> ()
    }
    %scan3A_7 = arith.constant 202 : i32
    %barrier3A_8 = arith.constant 0 : index
    tpu.barrier barrier_id(%barrier3A_8)
    %eq3A = arith.constant 0 : i32
    %eq3A_9 = arith.cmpi eq, %arg0, %eq3A : i32
    %convert_element_type3A = arith.extui %eq3A_9 : i1 to i32
    %cond3A = arith.constant 0 : i32
    %cond3A_10 = arith.cmpi ne, %convert_element_type3A, %cond3A : i32
    scf.if %cond3A_10 {
      %mul3A_82 = arith.constant 6272 : i32
      %mul3A_83 = arith.muli %arg1, %mul3A_82 : i32
      %mul3A_84 = arith.constant 6272 : i32
      %mul3A_85 = arith.muli %arg1, %mul3A_84 : i32
      "tpu.region"() ({
        %run_scoped3A = tpu.sem_alloc : memref<!tpu.dma_semaphore, #tpu.memory_space<semaphore_mem>>
        %dma_start3A = arith.constant 0 : i32
        %dma_start3A_86 = tpu.memref_slice %arg6[%mul3A_85, %dma_start3A] : memref<100352x16xf32, #tpu.memory_space<hbm>> -> memref<6272x16xf32, #tpu.memory_space<hbm>>
        %dma_start3A_87 = arith.constant 0 : i32
        %dma_start3A_88 = tpu.memref_slice %arg17[%mul3A_83, %dma_start3A_87] : memref<100352x16xf32, #tpu.memory_space<vmem_shared>> -> memref<6272x16xf32, #tpu.memory_space<vmem_shared>>
        tpu.enqueue_dma source(%dma_start3A_88 : memref<6272x16xf32, #tpu.memory_space<vmem_shared>>) target(%dma_start3A_86 : memref<6272x16xf32, #tpu.memory_space<hbm>>) target_semaphore(%run_scoped3A : memref<!tpu.dma_semaphore, #tpu.memory_space<semaphore_mem>>)
        %dma_wait3A = arith.constant 0 : i32
        %dma_wait3A_89 = tpu.memref_slice %arg6[%mul3A_85, %dma_wait3A] : memref<100352x16xf32, #tpu.memory_space<hbm>> -> memref<6272x16xf32, #tpu.memory_space<hbm>>
        %dma_wait3A_90 = arith.constant 0 : i32
        %dma_wait3A_91 = tpu.memref_slice %arg17[%mul3A_83, %dma_wait3A_90] : memref<100352x16xf32, #tpu.memory_space<vmem_shared>> -> memref<6272x16xf32, #tpu.memory_space<vmem_shared>>
        tpu.wait_dma2 semaphore(%run_scoped3A : memref<!tpu.dma_semaphore, #tpu.memory_space<semaphore_mem>>) src(%dma_wait3A_91 : memref<6272x16xf32, #tpu.memory_space<vmem_shared>>) dst(%dma_wait3A_89 : memref<6272x16xf32, #tpu.memory_space<hbm>>)
        tpu.yield
      }) : () -> ()
    } else {
    }
    %eq3A_11 = arith.constant 1 : i32
    %eq3A_12 = arith.cmpi eq, %arg0, %eq3A_11 : i32
    %convert_element_type3A_13 = arith.extui %eq3A_12 : i1 to i32
    %cond3A_14 = arith.constant 0 : i32
    %cond3A_15 = arith.cmpi ne, %convert_element_type3A_13, %cond3A_14 : i32
    scf.if %cond3A_15 {
      %mul3A_82 = arith.constant 6272 : i32
      %mul3A_83 = arith.muli %arg1, %mul3A_82 : i32
      %mul3A_84 = arith.constant 6272 : i32
      %mul3A_85 = arith.muli %arg1, %mul3A_84 : i32
      "tpu.region"() ({
        %run_scoped3A = tpu.sem_alloc : memref<!tpu.dma_semaphore, #tpu.memory_space<semaphore_mem>>
        %dma_start3A = arith.constant 0 : i32
        %dma_start3A_86 = tpu.memref_slice %arg7[%mul3A_85, %dma_start3A] : memref<100352x16xf32, #tpu.memory_space<hbm>> -> memref<6272x16xf32, #tpu.memory_space<hbm>>
        %dma_start3A_87 = arith.constant 0 : i32
        %dma_start3A_88 = tpu.memref_slice %arg17[%mul3A_83, %dma_start3A_87] : memref<100352x16xf32, #tpu.memory_space<vmem_shared>> -> memref<6272x16xf32, #tpu.memory_space<vmem_shared>>
        tpu.enqueue_dma source(%dma_start3A_88 : memref<6272x16xf32, #tpu.memory_space<vmem_shared>>) target(%dma_start3A_86 : memref<6272x16xf32, #tpu.memory_space<hbm>>) target_semaphore(%run_scoped3A : memref<!tpu.dma_semaphore, #tpu.memory_space<semaphore_mem>>)
        %dma_wait3A = arith.constant 0 : i32
        %dma_wait3A_89 = tpu.memref_slice %arg7[%mul3A_85, %dma_wait3A] : memref<100352x16xf32, #tpu.memory_space<hbm>> -> memref<6272x16xf32, #tpu.memory_space<hbm>>
        %dma_wait3A_90 = arith.constant 0 : i32
        %dma_wait3A_91 = tpu.memref_slice %arg17[%mul3A_83, %dma_wait3A_90] : memref<100352x16xf32, #tpu.memory_space<vmem_shared>> -> memref<6272x16xf32, #tpu.memory_space<vmem_shared>>
        tpu.wait_dma2 semaphore(%run_scoped3A : memref<!tpu.dma_semaphore, #tpu.memory_space<semaphore_mem>>) src(%dma_wait3A_91 : memref<6272x16xf32, #tpu.memory_space<vmem_shared>>) dst(%dma_wait3A_89 : memref<6272x16xf32, #tpu.memory_space<hbm>>)
        tpu.yield
      }) : () -> ()
    } else {
    }
    %mul3A_16 = arith.constant 6272 : i32
    %mul3A_17 = arith.muli %arg1, %mul3A_16 : i32
    %mul3A_18 = arith.constant 6272 : i32
    %mul3A_19 = arith.muli %arg1, %mul3A_18 : i32
    "tpu.region"() ({
      %run_scoped3A = tpu.sem_alloc : memref<!tpu.dma_semaphore, #tpu.memory_space<semaphore_mem>>
      %dma_start3A = arith.constant 0 : i32
      %dma_start3A_82 = tpu.memref_slice %arg17[%mul3A_19, %dma_start3A] : memref<100352x16xf32, #tpu.memory_space<vmem_shared>> -> memref<6272x16xf32, #tpu.memory_space<vmem_shared>>
      %dma_start3A_83 = arith.constant 0 : i32
      %dma_start3A_84 = tpu.memref_slice %arg5[%mul3A_17, %dma_start3A_83] : memref<100352x16xf32, #tpu.memory_space<hbm>> -> memref<6272x16xf32, #tpu.memory_space<hbm>>
      tpu.enqueue_dma source(%dma_start3A_84 : memref<6272x16xf32, #tpu.memory_space<hbm>>) target(%dma_start3A_82 : memref<6272x16xf32, #tpu.memory_space<vmem_shared>>) target_semaphore(%run_scoped3A : memref<!tpu.dma_semaphore, #tpu.memory_space<semaphore_mem>>)
      %dma_wait3A = arith.constant 0 : i32
      %dma_wait3A_85 = tpu.memref_slice %arg17[%mul3A_19, %dma_wait3A] : memref<100352x16xf32, #tpu.memory_space<vmem_shared>> -> memref<6272x16xf32, #tpu.memory_space<vmem_shared>>
      %dma_wait3A_86 = arith.constant 0 : i32
      %dma_wait3A_87 = tpu.memref_slice %arg5[%mul3A_17, %dma_wait3A_86] : memref<100352x16xf32, #tpu.memory_space<hbm>> -> memref<6272x16xf32, #tpu.memory_space<hbm>>
      tpu.wait_dma2 semaphore(%run_scoped3A : memref<!tpu.dma_semaphore, #tpu.memory_space<semaphore_mem>>) src(%dma_wait3A_87 : memref<6272x16xf32, #tpu.memory_space<hbm>>) dst(%dma_wait3A_85 : memref<6272x16xf32, #tpu.memory_space<vmem_shared>>)
      tpu.yield
    }) : () -> ()
    %barrier3A_20 = arith.constant 0 : index
    tpu.barrier barrier_id(%barrier3A_20)
    %scan3A_21 = arith.constant 0 : i32
    %scan3A_22 = arith.constant 0 : i32
    %scan3A_23 = arith.constant 202 : i32
    %scan3A_24 = arith.addi %scan3A_22, %scan3A_23 : i32
    %scan3A_25 = arith.constant 1 : i32
    scf.for %scan3A_82 = %scan3A_22 to %scan3A_24 step %scan3A_25  : i32 {
      %mul3A_83 = arith.constant 202 : i32
      %mul3A_84 = arith.muli %arg1, %mul3A_83 : i32
      %add3A = arith.addi %mul3A_84, %scan3A_82 : i32
      %mul3A_85 = arith.constant 1024 : i32
      %mul3A_86 = arith.muli %add3A, %mul3A_85 : i32
      "tpu.region"() ({
        %run_scoped3A_103 = tpu.sem_alloc : memref<!tpu.dma_semaphore, #tpu.memory_space<semaphore_mem>>
        %dma_start3A = tpu.memref_slice %arg2[%mul3A_86] : memref<3309568xi32, #tpu.memory_space<hbm>> -> memref<1024xi32, #tpu.memory_space<hbm>>
        %dma_start3A_104 = tpu.memref_slice %arg2[%mul3A_86] : memref<3309568xi32, #tpu.memory_space<hbm>> -> memref<1024xi32, #tpu.memory_space<hbm>>
        tpu.enqueue_dma source(%dma_start3A_104 : memref<1024xi32, #tpu.memory_space<hbm>>) target(%arg14 : memref<1024xi32, #tpu.memory_space<vmem>>) target_semaphore(%run_scoped3A_103 : memref<!tpu.dma_semaphore, #tpu.memory_space<semaphore_mem>>)
        %dma_wait3A = tpu.memref_slice %arg2[%mul3A_86] : memref<3309568xi32, #tpu.memory_space<hbm>> -> memref<1024xi32, #tpu.memory_space<hbm>>
        %dma_wait3A_105 = tpu.memref_slice %arg2[%mul3A_86] : memref<3309568xi32, #tpu.memory_space<hbm>> -> memref<1024xi32, #tpu.memory_space<hbm>>
        tpu.wait_dma2 semaphore(%run_scoped3A_103 : memref<!tpu.dma_semaphore, #tpu.memory_space<semaphore_mem>>) src(%dma_wait3A_105 : memref<1024xi32, #tpu.memory_space<hbm>>) dst(%arg14 : memref<1024xi32, #tpu.memory_space<vmem>>)
        tpu.yield
      }) : () -> ()
      %run_scoped3A = arith.constant 1 : i32
      "tpu.region"() ({
        %run_scoped3A_103 = tpu.sem_alloc : memref<!tpu.dma_semaphore, #tpu.memory_space<semaphore_mem>>
        %dma_start3A = tpu.memref_slice %arg3[%run_scoped3A, %mul3A_86] : memref<4x3309568xf32, #tpu.memory_space<hbm>> -> memref<1x1024xf32, #tpu.memory_space<hbm>>
        %dma_start3A_104 = tpu.memref_squeeze %dma_start3A : memref<1x1024xf32, #tpu.memory_space<hbm>> -> memref<1024xf32, #tpu.memory_space<hbm>>
        %dma_start3A_105 = tpu.memref_slice %arg3[%run_scoped3A, %mul3A_86] : memref<4x3309568xf32, #tpu.memory_space<hbm>> -> memref<1x1024xf32, #tpu.memory_space<hbm>>
        %dma_start3A_106 = tpu.memref_squeeze %dma_start3A_105 : memref<1x1024xf32, #tpu.memory_space<hbm>> -> memref<1024xf32, #tpu.memory_space<hbm>>
        tpu.enqueue_dma source(%dma_start3A_106 : memref<1024xf32, #tpu.memory_space<hbm>>) target(%arg15 : memref<1024xf32, #tpu.memory_space<vmem>>) target_semaphore(%run_scoped3A_103 : memref<!tpu.dma_semaphore, #tpu.memory_space<semaphore_mem>>)
        %dma_wait3A = tpu.memref_slice %arg3[%run_scoped3A, %mul3A_86] : memref<4x3309568xf32, #tpu.memory_space<hbm>> -> memref<1x1024xf32, #tpu.memory_space<hbm>>
        %dma_wait3A_107 = tpu.memref_squeeze %dma_wait3A : memref<1x1024xf32, #tpu.memory_space<hbm>> -> memref<1024xf32, #tpu.memory_space<hbm>>
        %dma_wait3A_108 = tpu.memref_slice %arg3[%run_scoped3A, %mul3A_86] : memref<4x3309568xf32, #tpu.memory_space<hbm>> -> memref<1x1024xf32, #tpu.memory_space<hbm>>
        %dma_wait3A_109 = tpu.memref_squeeze %dma_wait3A_108 : memref<1x1024xf32, #tpu.memory_space<hbm>> -> memref<1024xf32, #tpu.memory_space<hbm>>
        tpu.wait_dma2 semaphore(%run_scoped3A_103 : memref<!tpu.dma_semaphore, #tpu.memory_space<semaphore_mem>>) src(%dma_wait3A_109 : memref<1024xf32, #tpu.memory_space<hbm>>) dst(%arg15 : memref<1024xf32, #tpu.memory_space<vmem>>)
        tpu.yield
      }) : () -> ()
      %eq3A_87 = arith.constant 0 : i32
      %eq3A_88 = arith.cmpi eq, %arg0, %eq3A_87 : i32
      %convert_element_type3A_89 = arith.extui %eq3A_88 : i1 to i32
      %cond3A_90 = arith.constant 0 : i32
      %cond3A_91 = arith.cmpi ne, %convert_element_type3A_89, %cond3A_90 : i32
      scf.if %cond3A_91 {
        "tpu.region"() ({
          %run_scoped3A_103 = tpu.sem_alloc : memref<!tpu.dma_semaphore, #tpu.memory_space<semaphore_mem>>
          %dma_start3A = arith.constant 0 : i32
          %dma_start3A_104 = tpu.memref_slice %arg4[%mul3A_86, %dma_start3A] : memref<3309568x48xf32, #tpu.memory_space<hbm>> -> memref<1024x16xf32, #tpu.memory_space<hbm>>
          %dma_start3A_105 = arith.constant 0 : i32
          %dma_start3A_106 = tpu.memref_slice %arg4[%mul3A_86, %dma_start3A_105] : memref<3309568x48xf32, #tpu.memory_space<hbm>> -> memref<1024x16xf32, #tpu.memory_space<hbm>>
          tpu.enqueue_dma source(%dma_start3A_106 : memref<1024x16xf32, #tpu.memory_space<hbm>>) target(%arg16 : memref<1024x16xf32, #tpu.memory_space<vmem>>) target_semaphore(%run_scoped3A_103 : memref<!tpu.dma_semaphore, #tpu.memory_space<semaphore_mem>>)
          %dma_wait3A = arith.constant 0 : i32
          %dma_wait3A_107 = tpu.memref_slice %arg4[%mul3A_86, %dma_wait3A] : memref<3309568x48xf32, #tpu.memory_space<hbm>> -> memref<1024x16xf32, #tpu.memory_space<hbm>>
          %dma_wait3A_108 = arith.constant 0 : i32
          %dma_wait3A_109 = tpu.memref_slice %arg4[%mul3A_86, %dma_wait3A_108] : memref<3309568x48xf32, #tpu.memory_space<hbm>> -> memref<1024x16xf32, #tpu.memory_space<hbm>>
          tpu.wait_dma2 semaphore(%run_scoped3A_103 : memref<!tpu.dma_semaphore, #tpu.memory_space<semaphore_mem>>) src(%dma_wait3A_109 : memref<1024x16xf32, #tpu.memory_space<hbm>>) dst(%arg16 : memref<1024x16xf32, #tpu.memory_space<vmem>>)
          tpu.yield
        }) : () -> ()
      } else {
      }
      %eq3A_92 = arith.constant 1 : i32
      %eq3A_93 = arith.cmpi eq, %arg0, %eq3A_92 : i32
      %convert_element_type3A_94 = arith.extui %eq3A_93 : i1 to i32
      %cond3A_95 = arith.constant 0 : i32
      %cond3A_96 = arith.cmpi ne, %convert_element_type3A_94, %cond3A_95 : i32
      scf.if %cond3A_96 {
        "tpu.region"() ({
          %run_scoped3A_103 = tpu.sem_alloc : memref<!tpu.dma_semaphore, #tpu.memory_space<semaphore_mem>>
          %dma_start3A = arith.constant 8 : i32
          %dma_start3A_104 = tpu.memref_slice %arg4[%mul3A_86, %dma_start3A] : memref<3309568x48xf32, #tpu.memory_space<hbm>> -> memref<1024x16xf32, #tpu.memory_space<hbm>>
          %dma_start3A_105 = arith.constant 8 : i32
          %dma_start3A_106 = tpu.memref_slice %arg4[%mul3A_86, %dma_start3A_105] : memref<3309568x48xf32, #tpu.memory_space<hbm>> -> memref<1024x16xf32, #tpu.memory_space<hbm>>
          tpu.enqueue_dma source(%dma_start3A_106 : memref<1024x16xf32, #tpu.memory_space<hbm>>) target(%arg16 : memref<1024x16xf32, #tpu.memory_space<vmem>>) target_semaphore(%run_scoped3A_103 : memref<!tpu.dma_semaphore, #tpu.memory_space<semaphore_mem>>)
          %dma_wait3A = arith.constant 8 : i32
          %dma_wait3A_107 = tpu.memref_slice %arg4[%mul3A_86, %dma_wait3A] : memref<3309568x48xf32, #tpu.memory_space<hbm>> -> memref<1024x16xf32, #tpu.memory_space<hbm>>
          %dma_wait3A_108 = arith.constant 8 : i32
          %dma_wait3A_109 = tpu.memref_slice %arg4[%mul3A_86, %dma_wait3A_108] : memref<3309568x48xf32, #tpu.memory_space<hbm>> -> memref<1024x16xf32, #tpu.memory_space<hbm>>
          tpu.wait_dma2 semaphore(%run_scoped3A_103 : memref<!tpu.dma_semaphore, #tpu.memory_space<semaphore_mem>>) src(%dma_wait3A_109 : memref<1024x16xf32, #tpu.memory_space<hbm>>) dst(%arg16 : memref<1024x16xf32, #tpu.memory_space<vmem>>)
          tpu.yield
        }) : () -> ()
      } else {
      }
      %scan3A_97 = arith.constant 0 : i32
      %scan3A_98 = arith.constant 0 : i32
      %scan3A_99 = arith.constant 64 : i32
      %scan3A_100 = arith.addi %scan3A_98, %scan3A_99 : i32
      %scan3A_101 = arith.constant 1 : i32
      scf.for %scan3A_103 = %scan3A_98 to %scan3A_100 step %scan3A_101  : i32 {
        %mul3A_104 = arith.constant 16 : i32
        %mul3A_105 = arith.muli %scan3A_103, %mul3A_104 : i32
        %get3A = arith.index_cast %mul3A_105 : i32 to index
        %get3A_106 = tpu.vector_load %arg15[%get3A] {strides = array<i32>} : memref<1024xf32, #tpu.memory_space<vmem>>, vector<16xf32>,
        %get3A_107 = vector.shape_cast %get3A_106 : vector<16xf32> to vector<16xf32>
        %slice3A = vector.extract_strided_slice %get3A_107 {offsets = [0], sizes = [1], strides = [1]} : vector<16xf32> to vector<1xf32>
        %broadcast_in_dim3A = vector.shape_cast %slice3A : vector<1xf32> to vector<1xf32>
        %broadcast_in_dim3A_108 = vector.broadcast %broadcast_in_dim3A : vector<1xf32> to vector<16xf32>
        %mul3A_109 = arith.constant 16 : i32
        %mul3A_110 = arith.muli %scan3A_103, %mul3A_109 : i32
        %add3A_111 = arith.constant 0 : i32
        %add3A_112 = arith.addi %mul3A_110, %add3A_111 : i32
        %get3A_113 = arith.index_cast %add3A_112 : i32 to index
        %get3A_114 = arith.constant 0 : index
        %get3A_115 = tpu.vector_load %arg16[%get3A_113, %get3A_114] {strides = array<i32>} : memref<1024x16xf32, #tpu.memory_space<vmem>>, vector<1x16xf32>,
        %get3A_116 = vector.shape_cast %get3A_115 : vector<1x16xf32> to vector<16xf32>
        %mul3A_117 = arith.mulf %get3A_116, %broadcast_in_dim3A_108 : vector<16xf32>
        %swap3A = arith.index_cast %add3A_112 : i32 to index
        %swap3A_118 = arith.constant 0 : index
        %swap3A_119 = tpu.vector_load %arg16[%swap3A, %swap3A_118] {strides = array<i32>} : memref<1024x16xf32, #tpu.memory_space<vmem>>, vector<1x16xf32>,
        %swap3A_120 = vector.shape_cast %swap3A_119 : vector<1x16xf32> to vector<16xf32>
        %swap3A_121 = vector.shape_cast %mul3A_117 : vector<16xf32> to vector<1x16xf32>
        tpu.vector_store %arg16[%swap3A, %swap3A_118], %swap3A_121 {strides = array<i32>} : memref<1024x16xf32, #tpu.memory_space<vmem>>, vector<1x16xf32>,
        %slice3A_122 = vector.extract_strided_slice %get3A_107 {offsets = [1], sizes = [1], strides = [1]} : vector<16xf32> to vector<1xf32>
        %broadcast_in_dim3A_123 = vector.shape_cast %slice3A_122 : vector<1xf32> to vector<1xf32>
        %broadcast_in_dim3A_124 = vector.broadcast %broadcast_in_dim3A_123 : vector<1xf32> to vector<16xf32>
        %mul3A_125 = arith.constant 16 : i32
        %mul3A_126 = arith.muli %scan3A_103, %mul3A_125 : i32
        %add3A_127 = arith.constant 1 : i32
        %add3A_128 = arith.addi %mul3A_126, %add3A_127 : i32
        %get3A_129 = arith.index_cast %add3A_128 : i32 to index
        %get3A_130 = arith.constant 0 : index
        %get3A_131 = tpu.vector_load %arg16[%get3A_129, %get3A_130] {strides = array<i32>} : memref<1024x16xf32, #tpu.memory_space<vmem>>, vector<1x16xf32>,
        %get3A_132 = vector.shape_cast %get3A_131 : vector<1x16xf32> to vector<16xf32>
        %mul3A_133 = arith.mulf %get3A_132, %broadcast_in_dim3A_124 : vector<16xf32>
        %swap3A_134 = arith.index_cast %add3A_128 : i32 to index
        %swap3A_135 = arith.constant 0 : index
        %swap3A_136 = tpu.vector_load %arg16[%swap3A_134, %swap3A_135] {strides = array<i32>} : memref<1024x16xf32, #tpu.memory_space<vmem>>, vector<1x16xf32>,
        %swap3A_137 = vector.shape_cast %swap3A_136 : vector<1x16xf32> to vector<16xf32>
        %swap3A_138 = vector.shape_cast %mul3A_133 : vector<16xf32> to vector<1x16xf32>
        tpu.vector_store %arg16[%swap3A_134, %swap3A_135], %swap3A_138 {strides = array<i32>} : memref<1024x16xf32, #tpu.memory_space<vmem>>, vector<1x16xf32>,
        %slice3A_139 = vector.extract_strided_slice %get3A_107 {offsets = [2], sizes = [1], strides = [1]} : vector<16xf32> to vector<1xf32>
        %broadcast_in_dim3A_140 = vector.shape_cast %slice3A_139 : vector<1xf32> to vector<1xf32>
        %broadcast_in_dim3A_141 = vector.broadcast %broadcast_in_dim3A_140 : vector<1xf32> to vector<16xf32>
        %mul3A_142 = arith.constant 16 : i32
        %mul3A_143 = arith.muli %scan3A_103, %mul3A_142 : i32
        %add3A_144 = arith.constant 2 : i32
        %add3A_145 = arith.addi %mul3A_143, %add3A_144 : i32
        %get3A_146 = arith.index_cast %add3A_145 : i32 to index
        %get3A_147 = arith.constant 0 : index
        %get3A_148 = tpu.vector_load %arg16[%get3A_146, %get3A_147] {strides = array<i32>} : memref<1024x16xf32, #tpu.memory_space<vmem>>, vector<1x16xf32>,
        %get3A_149 = vector.shape_cast %get3A_148 : vector<1x16xf32> to vector<16xf32>
        %mul3A_150 = arith.mulf %get3A_149, %broadcast_in_dim3A_141 : vector<16xf32>
        %swap3A_151 = arith.index_cast %add3A_145 : i32 to index
        %swap3A_152 = arith.constant 0 : index
        %swap3A_153 = tpu.vector_load %arg16[%swap3A_151, %swap3A_152] {strides = array<i32>} : memref<1024x16xf32, #tpu.memory_space<vmem>>, vector<1x16xf32>,
        %swap3A_154 = vector.shape_cast %swap3A_153 : vector<1x16xf32> to vector<16xf32>
        %swap3A_155 = vector.shape_cast %mul3A_150 : vector<16xf32> to vector<1x16xf32>
        tpu.vector_store %arg16[%swap3A_151, %swap3A_152], %swap3A_155 {strides = array<i32>} : memref<1024x16xf32, #tpu.memory_space<vmem>>, vector<1x16xf32>,
        %slice3A_156 = vector.extract_strided_slice %get3A_107 {offsets = [3], sizes = [1], strides = [1]} : vector<16xf32> to vector<1xf32>
        %broadcast_in_dim3A_157 = vector.shape_cast %slice3A_156 : vector<1xf32> to vector<1xf32>
        %broadcast_in_dim3A_158 = vector.broadcast %broadcast_in_dim3A_157 : vector<1xf32> to vector<16xf32>
        %mul3A_159 = arith.constant 16 : i32
        %mul3A_160 = arith.muli %scan3A_103, %mul3A_159 : i32
        %add3A_161 = arith.constant 3 : i32
        %add3A_162 = arith.addi %mul3A_160, %add3A_161 : i32
        %get3A_163 = arith.index_cast %add3A_162 : i32 to index
        %get3A_164 = arith.constant 0 : index
        %get3A_165 = tpu.vector_load %arg16[%get3A_163, %get3A_164] {strides = array<i32>} : memref<1024x16xf32, #tpu.memory_space<vmem>>, vector<1x16xf32>,
        %get3A_166 = vector.shape_cast %get3A_165 : vector<1x16xf32> to vector<16xf32>
        %mul3A_167 = arith.mulf %get3A_166, %broadcast_in_dim3A_158 : vector<16xf32>
        %swap3A_168 = arith.index_cast %add3A_162 : i32 to index
        %swap3A_169 = arith.constant 0 : index
        %swap3A_170 = tpu.vector_load %arg16[%swap3A_168, %swap3A_169] {strides = array<i32>} : memref<1024x16xf32, #tpu.memory_space<vmem>>, vector<1x16xf32>,
        %swap3A_171 = vector.shape_cast %swap3A_170 : vector<1x16xf32> to vector<16xf32>
        %swap3A_172 = vector.shape_cast %mul3A_167 : vector<16xf32> to vector<1x16xf32>
        tpu.vector_store %arg16[%swap3A_168, %swap3A_169], %swap3A_172 {strides = array<i32>} : memref<1024x16xf32, #tpu.memory_space<vmem>>, vector<1x16xf32>,
        %slice3A_173 = vector.extract_strided_slice %get3A_107 {offsets = [4], sizes = [1], strides = [1]} : vector<16xf32> to vector<1xf32>
        %broadcast_in_dim3A_174 = vector.shape_cast %slice3A_173 : vector<1xf32> to vector<1xf32>
        %broadcast_in_dim3A_175 = vector.broadcast %broadcast_in_dim3A_174 : vector<1xf32> to vector<16xf32>
        %mul3A_176 = arith.constant 16 : i32
        %mul3A_177 = arith.muli %scan3A_103, %mul3A_176 : i32
        %add3A_178 = arith.constant 4 : i32
        %add3A_179 = arith.addi %mul3A_177, %add3A_178 : i32
        %get3A_180 = arith.index_cast %add3A_179 : i32 to index
        %get3A_181 = arith.constant 0 : index
        %get3A_182 = tpu.vector_load %arg16[%get3A_180, %get3A_181] {strides = array<i32>} : memref<1024x16xf32, #tpu.memory_space<vmem>>, vector<1x16xf32>,
        %get3A_183 = vector.shape_cast %get3A_182 : vector<1x16xf32> to vector<16xf32>
        %mul3A_184 = arith.mulf %get3A_183, %broadcast_in_dim3A_175 : vector<16xf32>
        %swap3A_185 = arith.index_cast %add3A_179 : i32 to index
        %swap3A_186 = arith.constant 0 : index
        %swap3A_187 = tpu.vector_load %arg16[%swap3A_185, %swap3A_186] {strides = array<i32>} : memref<1024x16xf32, #tpu.memory_space<vmem>>, vector<1x16xf32>,
        %swap3A_188 = vector.shape_cast %swap3A_187 : vector<1x16xf32> to vector<16xf32>
        %swap3A_189 = vector.shape_cast %mul3A_184 : vector<16xf32> to vector<1x16xf32>
        tpu.vector_store %arg16[%swap3A_185, %swap3A_186], %swap3A_189 {strides = array<i32>} : memref<1024x16xf32, #tpu.memory_space<vmem>>, vector<1x16xf32>,
        %slice3A_190 = vector.extract_strided_slice %get3A_107 {offsets = [5], sizes = [1], strides = [1]} : vector<16xf32> to vector<1xf32>
        %broadcast_in_dim3A_191 = vector.shape_cast %slice3A_190 : vector<1xf32> to vector<1xf32>
        %broadcast_in_dim3A_192 = vector.broadcast %broadcast_in_dim3A_191 : vector<1xf32> to vector<16xf32>
        %mul3A_193 = arith.constant 16 : i32
        %mul3A_194 = arith.muli %scan3A_103, %mul3A_193 : i32
        %add3A_195 = arith.constant 5 : i32
        %add3A_196 = arith.addi %mul3A_194, %add3A_195 : i32
        %get3A_197 = arith.index_cast %add3A_196 : i32 to index
        %get3A_198 = arith.constant 0 : index
        %get3A_199 = tpu.vector_load %arg16[%get3A_197, %get3A_198] {strides = array<i32>} : memref<1024x16xf32, #tpu.memory_space<vmem>>, vector<1x16xf32>,
        %get3A_200 = vector.shape_cast %get3A_199 : vector<1x16xf32> to vector<16xf32>
        %mul3A_201 = arith.mulf %get3A_200, %broadcast_in_dim3A_192 : vector<16xf32>
        %swap3A_202 = arith.index_cast %add3A_196 : i32 to index
        %swap3A_203 = arith.constant 0 : index
        %swap3A_204 = tpu.vector_load %arg16[%swap3A_202, %swap3A_203] {strides = array<i32>} : memref<1024x16xf32, #tpu.memory_space<vmem>>, vector<1x16xf32>,
        %swap3A_205 = vector.shape_cast %swap3A_204 : vector<1x16xf32> to vector<16xf32>
        %swap3A_206 = vector.shape_cast %mul3A_201 : vector<16xf32> to vector<1x16xf32>
        tpu.vector_store %arg16[%swap3A_202, %swap3A_203], %swap3A_206 {strides = array<i32>} : memref<1024x16xf32, #tpu.memory_space<vmem>>, vector<1x16xf32>,
        %slice3A_207 = vector.extract_strided_slice %get3A_107 {offsets = [6], sizes = [1], strides = [1]} : vector<16xf32> to vector<1xf32>
        %broadcast_in_dim3A_208 = vector.shape_cast %slice3A_207 : vector<1xf32> to vector<1xf32>
        %broadcast_in_dim3A_209 = vector.broadcast %broadcast_in_dim3A_208 : vector<1xf32> to vector<16xf32>
        %mul3A_210 = arith.constant 16 : i32
        %mul3A_211 = arith.muli %scan3A_103, %mul3A_210 : i32
        %add3A_212 = arith.constant 6 : i32
        %add3A_213 = arith.addi %mul3A_211, %add3A_212 : i32
        %get3A_214 = arith.index_cast %add3A_213 : i32 to index
        %get3A_215 = arith.constant 0 : index
        %get3A_216 = tpu.vector_load %arg16[%get3A_214, %get3A_215] {strides = array<i32>} : memref<1024x16xf32, #tpu.memory_space<vmem>>, vector<1x16xf32>,
        %get3A_217 = vector.shape_cast %get3A_216 : vector<1x16xf32> to vector<16xf32>
        %mul3A_218 = arith.mulf %get3A_217, %broadcast_in_dim3A_209 : vector<16xf32>
        %swap3A_219 = arith.index_cast %add3A_213 : i32 to index
        %swap3A_220 = arith.constant 0 : index
        %swap3A_221 = tpu.vector_load %arg16[%swap3A_219, %swap3A_220] {strides = array<i32>} : memref<1024x16xf32, #tpu.memory_space<vmem>>, vector<1x16xf32>,
        %swap3A_222 = vector.shape_cast %swap3A_221 : vector<1x16xf32> to vector<16xf32>
        %swap3A_223 = vector.shape_cast %mul3A_218 : vector<16xf32> to vector<1x16xf32>
        tpu.vector_store %arg16[%swap3A_219, %swap3A_220], %swap3A_223 {strides = array<i32>} : memref<1024x16xf32, #tpu.memory_space<vmem>>, vector<1x16xf32>,
        %slice3A_224 = vector.extract_strided_slice %get3A_107 {offsets = [7], sizes = [1], strides = [1]} : vector<16xf32> to vector<1xf32>
        %broadcast_in_dim3A_225 = vector.shape_cast %slice3A_224 : vector<1xf32> to vector<1xf32>
        %broadcast_in_dim3A_226 = vector.broadcast %broadcast_in_dim3A_225 : vector<1xf32> to vector<16xf32>
        %mul3A_227 = arith.constant 16 : i32
        %mul3A_228 = arith.muli %scan3A_103, %mul3A_227 : i32
        %add3A_229 = arith.constant 7 : i32
        %add3A_230 = arith.addi %mul3A_228, %add3A_229 : i32
        %get3A_231 = arith.index_cast %add3A_230 : i32 to index
        %get3A_232 = arith.constant 0 : index
        %get3A_233 = tpu.vector_load %arg16[%get3A_231, %get3A_232] {strides = array<i32>} : memref<1024x16xf32, #tpu.memory_space<vmem>>, vector<1x16xf32>,
        %get3A_234 = vector.shape_cast %get3A_233 : vector<1x16xf32> to vector<16xf32>
        %mul3A_235 = arith.mulf %get3A_234, %broadcast_in_dim3A_226 : vector<16xf32>
        %swap3A_236 = arith.index_cast %add3A_230 : i32 to index
        %swap3A_237 = arith.constant 0 : index
        %swap3A_238 = tpu.vector_load %arg16[%swap3A_236, %swap3A_237] {strides = array<i32>} : memref<1024x16xf32, #tpu.memory_space<vmem>>, vector<1x16xf32>,
        %swap3A_239 = vector.shape_cast %swap3A_238 : vector<1x16xf32> to vector<16xf32>
        %swap3A_240 = vector.shape_cast %mul3A_235 : vector<16xf32> to vector<1x16xf32>
        tpu.vector_store %arg16[%swap3A_236, %swap3A_237], %swap3A_240 {strides = array<i32>} : memref<1024x16xf32, #tpu.memory_space<vmem>>, vector<1x16xf32>,
        %slice3A_241 = vector.extract_strided_slice %get3A_107 {offsets = [8], sizes = [1], strides = [1]} : vector<16xf32> to vector<1xf32>
        %broadcast_in_dim3A_242 = vector.shape_cast %slice3A_241 : vector<1xf32> to vector<1xf32>
        %broadcast_in_dim3A_243 = vector.broadcast %broadcast_in_dim3A_242 : vector<1xf32> to vector<16xf32>
        %mul3A_244 = arith.constant 16 : i32
        %mul3A_245 = arith.muli %scan3A_103, %mul3A_244 : i32
        %add3A_246 = arith.constant 8 : i32
        %add3A_247 = arith.addi %mul3A_245, %add3A_246 : i32
        %get3A_248 = arith.index_cast %add3A_247 : i32 to index
        %get3A_249 = arith.constant 0 : index
        %get3A_250 = tpu.vector_load %arg16[%get3A_248, %get3A_249] {strides = array<i32>} : memref<1024x16xf32, #tpu.memory_space<vmem>>, vector<1x16xf32>,
        %get3A_251 = vector.shape_cast %get3A_250 : vector<1x16xf32> to vector<16xf32>
        %mul3A_252 = arith.mulf %get3A_251, %broadcast_in_dim3A_243 : vector<16xf32>
        %swap3A_253 = arith.index_cast %add3A_247 : i32 to index
        %swap3A_254 = arith.constant 0 : index
        %swap3A_255 = tpu.vector_load %arg16[%swap3A_253, %swap3A_254] {strides = array<i32>} : memref<1024x16xf32, #tpu.memory_space<vmem>>, vector<1x16xf32>,
        %swap3A_256 = vector.shape_cast %swap3A_255 : vector<1x16xf32> to vector<16xf32>
        %swap3A_257 = vector.shape_cast %mul3A_252 : vector<16xf32> to vector<1x16xf32>
        tpu.vector_store %arg16[%swap3A_253, %swap3A_254], %swap3A_257 {strides = array<i32>} : memref<1024x16xf32, #tpu.memory_space<vmem>>, vector<1x16xf32>,
        %slice3A_258 = vector.extract_strided_slice %get3A_107 {offsets = [9], sizes = [1], strides = [1]} : vector<16xf32> to vector<1xf32>
        %broadcast_in_dim3A_259 = vector.shape_cast %slice3A_258 : vector<1xf32> to vector<1xf32>
        %broadcast_in_dim3A_260 = vector.broadcast %broadcast_in_dim3A_259 : vector<1xf32> to vector<16xf32>
        %mul3A_261 = arith.constant 16 : i32
        %mul3A_262 = arith.muli %scan3A_103, %mul3A_261 : i32
        %add3A_263 = arith.constant 9 : i32
        %add3A_264 = arith.addi %mul3A_262, %add3A_263 : i32
        %get3A_265 = arith.index_cast %add3A_264 : i32 to index
        %get3A_266 = arith.constant 0 : index
        %get3A_267 = tpu.vector_load %arg16[%get3A_265, %get3A_266] {strides = array<i32>} : memref<1024x16xf32, #tpu.memory_space<vmem>>, vector<1x16xf32>,
        %get3A_268 = vector.shape_cast %get3A_267 : vector<1x16xf32> to vector<16xf32>
        %mul3A_269 = arith.mulf %get3A_268, %broadcast_in_dim3A_260 : vector<16xf32>
        %swap3A_270 = arith.index_cast %add3A_264 : i32 to index
        %swap3A_271 = arith.constant 0 : index
        %swap3A_272 = tpu.vector_load %arg16[%swap3A_270, %swap3A_271] {strides = array<i32>} : memref<1024x16xf32, #tpu.memory_space<vmem>>, vector<1x16xf32>,
        %swap3A_273 = vector.shape_cast %swap3A_272 : vector<1x16xf32> to vector<16xf32>
        %swap3A_274 = vector.shape_cast %mul3A_269 : vector<16xf32> to vector<1x16xf32>
        tpu.vector_store %arg16[%swap3A_270, %swap3A_271], %swap3A_274 {strides = array<i32>} : memref<1024x16xf32, #tpu.memory_space<vmem>>, vector<1x16xf32>,
        %slice3A_275 = vector.extract_strided_slice %get3A_107 {offsets = [10], sizes = [1], strides = [1]} : vector<16xf32> to vector<1xf32>
        %broadcast_in_dim3A_276 = vector.shape_cast %slice3A_275 : vector<1xf32> to vector<1xf32>
        %broadcast_in_dim3A_277 = vector.broadcast %broadcast_in_dim3A_276 : vector<1xf32> to vector<16xf32>
        %mul3A_278 = arith.constant 16 : i32
        %mul3A_279 = arith.muli %scan3A_103, %mul3A_278 : i32
        %add3A_280 = arith.constant 10 : i32
        %add3A_281 = arith.addi %mul3A_279, %add3A_280 : i32
        %get3A_282 = arith.index_cast %add3A_281 : i32 to index
        %get3A_283 = arith.constant 0 : index
        %get3A_284 = tpu.vector_load %arg16[%get3A_282, %get3A_283] {strides = array<i32>} : memref<1024x16xf32, #tpu.memory_space<vmem>>, vector<1x16xf32>,
        %get3A_285 = vector.shape_cast %get3A_284 : vector<1x16xf32> to vector<16xf32>
        %mul3A_286 = arith.mulf %get3A_285, %broadcast_in_dim3A_277 : vector<16xf32>
        %swap3A_287 = arith.index_cast %add3A_281 : i32 to index
        %swap3A_288 = arith.constant 0 : index
        %swap3A_289 = tpu.vector_load %arg16[%swap3A_287, %swap3A_288] {strides = array<i32>} : memref<1024x16xf32, #tpu.memory_space<vmem>>, vector<1x16xf32>,
        %swap3A_290 = vector.shape_cast %swap3A_289 : vector<1x16xf32> to vector<16xf32>
        %swap3A_291 = vector.shape_cast %mul3A_286 : vector<16xf32> to vector<1x16xf32>
        tpu.vector_store %arg16[%swap3A_287, %swap3A_288], %swap3A_291 {strides = array<i32>} : memref<1024x16xf32, #tpu.memory_space<vmem>>, vector<1x16xf32>,
        %slice3A_292 = vector.extract_strided_slice %get3A_107 {offsets = [11], sizes = [1], strides = [1]} : vector<16xf32> to vector<1xf32>
        %broadcast_in_dim3A_293 = vector.shape_cast %slice3A_292 : vector<1xf32> to vector<1xf32>
        %broadcast_in_dim3A_294 = vector.broadcast %broadcast_in_dim3A_293 : vector<1xf32> to vector<16xf32>
        %mul3A_295 = arith.constant 16 : i32
        %mul3A_296 = arith.muli %scan3A_103, %mul3A_295 : i32
        %add3A_297 = arith.constant 11 : i32
        %add3A_298 = arith.addi %mul3A_296, %add3A_297 : i32
        %get3A_299 = arith.index_cast %add3A_298 : i32 to index
        %get3A_300 = arith.constant 0 : index
        %get3A_301 = tpu.vector_load %arg16[%get3A_299, %get3A_300] {strides = array<i32>} : memref<1024x16xf32, #tpu.memory_space<vmem>>, vector<1x16xf32>,
        %get3A_302 = vector.shape_cast %get3A_301 : vector<1x16xf32> to vector<16xf32>
        %mul3A_303 = arith.mulf %get3A_302, %broadcast_in_dim3A_294 : vector<16xf32>
        %swap3A_304 = arith.index_cast %add3A_298 : i32 to index
        %swap3A_305 = arith.constant 0 : index
        %swap3A_306 = tpu.vector_load %arg16[%swap3A_304, %swap3A_305] {strides = array<i32>} : memref<1024x16xf32, #tpu.memory_space<vmem>>, vector<1x16xf32>,
        %swap3A_307 = vector.shape_cast %swap3A_306 : vector<1x16xf32> to vector<16xf32>
        %swap3A_308 = vector.shape_cast %mul3A_303 : vector<16xf32> to vector<1x16xf32>
        tpu.vector_store %arg16[%swap3A_304, %swap3A_305], %swap3A_308 {strides = array<i32>} : memref<1024x16xf32, #tpu.memory_space<vmem>>, vector<1x16xf32>,
        %slice3A_309 = vector.extract_strided_slice %get3A_107 {offsets = [12], sizes = [1], strides = [1]} : vector<16xf32> to vector<1xf32>
        %broadcast_in_dim3A_310 = vector.shape_cast %slice3A_309 : vector<1xf32> to vector<1xf32>
        %broadcast_in_dim3A_311 = vector.broadcast %broadcast_in_dim3A_310 : vector<1xf32> to vector<16xf32>
        %mul3A_312 = arith.constant 16 : i32
        %mul3A_313 = arith.muli %scan3A_103, %mul3A_312 : i32
        %add3A_314 = arith.constant 12 : i32
        %add3A_315 = arith.addi %mul3A_313, %add3A_314 : i32
        %get3A_316 = arith.index_cast %add3A_315 : i32 to index
        %get3A_317 = arith.constant 0 : index
        %get3A_318 = tpu.vector_load %arg16[%get3A_316, %get3A_317] {strides = array<i32>} : memref<1024x16xf32, #tpu.memory_space<vmem>>, vector<1x16xf32>,
        %get3A_319 = vector.shape_cast %get3A_318 : vector<1x16xf32> to vector<16xf32>
        %mul3A_320 = arith.mulf %get3A_319, %broadcast_in_dim3A_311 : vector<16xf32>
        %swap3A_321 = arith.index_cast %add3A_315 : i32 to index
        %swap3A_322 = arith.constant 0 : index
        %swap3A_323 = tpu.vector_load %arg16[%swap3A_321, %swap3A_322] {strides = array<i32>} : memref<1024x16xf32, #tpu.memory_space<vmem>>, vector<1x16xf32>,
        %swap3A_324 = vector.shape_cast %swap3A_323 : vector<1x16xf32> to vector<16xf32>
        %swap3A_325 = vector.shape_cast %mul3A_320 : vector<16xf32> to vector<1x16xf32>
        tpu.vector_store %arg16[%swap3A_321, %swap3A_322], %swap3A_325 {strides = array<i32>} : memref<1024x16xf32, #tpu.memory_space<vmem>>, vector<1x16xf32>,
        %slice3A_326 = vector.extract_strided_slice %get3A_107 {offsets = [13], sizes = [1], strides = [1]} : vector<16xf32> to vector<1xf32>
        %broadcast_in_dim3A_327 = vector.shape_cast %slice3A_326 : vector<1xf32> to vector<1xf32>
        %broadcast_in_dim3A_328 = vector.broadcast %broadcast_in_dim3A_327 : vector<1xf32> to vector<16xf32>
        %mul3A_329 = arith.constant 16 : i32
        %mul3A_330 = arith.muli %scan3A_103, %mul3A_329 : i32
        %add3A_331 = arith.constant 13 : i32
        %add3A_332 = arith.addi %mul3A_330, %add3A_331 : i32
        %get3A_333 = arith.index_cast %add3A_332 : i32 to index
        %get3A_334 = arith.constant 0 : index
        %get3A_335 = tpu.vector_load %arg16[%get3A_333, %get3A_334] {strides = array<i32>} : memref<1024x16xf32, #tpu.memory_space<vmem>>, vector<1x16xf32>,
        %get3A_336 = vector.shape_cast %get3A_335 : vector<1x16xf32> to vector<16xf32>
        %mul3A_337 = arith.mulf %get3A_336, %broadcast_in_dim3A_328 : vector<16xf32>
        %swap3A_338 = arith.index_cast %add3A_332 : i32 to index
        %swap3A_339 = arith.constant 0 : index
        %swap3A_340 = tpu.vector_load %arg16[%swap3A_338, %swap3A_339] {strides = array<i32>} : memref<1024x16xf32, #tpu.memory_space<vmem>>, vector<1x16xf32>,
        %swap3A_341 = vector.shape_cast %swap3A_340 : vector<1x16xf32> to vector<16xf32>
        %swap3A_342 = vector.shape_cast %mul3A_337 : vector<16xf32> to vector<1x16xf32>
        tpu.vector_store %arg16[%swap3A_338, %swap3A_339], %swap3A_342 {strides = array<i32>} : memref<1024x16xf32, #tpu.memory_space<vmem>>, vector<1x16xf32>,
        %slice3A_343 = vector.extract_strided_slice %get3A_107 {offsets = [14], sizes = [1], strides = [1]} : vector<16xf32> to vector<1xf32>
        %broadcast_in_dim3A_344 = vector.shape_cast %slice3A_343 : vector<1xf32> to vector<1xf32>
        %broadcast_in_dim3A_345 = vector.broadcast %broadcast_in_dim3A_344 : vector<1xf32> to vector<16xf32>
        %mul3A_346 = arith.constant 16 : i32
        %mul3A_347 = arith.muli %scan3A_103, %mul3A_346 : i32
        %add3A_348 = arith.constant 14 : i32
        %add3A_349 = arith.addi %mul3A_347, %add3A_348 : i32
        %get3A_350 = arith.index_cast %add3A_349 : i32 to index
        %get3A_351 = arith.constant 0 : index
        %get3A_352 = tpu.vector_load %arg16[%get3A_350, %get3A_351] {strides = array<i32>} : memref<1024x16xf32, #tpu.memory_space<vmem>>, vector<1x16xf32>,
        %get3A_353 = vector.shape_cast %get3A_352 : vector<1x16xf32> to vector<16xf32>
        %mul3A_354 = arith.mulf %get3A_353, %broadcast_in_dim3A_345 : vector<16xf32>
        %swap3A_355 = arith.index_cast %add3A_349 : i32 to index
        %swap3A_356 = arith.constant 0 : index
        %swap3A_357 = tpu.vector_load %arg16[%swap3A_355, %swap3A_356] {strides = array<i32>} : memref<1024x16xf32, #tpu.memory_space<vmem>>, vector<1x16xf32>,
        %swap3A_358 = vector.shape_cast %swap3A_357 : vector<1x16xf32> to vector<16xf32>
        %swap3A_359 = vector.shape_cast %mul3A_354 : vector<16xf32> to vector<1x16xf32>
        tpu.vector_store %arg16[%swap3A_355, %swap3A_356], %swap3A_359 {strides = array<i32>} : memref<1024x16xf32, #tpu.memory_space<vmem>>, vector<1x16xf32>,
        %slice3A_360 = vector.extract_strided_slice %get3A_107 {offsets = [15], sizes = [1], strides = [1]} : vector<16xf32> to vector<1xf32>
        %broadcast_in_dim3A_361 = vector.shape_cast %slice3A_360 : vector<1xf32> to vector<1xf32>
        %broadcast_in_dim3A_362 = vector.broadcast %broadcast_in_dim3A_361 : vector<1xf32> to vector<16xf32>
        %mul3A_363 = arith.constant 16 : i32
        %mul3A_364 = arith.muli %scan3A_103, %mul3A_363 : i32
        %add3A_365 = arith.constant 15 : i32
        %add3A_366 = arith.addi %mul3A_364, %add3A_365 : i32
        %get3A_367 = arith.index_cast %add3A_366 : i32 to index
        %get3A_368 = arith.constant 0 : index
        %get3A_369 = tpu.vector_load %arg16[%get3A_367, %get3A_368] {strides = array<i32>} : memref<1024x16xf32, #tpu.memory_space<vmem>>, vector<1x16xf32>,
        %get3A_370 = vector.shape_cast %get3A_369 : vector<1x16xf32> to vector<16xf32>
        %mul3A_371 = arith.mulf %get3A_370, %broadcast_in_dim3A_362 : vector<16xf32>
        %swap3A_372 = arith.index_cast %add3A_366 : i32 to index
        %swap3A_373 = arith.constant 0 : index
        %swap3A_374 = tpu.vector_load %arg16[%swap3A_372, %swap3A_373] {strides = array<i32>} : memref<1024x16xf32, #tpu.memory_space<vmem>>, vector<1x16xf32>,
        %swap3A_375 = vector.shape_cast %swap3A_374 : vector<1x16xf32> to vector<16xf32>
        %swap3A_376 = vector.shape_cast %mul3A_371 : vector<16xf32> to vector<1x16xf32>
        tpu.vector_store %arg16[%swap3A_372, %swap3A_373], %swap3A_376 {strides = array<i32>} : memref<1024x16xf32, #tpu.memory_space<vmem>>, vector<1x16xf32>,
      }
      %scan3A_102 = arith.constant 64 : i32
      "tpu.region"() ({
        %run_scoped3A_103 = tpu.sem_alloc : memref<!tpu.dma_semaphore, #tpu.memory_space<semaphore_mem>>
        %dma_start3A = arith.constant 0 : i32
        %dma_start3A_104 = arith.constant 0 : i32
        %dma_start3A_105 = tpu.memref_slice %arg17[%dma_start3A, %dma_start3A_104] : memref<100352x16xf32, #tpu.memory_space<vmem_shared>> -> memref<100352x16xf32, #tpu.memory_space<vmem_shared>>
        tpu.enqueue_indirect_dma source(%arg16 : memref<1024x16xf32, #tpu.memory_space<vmem>>) target(%dma_start3A_105 : memref<100352x16xf32, #tpu.memory_space<vmem_shared>>) offsets(%arg14 : memref<1024xi32, #tpu.memory_space<vmem>>) semaphore(%run_scoped3A_103 : memref<!tpu.dma_semaphore, #tpu.memory_space<semaphore_mem>>) {add = true}
        %dma_wait3A = arith.constant 0 : i32
        %dma_wait3A_106 = arith.constant 0 : i32
        %dma_wait3A_107 = tpu.memref_slice %arg17[%dma_wait3A, %dma_wait3A_106] : memref<100352x16xf32, #tpu.memory_space<vmem_shared>> -> memref<100352x16xf32, #tpu.memory_space<vmem_shared>>
        tpu.wait_indirect_dma semaphore(%run_scoped3A_103 : memref<!tpu.dma_semaphore, #tpu.memory_space<semaphore_mem>>) src(%arg16 : memref<1024x16xf32, #tpu.memory_space<vmem>>) dst(%dma_wait3A_107 : memref<100352x16xf32, #tpu.memory_space<vmem_shared>>)
        tpu.yield
      }) : () -> ()
    }
    %scan3A_26 = arith.constant 202 : i32
    %barrier3A_27 = arith.constant 0 : index
    tpu.barrier barrier_id(%barrier3A_27)
    %eq3A_28 = arith.constant 0 : i32
    %eq3A_29 = arith.cmpi eq, %arg0, %eq3A_28 : i32
    %convert_element_type3A_30 = arith.extui %eq3A_29 : i1 to i32
    %cond3A_31 = arith.constant 0 : i32
    %cond3A_32 = arith.cmpi ne, %convert_element_type3A_30, %cond3A_31 : i32
    scf.if %cond3A_32 {
      %mul3A_82 = arith.constant 6272 : i32
      %mul3A_83 = arith.muli %arg1, %mul3A_82 : i32
      %mul3A_84 = arith.constant 6272 : i32
      %mul3A_85 = arith.muli %arg1, %mul3A_84 : i32
      "tpu.region"() ({
        %run_scoped3A = tpu.sem_alloc : memref<!tpu.dma_semaphore, #tpu.memory_space<semaphore_mem>>
        %dma_start3A = arith.constant 0 : i32
        %dma_start3A_86 = tpu.memref_slice %arg8[%mul3A_85, %dma_start3A] : memref<100352x16xf32, #tpu.memory_space<hbm>> -> memref<6272x16xf32, #tpu.memory_space<hbm>>
        %dma_start3A_87 = arith.constant 0 : i32
        %dma_start3A_88 = tpu.memref_slice %arg17[%mul3A_83, %dma_start3A_87] : memref<100352x16xf32, #tpu.memory_space<vmem_shared>> -> memref<6272x16xf32, #tpu.memory_space<vmem_shared>>
        tpu.enqueue_dma source(%dma_start3A_88 : memref<6272x16xf32, #tpu.memory_space<vmem_shared>>) target(%dma_start3A_86 : memref<6272x16xf32, #tpu.memory_space<hbm>>) target_semaphore(%run_scoped3A : memref<!tpu.dma_semaphore, #tpu.memory_space<semaphore_mem>>)
        %dma_wait3A = arith.constant 0 : i32
        %dma_wait3A_89 = tpu.memref_slice %arg8[%mul3A_85, %dma_wait3A] : memref<100352x16xf32, #tpu.memory_space<hbm>> -> memref<6272x16xf32, #tpu.memory_space<hbm>>
        %dma_wait3A_90 = arith.constant 0 : i32
        %dma_wait3A_91 = tpu.memref_slice %arg17[%mul3A_83, %dma_wait3A_90] : memref<100352x16xf32, #tpu.memory_space<vmem_shared>> -> memref<6272x16xf32, #tpu.memory_space<vmem_shared>>
        tpu.wait_dma2 semaphore(%run_scoped3A : memref<!tpu.dma_semaphore, #tpu.memory_space<semaphore_mem>>) src(%dma_wait3A_91 : memref<6272x16xf32, #tpu.memory_space<vmem_shared>>) dst(%dma_wait3A_89 : memref<6272x16xf32, #tpu.memory_space<hbm>>)
        tpu.yield
      }) : () -> ()
    } else {
    }
    %eq3A_33 = arith.constant 1 : i32
    %eq3A_34 = arith.cmpi eq, %arg0, %eq3A_33 : i32
    %convert_element_type3A_35 = arith.extui %eq3A_34 : i1 to i32
    %cond3A_36 = arith.constant 0 : i32
    %cond3A_37 = arith.cmpi ne, %convert_element_type3A_35, %cond3A_36 : i32
    scf.if %cond3A_37 {
      %mul3A_82 = arith.constant 6272 : i32
      %mul3A_83 = arith.muli %arg1, %mul3A_82 : i32
      %mul3A_84 = arith.constant 6272 : i32
      %mul3A_85 = arith.muli %arg1, %mul3A_84 : i32
      "tpu.region"() ({
        %run_scoped3A = tpu.sem_alloc : memref<!tpu.dma_semaphore, #tpu.memory_space<semaphore_mem>>
        %dma_start3A = arith.constant 0 : i32
        %dma_start3A_86 = tpu.memref_slice %arg9[%mul3A_85, %dma_start3A] : memref<100352x16xf32, #tpu.memory_space<hbm>> -> memref<6272x16xf32, #tpu.memory_space<hbm>>
        %dma_start3A_87 = arith.constant 0 : i32
        %dma_start3A_88 = tpu.memref_slice %arg17[%mul3A_83, %dma_start3A_87] : memref<100352x16xf32, #tpu.memory_space<vmem_shared>> -> memref<6272x16xf32, #tpu.memory_space<vmem_shared>>
        tpu.enqueue_dma source(%dma_start3A_88 : memref<6272x16xf32, #tpu.memory_space<vmem_shared>>) target(%dma_start3A_86 : memref<6272x16xf32, #tpu.memory_space<hbm>>) target_semaphore(%run_scoped3A : memref<!tpu.dma_semaphore, #tpu.memory_space<semaphore_mem>>)
        %dma_wait3A = arith.constant 0 : i32
        %dma_wait3A_89 = tpu.memref_slice %arg9[%mul3A_85, %dma_wait3A] : memref<100352x16xf32, #tpu.memory_space<hbm>> -> memref<6272x16xf32, #tpu.memory_space<hbm>>
        %dma_wait3A_90 = arith.constant 0 : i32
        %dma_wait3A_91 = tpu.memref_slice %arg17[%mul3A_83, %dma_wait3A_90] : memref<100352x16xf32, #tpu.memory_space<vmem_shared>> -> memref<6272x16xf32, #tpu.memory_space<vmem_shared>>
        tpu.wait_dma2 semaphore(%run_scoped3A : memref<!tpu.dma_semaphore, #tpu.memory_space<semaphore_mem>>) src(%dma_wait3A_91 : memref<6272x16xf32, #tpu.memory_space<vmem_shared>>) dst(%dma_wait3A_89 : memref<6272x16xf32, #tpu.memory_space<hbm>>)
        tpu.yield
      }) : () -> ()
    } else {
    }
    %mul3A_38 = arith.constant 6272 : i32
    %mul3A_39 = arith.muli %arg1, %mul3A_38 : i32
    %mul3A_40 = arith.constant 6272 : i32
    %mul3A_41 = arith.muli %arg1, %mul3A_40 : i32
    "tpu.region"() ({
      %run_scoped3A = tpu.sem_alloc : memref<!tpu.dma_semaphore, #tpu.memory_space<semaphore_mem>>
      %dma_start3A = arith.constant 0 : i32
      %dma_start3A_82 = tpu.memref_slice %arg17[%mul3A_41, %dma_start3A] : memref<100352x16xf32, #tpu.memory_space<vmem_shared>> -> memref<6272x16xf32, #tpu.memory_space<vmem_shared>>
      %dma_start3A_83 = arith.constant 0 : i32
      %dma_start3A_84 = tpu.memref_slice %arg5[%mul3A_39, %dma_start3A_83] : memref<100352x16xf32, #tpu.memory_space<hbm>> -> memref<6272x16xf32, #tpu.memory_space<hbm>>
      tpu.enqueue_dma source(%dma_start3A_84 : memref<6272x16xf32, #tpu.memory_space<hbm>>) target(%dma_start3A_82 : memref<6272x16xf32, #tpu.memory_space<vmem_shared>>) target_semaphore(%run_scoped3A : memref<!tpu.dma_semaphore, #tpu.memory_space<semaphore_mem>>)
      %dma_wait3A = arith.constant 0 : i32
      %dma_wait3A_85 = tpu.memref_slice %arg17[%mul3A_41, %dma_wait3A] : memref<100352x16xf32, #tpu.memory_space<vmem_shared>> -> memref<6272x16xf32, #tpu.memory_space<vmem_shared>>
      %dma_wait3A_86 = arith.constant 0 : i32
      %dma_wait3A_87 = tpu.memref_slice %arg5[%mul3A_39, %dma_wait3A_86] : memref<100352x16xf32, #tpu.memory_space<hbm>> -> memref<6272x16xf32, #tpu.memory_space<hbm>>
      tpu.wait_dma2 semaphore(%run_scoped3A : memref<!tpu.dma_semaphore, #tpu.memory_space<semaphore_mem>>) src(%dma_wait3A_87 : memref<6272x16xf32, #tpu.memory_space<hbm>>) dst(%dma_wait3A_85 : memref<6272x16xf32, #tpu.memory_space<vmem_shared>>)
      tpu.yield
    }) : () -> ()
    %barrier3A_42 = arith.constant 0 : index
    tpu.barrier barrier_id(%barrier3A_42)
    %scan3A_43 = arith.constant 0 : i32
    %scan3A_44 = arith.constant 0 : i32
    %scan3A_45 = arith.constant 202 : i32
    %scan3A_46 = arith.addi %scan3A_44, %scan3A_45 : i32
    %scan3A_47 = arith.constant 1 : i32
    scf.for %scan3A_82 = %scan3A_44 to %scan3A_46 step %scan3A_47  : i32 {
      %mul3A_83 = arith.constant 202 : i32
      %mul3A_84 = arith.muli %arg1, %mul3A_83 : i32
      %add3A = arith.addi %mul3A_84, %scan3A_82 : i32
      %mul3A_85 = arith.constant 1024 : i32
      %mul3A_86 = arith.muli %add3A, %mul3A_85 : i32
      "tpu.region"() ({
        %run_scoped3A_103 = tpu.sem_alloc : memref<!tpu.dma_semaphore, #tpu.memory_space<semaphore_mem>>
        %dma_start3A = tpu.memref_slice %arg2[%mul3A_86] : memref<3309568xi32, #tpu.memory_space<hbm>> -> memref<1024xi32, #tpu.memory_space<hbm>>
        %dma_start3A_104 = tpu.memref_slice %arg2[%mul3A_86] : memref<3309568xi32, #tpu.memory_space<hbm>> -> memref<1024xi32, #tpu.memory_space<hbm>>
        tpu.enqueue_dma source(%dma_start3A_104 : memref<1024xi32, #tpu.memory_space<hbm>>) target(%arg14 : memref<1024xi32, #tpu.memory_space<vmem>>) target_semaphore(%run_scoped3A_103 : memref<!tpu.dma_semaphore, #tpu.memory_space<semaphore_mem>>)
        %dma_wait3A = tpu.memref_slice %arg2[%mul3A_86] : memref<3309568xi32, #tpu.memory_space<hbm>> -> memref<1024xi32, #tpu.memory_space<hbm>>
        %dma_wait3A_105 = tpu.memref_slice %arg2[%mul3A_86] : memref<3309568xi32, #tpu.memory_space<hbm>> -> memref<1024xi32, #tpu.memory_space<hbm>>
        tpu.wait_dma2 semaphore(%run_scoped3A_103 : memref<!tpu.dma_semaphore, #tpu.memory_space<semaphore_mem>>) src(%dma_wait3A_105 : memref<1024xi32, #tpu.memory_space<hbm>>) dst(%arg14 : memref<1024xi32, #tpu.memory_space<vmem>>)
        tpu.yield
      }) : () -> ()
      %run_scoped3A = arith.constant 2 : i32
      "tpu.region"() ({
        %run_scoped3A_103 = tpu.sem_alloc : memref<!tpu.dma_semaphore, #tpu.memory_space<semaphore_mem>>
        %dma_start3A = tpu.memref_slice %arg3[%run_scoped3A, %mul3A_86] : memref<4x3309568xf32, #tpu.memory_space<hbm>> -> memref<1x1024xf32, #tpu.memory_space<hbm>>
        %dma_start3A_104 = tpu.memref_squeeze %dma_start3A : memref<1x1024xf32, #tpu.memory_space<hbm>> -> memref<1024xf32, #tpu.memory_space<hbm>>
        %dma_start3A_105 = tpu.memref_slice %arg3[%run_scoped3A, %mul3A_86] : memref<4x3309568xf32, #tpu.memory_space<hbm>> -> memref<1x1024xf32, #tpu.memory_space<hbm>>
        %dma_start3A_106 = tpu.memref_squeeze %dma_start3A_105 : memref<1x1024xf32, #tpu.memory_space<hbm>> -> memref<1024xf32, #tpu.memory_space<hbm>>
        tpu.enqueue_dma source(%dma_start3A_106 : memref<1024xf32, #tpu.memory_space<hbm>>) target(%arg15 : memref<1024xf32, #tpu.memory_space<vmem>>) target_semaphore(%run_scoped3A_103 : memref<!tpu.dma_semaphore, #tpu.memory_space<semaphore_mem>>)
        %dma_wait3A = tpu.memref_slice %arg3[%run_scoped3A, %mul3A_86] : memref<4x3309568xf32, #tpu.memory_space<hbm>> -> memref<1x1024xf32, #tpu.memory_space<hbm>>
        %dma_wait3A_107 = tpu.memref_squeeze %dma_wait3A : memref<1x1024xf32, #tpu.memory_space<hbm>> -> memref<1024xf32, #tpu.memory_space<hbm>>
        %dma_wait3A_108 = tpu.memref_slice %arg3[%run_scoped3A, %mul3A_86] : memref<4x3309568xf32, #tpu.memory_space<hbm>> -> memref<1x1024xf32, #tpu.memory_space<hbm>>
        %dma_wait3A_109 = tpu.memref_squeeze %dma_wait3A_108 : memref<1x1024xf32, #tpu.memory_space<hbm>> -> memref<1024xf32, #tpu.memory_space<hbm>>
        tpu.wait_dma2 semaphore(%run_scoped3A_103 : memref<!tpu.dma_semaphore, #tpu.memory_space<semaphore_mem>>) src(%dma_wait3A_109 : memref<1024xf32, #tpu.memory_space<hbm>>) dst(%arg15 : memref<1024xf32, #tpu.memory_space<vmem>>)
        tpu.yield
      }) : () -> ()
      %eq3A_87 = arith.constant 0 : i32
      %eq3A_88 = arith.cmpi eq, %arg0, %eq3A_87 : i32
      %convert_element_type3A_89 = arith.extui %eq3A_88 : i1 to i32
      %cond3A_90 = arith.constant 0 : i32
      %cond3A_91 = arith.cmpi ne, %convert_element_type3A_89, %cond3A_90 : i32
      scf.if %cond3A_91 {
        "tpu.region"() ({
          %run_scoped3A_103 = tpu.sem_alloc : memref<!tpu.dma_semaphore, #tpu.memory_space<semaphore_mem>>
          %dma_start3A = arith.constant 24 : i32
          %dma_start3A_104 = tpu.memref_slice %arg4[%mul3A_86, %dma_start3A] : memref<3309568x48xf32, #tpu.memory_space<hbm>> -> memref<1024x16xf32, #tpu.memory_space<hbm>>
          %dma_start3A_105 = arith.constant 24 : i32
          %dma_start3A_106 = tpu.memref_slice %arg4[%mul3A_86, %dma_start3A_105] : memref<3309568x48xf32, #tpu.memory_space<hbm>> -> memref<1024x16xf32, #tpu.memory_space<hbm>>
          tpu.enqueue_dma source(%dma_start3A_106 : memref<1024x16xf32, #tpu.memory_space<hbm>>) target(%arg16 : memref<1024x16xf32, #tpu.memory_space<vmem>>) target_semaphore(%run_scoped3A_103 : memref<!tpu.dma_semaphore, #tpu.memory_space<semaphore_mem>>)
          %dma_wait3A = arith.constant 24 : i32
          %dma_wait3A_107 = tpu.memref_slice %arg4[%mul3A_86, %dma_wait3A] : memref<3309568x48xf32, #tpu.memory_space<hbm>> -> memref<1024x16xf32, #tpu.memory_space<hbm>>
          %dma_wait3A_108 = arith.constant 24 : i32
          %dma_wait3A_109 = tpu.memref_slice %arg4[%mul3A_86, %dma_wait3A_108] : memref<3309568x48xf32, #tpu.memory_space<hbm>> -> memref<1024x16xf32, #tpu.memory_space<hbm>>
          tpu.wait_dma2 semaphore(%run_scoped3A_103 : memref<!tpu.dma_semaphore, #tpu.memory_space<semaphore_mem>>) src(%dma_wait3A_109 : memref<1024x16xf32, #tpu.memory_space<hbm>>) dst(%arg16 : memref<1024x16xf32, #tpu.memory_space<vmem>>)
          tpu.yield
        }) : () -> ()
      } else {
      }
      %eq3A_92 = arith.constant 1 : i32
      %eq3A_93 = arith.cmpi eq, %arg0, %eq3A_92 : i32
      %convert_element_type3A_94 = arith.extui %eq3A_93 : i1 to i32
      %cond3A_95 = arith.constant 0 : i32
      %cond3A_96 = arith.cmpi ne, %convert_element_type3A_94, %cond3A_95 : i32
      scf.if %cond3A_96 {
        "tpu.region"() ({
          %run_scoped3A_103 = tpu.sem_alloc : memref<!tpu.dma_semaphore, #tpu.memory_space<semaphore_mem>>
          %dma_start3A = arith.constant 32 : i32
          %dma_start3A_104 = tpu.memref_slice %arg4[%mul3A_86, %dma_start3A] : memref<3309568x48xf32, #tpu.memory_space<hbm>> -> memref<1024x16xf32, #tpu.memory_space<hbm>>
          %dma_start3A_105 = arith.constant 32 : i32
          %dma_start3A_106 = tpu.memref_slice %arg4[%mul3A_86, %dma_start3A_105] : memref<3309568x48xf32, #tpu.memory_space<hbm>> -> memref<1024x16xf32, #tpu.memory_space<hbm>>
          tpu.enqueue_dma source(%dma_start3A_106 : memref<1024x16xf32, #tpu.memory_space<hbm>>) target(%arg16 : memref<1024x16xf32, #tpu.memory_space<vmem>>) target_semaphore(%run_scoped3A_103 : memref<!tpu.dma_semaphore, #tpu.memory_space<semaphore_mem>>)
          %dma_wait3A = arith.constant 32 : i32
          %dma_wait3A_107 = tpu.memref_slice %arg4[%mul3A_86, %dma_wait3A] : memref<3309568x48xf32, #tpu.memory_space<hbm>> -> memref<1024x16xf32, #tpu.memory_space<hbm>>
          %dma_wait3A_108 = arith.constant 32 : i32
          %dma_wait3A_109 = tpu.memref_slice %arg4[%mul3A_86, %dma_wait3A_108] : memref<3309568x48xf32, #tpu.memory_space<hbm>> -> memref<1024x16xf32, #tpu.memory_space<hbm>>
          tpu.wait_dma2 semaphore(%run_scoped3A_103 : memref<!tpu.dma_semaphore, #tpu.memory_space<semaphore_mem>>) src(%dma_wait3A_109 : memref<1024x16xf32, #tpu.memory_space<hbm>>) dst(%arg16 : memref<1024x16xf32, #tpu.memory_space<vmem>>)
          tpu.yield
        }) : () -> ()
      } else {
      }
      %scan3A_97 = arith.constant 0 : i32
      %scan3A_98 = arith.constant 0 : i32
      %scan3A_99 = arith.constant 64 : i32
      %scan3A_100 = arith.addi %scan3A_98, %scan3A_99 : i32
      %scan3A_101 = arith.constant 1 : i32
      scf.for %scan3A_103 = %scan3A_98 to %scan3A_100 step %scan3A_101  : i32 {
        %mul3A_104 = arith.constant 16 : i32
        %mul3A_105 = arith.muli %scan3A_103, %mul3A_104 : i32
        %get3A = arith.index_cast %mul3A_105 : i32 to index
        %get3A_106 = tpu.vector_load %arg15[%get3A] {strides = array<i32>} : memref<1024xf32, #tpu.memory_space<vmem>>, vector<16xf32>,
        %get3A_107 = vector.shape_cast %get3A_106 : vector<16xf32> to vector<16xf32>
        %slice3A = vector.extract_strided_slice %get3A_107 {offsets = [0], sizes = [1], strides = [1]} : vector<16xf32> to vector<1xf32>
        %broadcast_in_dim3A = vector.shape_cast %slice3A : vector<1xf32> to vector<1xf32>
        %broadcast_in_dim3A_108 = vector.broadcast %broadcast_in_dim3A : vector<1xf32> to vector<16xf32>
        %mul3A_109 = arith.constant 16 : i32
        %mul3A_110 = arith.muli %scan3A_103, %mul3A_109 : i32
        %add3A_111 = arith.constant 0 : i32
        %add3A_112 = arith.addi %mul3A_110, %add3A_111 : i32
        %get3A_113 = arith.index_cast %add3A_112 : i32 to index
        %get3A_114 = arith.constant 0 : index
        %get3A_115 = tpu.vector_load %arg16[%get3A_113, %get3A_114] {strides = array<i32>} : memref<1024x16xf32, #tpu.memory_space<vmem>>, vector<1x16xf32>,
        %get3A_116 = vector.shape_cast %get3A_115 : vector<1x16xf32> to vector<16xf32>
        %mul3A_117 = arith.mulf %get3A_116, %broadcast_in_dim3A_108 : vector<16xf32>
        %swap3A = arith.index_cast %add3A_112 : i32 to index
        %swap3A_118 = arith.constant 0 : index
        %swap3A_119 = tpu.vector_load %arg16[%swap3A, %swap3A_118] {strides = array<i32>} : memref<1024x16xf32, #tpu.memory_space<vmem>>, vector<1x16xf32>,
        %swap3A_120 = vector.shape_cast %swap3A_119 : vector<1x16xf32> to vector<16xf32>
        %swap3A_121 = vector.shape_cast %mul3A_117 : vector<16xf32> to vector<1x16xf32>
        tpu.vector_store %arg16[%swap3A, %swap3A_118], %swap3A_121 {strides = array<i32>} : memref<1024x16xf32, #tpu.memory_space<vmem>>, vector<1x16xf32>,
        %slice3A_122 = vector.extract_strided_slice %get3A_107 {offsets = [1], sizes = [1], strides = [1]} : vector<16xf32> to vector<1xf32>
        %broadcast_in_dim3A_123 = vector.shape_cast %slice3A_122 : vector<1xf32> to vector<1xf32>
        %broadcast_in_dim3A_124 = vector.broadcast %broadcast_in_dim3A_123 : vector<1xf32> to vector<16xf32>
        %mul3A_125 = arith.constant 16 : i32
        %mul3A_126 = arith.muli %scan3A_103, %mul3A_125 : i32
        %add3A_127 = arith.constant 1 : i32
        %add3A_128 = arith.addi %mul3A_126, %add3A_127 : i32
        %get3A_129 = arith.index_cast %add3A_128 : i32 to index
        %get3A_130 = arith.constant 0 : index
        %get3A_131 = tpu.vector_load %arg16[%get3A_129, %get3A_130] {strides = array<i32>} : memref<1024x16xf32, #tpu.memory_space<vmem>>, vector<1x16xf32>,
        %get3A_132 = vector.shape_cast %get3A_131 : vector<1x16xf32> to vector<16xf32>
        %mul3A_133 = arith.mulf %get3A_132, %broadcast_in_dim3A_124 : vector<16xf32>
        %swap3A_134 = arith.index_cast %add3A_128 : i32 to index
        %swap3A_135 = arith.constant 0 : index
        %swap3A_136 = tpu.vector_load %arg16[%swap3A_134, %swap3A_135] {strides = array<i32>} : memref<1024x16xf32, #tpu.memory_space<vmem>>, vector<1x16xf32>,
        %swap3A_137 = vector.shape_cast %swap3A_136 : vector<1x16xf32> to vector<16xf32>
        %swap3A_138 = vector.shape_cast %mul3A_133 : vector<16xf32> to vector<1x16xf32>
        tpu.vector_store %arg16[%swap3A_134, %swap3A_135], %swap3A_138 {strides = array<i32>} : memref<1024x16xf32, #tpu.memory_space<vmem>>, vector<1x16xf32>,
        %slice3A_139 = vector.extract_strided_slice %get3A_107 {offsets = [2], sizes = [1], strides = [1]} : vector<16xf32> to vector<1xf32>
        %broadcast_in_dim3A_140 = vector.shape_cast %slice3A_139 : vector<1xf32> to vector<1xf32>
        %broadcast_in_dim3A_141 = vector.broadcast %broadcast_in_dim3A_140 : vector<1xf32> to vector<16xf32>
        %mul3A_142 = arith.constant 16 : i32
        %mul3A_143 = arith.muli %scan3A_103, %mul3A_142 : i32
        %add3A_144 = arith.constant 2 : i32
        %add3A_145 = arith.addi %mul3A_143, %add3A_144 : i32
        %get3A_146 = arith.index_cast %add3A_145 : i32 to index
        %get3A_147 = arith.constant 0 : index
        %get3A_148 = tpu.vector_load %arg16[%get3A_146, %get3A_147] {strides = array<i32>} : memref<1024x16xf32, #tpu.memory_space<vmem>>, vector<1x16xf32>,
        %get3A_149 = vector.shape_cast %get3A_148 : vector<1x16xf32> to vector<16xf32>
        %mul3A_150 = arith.mulf %get3A_149, %broadcast_in_dim3A_141 : vector<16xf32>
        %swap3A_151 = arith.index_cast %add3A_145 : i32 to index
        %swap3A_152 = arith.constant 0 : index
        %swap3A_153 = tpu.vector_load %arg16[%swap3A_151, %swap3A_152] {strides = array<i32>} : memref<1024x16xf32, #tpu.memory_space<vmem>>, vector<1x16xf32>,
        %swap3A_154 = vector.shape_cast %swap3A_153 : vector<1x16xf32> to vector<16xf32>
        %swap3A_155 = vector.shape_cast %mul3A_150 : vector<16xf32> to vector<1x16xf32>
        tpu.vector_store %arg16[%swap3A_151, %swap3A_152], %swap3A_155 {strides = array<i32>} : memref<1024x16xf32, #tpu.memory_space<vmem>>, vector<1x16xf32>,
        %slice3A_156 = vector.extract_strided_slice %get3A_107 {offsets = [3], sizes = [1], strides = [1]} : vector<16xf32> to vector<1xf32>
        %broadcast_in_dim3A_157 = vector.shape_cast %slice3A_156 : vector<1xf32> to vector<1xf32>
        %broadcast_in_dim3A_158 = vector.broadcast %broadcast_in_dim3A_157 : vector<1xf32> to vector<16xf32>
        %mul3A_159 = arith.constant 16 : i32
        %mul3A_160 = arith.muli %scan3A_103, %mul3A_159 : i32
        %add3A_161 = arith.constant 3 : i32
        %add3A_162 = arith.addi %mul3A_160, %add3A_161 : i32
        %get3A_163 = arith.index_cast %add3A_162 : i32 to index
        %get3A_164 = arith.constant 0 : index
        %get3A_165 = tpu.vector_load %arg16[%get3A_163, %get3A_164] {strides = array<i32>} : memref<1024x16xf32, #tpu.memory_space<vmem>>, vector<1x16xf32>,
        %get3A_166 = vector.shape_cast %get3A_165 : vector<1x16xf32> to vector<16xf32>
        %mul3A_167 = arith.mulf %get3A_166, %broadcast_in_dim3A_158 : vector<16xf32>
        %swap3A_168 = arith.index_cast %add3A_162 : i32 to index
        %swap3A_169 = arith.constant 0 : index
        %swap3A_170 = tpu.vector_load %arg16[%swap3A_168, %swap3A_169] {strides = array<i32>} : memref<1024x16xf32, #tpu.memory_space<vmem>>, vector<1x16xf32>,
        %swap3A_171 = vector.shape_cast %swap3A_170 : vector<1x16xf32> to vector<16xf32>
        %swap3A_172 = vector.shape_cast %mul3A_167 : vector<16xf32> to vector<1x16xf32>
        tpu.vector_store %arg16[%swap3A_168, %swap3A_169], %swap3A_172 {strides = array<i32>} : memref<1024x16xf32, #tpu.memory_space<vmem>>, vector<1x16xf32>,
        %slice3A_173 = vector.extract_strided_slice %get3A_107 {offsets = [4], sizes = [1], strides = [1]} : vector<16xf32> to vector<1xf32>
        %broadcast_in_dim3A_174 = vector.shape_cast %slice3A_173 : vector<1xf32> to vector<1xf32>
        %broadcast_in_dim3A_175 = vector.broadcast %broadcast_in_dim3A_174 : vector<1xf32> to vector<16xf32>
        %mul3A_176 = arith.constant 16 : i32
        %mul3A_177 = arith.muli %scan3A_103, %mul3A_176 : i32
        %add3A_178 = arith.constant 4 : i32
        %add3A_179 = arith.addi %mul3A_177, %add3A_178 : i32
        %get3A_180 = arith.index_cast %add3A_179 : i32 to index
        %get3A_181 = arith.constant 0 : index
        %get3A_182 = tpu.vector_load %arg16[%get3A_180, %get3A_181] {strides = array<i32>} : memref<1024x16xf32, #tpu.memory_space<vmem>>, vector<1x16xf32>,
        %get3A_183 = vector.shape_cast %get3A_182 : vector<1x16xf32> to vector<16xf32>
        %mul3A_184 = arith.mulf %get3A_183, %broadcast_in_dim3A_175 : vector<16xf32>
        %swap3A_185 = arith.index_cast %add3A_179 : i32 to index
        %swap3A_186 = arith.constant 0 : index
        %swap3A_187 = tpu.vector_load %arg16[%swap3A_185, %swap3A_186] {strides = array<i32>} : memref<1024x16xf32, #tpu.memory_space<vmem>>, vector<1x16xf32>,
        %swap3A_188 = vector.shape_cast %swap3A_187 : vector<1x16xf32> to vector<16xf32>
        %swap3A_189 = vector.shape_cast %mul3A_184 : vector<16xf32> to vector<1x16xf32>
        tpu.vector_store %arg16[%swap3A_185, %swap3A_186], %swap3A_189 {strides = array<i32>} : memref<1024x16xf32, #tpu.memory_space<vmem>>, vector<1x16xf32>,
        %slice3A_190 = vector.extract_strided_slice %get3A_107 {offsets = [5], sizes = [1], strides = [1]} : vector<16xf32> to vector<1xf32>
        %broadcast_in_dim3A_191 = vector.shape_cast %slice3A_190 : vector<1xf32> to vector<1xf32>
        %broadcast_in_dim3A_192 = vector.broadcast %broadcast_in_dim3A_191 : vector<1xf32> to vector<16xf32>
        %mul3A_193 = arith.constant 16 : i32
        %mul3A_194 = arith.muli %scan3A_103, %mul3A_193 : i32
        %add3A_195 = arith.constant 5 : i32
        %add3A_196 = arith.addi %mul3A_194, %add3A_195 : i32
        %get3A_197 = arith.index_cast %add3A_196 : i32 to index
        %get3A_198 = arith.constant 0 : index
        %get3A_199 = tpu.vector_load %arg16[%get3A_197, %get3A_198] {strides = array<i32>} : memref<1024x16xf32, #tpu.memory_space<vmem>>, vector<1x16xf32>,
        %get3A_200 = vector.shape_cast %get3A_199 : vector<1x16xf32> to vector<16xf32>
        %mul3A_201 = arith.mulf %get3A_200, %broadcast_in_dim3A_192 : vector<16xf32>
        %swap3A_202 = arith.index_cast %add3A_196 : i32 to index
        %swap3A_203 = arith.constant 0 : index
        %swap3A_204 = tpu.vector_load %arg16[%swap3A_202, %swap3A_203] {strides = array<i32>} : memref<1024x16xf32, #tpu.memory_space<vmem>>, vector<1x16xf32>,
        %swap3A_205 = vector.shape_cast %swap3A_204 : vector<1x16xf32> to vector<16xf32>
        %swap3A_206 = vector.shape_cast %mul3A_201 : vector<16xf32> to vector<1x16xf32>
        tpu.vector_store %arg16[%swap3A_202, %swap3A_203], %swap3A_206 {strides = array<i32>} : memref<1024x16xf32, #tpu.memory_space<vmem>>, vector<1x16xf32>,
        %slice3A_207 = vector.extract_strided_slice %get3A_107 {offsets = [6], sizes = [1], strides = [1]} : vector<16xf32> to vector<1xf32>
        %broadcast_in_dim3A_208 = vector.shape_cast %slice3A_207 : vector<1xf32> to vector<1xf32>
        %broadcast_in_dim3A_209 = vector.broadcast %broadcast_in_dim3A_208 : vector<1xf32> to vector<16xf32>
        %mul3A_210 = arith.constant 16 : i32
        %mul3A_211 = arith.muli %scan3A_103, %mul3A_210 : i32
        %add3A_212 = arith.constant 6 : i32
        %add3A_213 = arith.addi %mul3A_211, %add3A_212 : i32
        %get3A_214 = arith.index_cast %add3A_213 : i32 to index
        %get3A_215 = arith.constant 0 : index
        %get3A_216 = tpu.vector_load %arg16[%get3A_214, %get3A_215] {strides = array<i32>} : memref<1024x16xf32, #tpu.memory_space<vmem>>, vector<1x16xf32>,
        %get3A_217 = vector.shape_cast %get3A_216 : vector<1x16xf32> to vector<16xf32>
        %mul3A_218 = arith.mulf %get3A_217, %broadcast_in_dim3A_209 : vector<16xf32>
        %swap3A_219 = arith.index_cast %add3A_213 : i32 to index
        %swap3A_220 = arith.constant 0 : index
        %swap3A_221 = tpu.vector_load %arg16[%swap3A_219, %swap3A_220] {strides = array<i32>} : memref<1024x16xf32, #tpu.memory_space<vmem>>, vector<1x16xf32>,
        %swap3A_222 = vector.shape_cast %swap3A_221 : vector<1x16xf32> to vector<16xf32>
        %swap3A_223 = vector.shape_cast %mul3A_218 : vector<16xf32> to vector<1x16xf32>
        tpu.vector_store %arg16[%swap3A_219, %swap3A_220], %swap3A_223 {strides = array<i32>} : memref<1024x16xf32, #tpu.memory_space<vmem>>, vector<1x16xf32>,
        %slice3A_224 = vector.extract_strided_slice %get3A_107 {offsets = [7], sizes = [1], strides = [1]} : vector<16xf32> to vector<1xf32>
        %broadcast_in_dim3A_225 = vector.shape_cast %slice3A_224 : vector<1xf32> to vector<1xf32>
        %broadcast_in_dim3A_226 = vector.broadcast %broadcast_in_dim3A_225 : vector<1xf32> to vector<16xf32>
        %mul3A_227 = arith.constant 16 : i32
        %mul3A_228 = arith.muli %scan3A_103, %mul3A_227 : i32
        %add3A_229 = arith.constant 7 : i32
        %add3A_230 = arith.addi %mul3A_228, %add3A_229 : i32
        %get3A_231 = arith.index_cast %add3A_230 : i32 to index
        %get3A_232 = arith.constant 0 : index
        %get3A_233 = tpu.vector_load %arg16[%get3A_231, %get3A_232] {strides = array<i32>} : memref<1024x16xf32, #tpu.memory_space<vmem>>, vector<1x16xf32>,
        %get3A_234 = vector.shape_cast %get3A_233 : vector<1x16xf32> to vector<16xf32>
        %mul3A_235 = arith.mulf %get3A_234, %broadcast_in_dim3A_226 : vector<16xf32>
        %swap3A_236 = arith.index_cast %add3A_230 : i32 to index
        %swap3A_237 = arith.constant 0 : index
        %swap3A_238 = tpu.vector_load %arg16[%swap3A_236, %swap3A_237] {strides = array<i32>} : memref<1024x16xf32, #tpu.memory_space<vmem>>, vector<1x16xf32>,
        %swap3A_239 = vector.shape_cast %swap3A_238 : vector<1x16xf32> to vector<16xf32>
        %swap3A_240 = vector.shape_cast %mul3A_235 : vector<16xf32> to vector<1x16xf32>
        tpu.vector_store %arg16[%swap3A_236, %swap3A_237], %swap3A_240 {strides = array<i32>} : memref<1024x16xf32, #tpu.memory_space<vmem>>, vector<1x16xf32>,
        %slice3A_241 = vector.extract_strided_slice %get3A_107 {offsets = [8], sizes = [1], strides = [1]} : vector<16xf32> to vector<1xf32>
        %broadcast_in_dim3A_242 = vector.shape_cast %slice3A_241 : vector<1xf32> to vector<1xf32>
        %broadcast_in_dim3A_243 = vector.broadcast %broadcast_in_dim3A_242 : vector<1xf32> to vector<16xf32>
        %mul3A_244 = arith.constant 16 : i32
        %mul3A_245 = arith.muli %scan3A_103, %mul3A_244 : i32
        %add3A_246 = arith.constant 8 : i32
        %add3A_247 = arith.addi %mul3A_245, %add3A_246 : i32
        %get3A_248 = arith.index_cast %add3A_247 : i32 to index
        %get3A_249 = arith.constant 0 : index
        %get3A_250 = tpu.vector_load %arg16[%get3A_248, %get3A_249] {strides = array<i32>} : memref<1024x16xf32, #tpu.memory_space<vmem>>, vector<1x16xf32>,
        %get3A_251 = vector.shape_cast %get3A_250 : vector<1x16xf32> to vector<16xf32>
        %mul3A_252 = arith.mulf %get3A_251, %broadcast_in_dim3A_243 : vector<16xf32>
        %swap3A_253 = arith.index_cast %add3A_247 : i32 to index
        %swap3A_254 = arith.constant 0 : index
        %swap3A_255 = tpu.vector_load %arg16[%swap3A_253, %swap3A_254] {strides = array<i32>} : memref<1024x16xf32, #tpu.memory_space<vmem>>, vector<1x16xf32>,
        %swap3A_256 = vector.shape_cast %swap3A_255 : vector<1x16xf32> to vector<16xf32>
        %swap3A_257 = vector.shape_cast %mul3A_252 : vector<16xf32> to vector<1x16xf32>
        tpu.vector_store %arg16[%swap3A_253, %swap3A_254], %swap3A_257 {strides = array<i32>} : memref<1024x16xf32, #tpu.memory_space<vmem>>, vector<1x16xf32>,
        %slice3A_258 = vector.extract_strided_slice %get3A_107 {offsets = [9], sizes = [1], strides = [1]} : vector<16xf32> to vector<1xf32>
        %broadcast_in_dim3A_259 = vector.shape_cast %slice3A_258 : vector<1xf32> to vector<1xf32>
        %broadcast_in_dim3A_260 = vector.broadcast %broadcast_in_dim3A_259 : vector<1xf32> to vector<16xf32>
        %mul3A_261 = arith.constant 16 : i32
        %mul3A_262 = arith.muli %scan3A_103, %mul3A_261 : i32
        %add3A_263 = arith.constant 9 : i32
        %add3A_264 = arith.addi %mul3A_262, %add3A_263 : i32
        %get3A_265 = arith.index_cast %add3A_264 : i32 to index
        %get3A_266 = arith.constant 0 : index
        %get3A_267 = tpu.vector_load %arg16[%get3A_265, %get3A_266] {strides = array<i32>} : memref<1024x16xf32, #tpu.memory_space<vmem>>, vector<1x16xf32>,
        %get3A_268 = vector.shape_cast %get3A_267 : vector<1x16xf32> to vector<16xf32>
        %mul3A_269 = arith.mulf %get3A_268, %broadcast_in_dim3A_260 : vector<16xf32>
        %swap3A_270 = arith.index_cast %add3A_264 : i32 to index
        %swap3A_271 = arith.constant 0 : index
        %swap3A_272 = tpu.vector_load %arg16[%swap3A_270, %swap3A_271] {strides = array<i32>} : memref<1024x16xf32, #tpu.memory_space<vmem>>, vector<1x16xf32>,
        %swap3A_273 = vector.shape_cast %swap3A_272 : vector<1x16xf32> to vector<16xf32>
        %swap3A_274 = vector.shape_cast %mul3A_269 : vector<16xf32> to vector<1x16xf32>
        tpu.vector_store %arg16[%swap3A_270, %swap3A_271], %swap3A_274 {strides = array<i32>} : memref<1024x16xf32, #tpu.memory_space<vmem>>, vector<1x16xf32>,
        %slice3A_275 = vector.extract_strided_slice %get3A_107 {offsets = [10], sizes = [1], strides = [1]} : vector<16xf32> to vector<1xf32>
        %broadcast_in_dim3A_276 = vector.shape_cast %slice3A_275 : vector<1xf32> to vector<1xf32>
        %broadcast_in_dim3A_277 = vector.broadcast %broadcast_in_dim3A_276 : vector<1xf32> to vector<16xf32>
        %mul3A_278 = arith.constant 16 : i32
        %mul3A_279 = arith.muli %scan3A_103, %mul3A_278 : i32
        %add3A_280 = arith.constant 10 : i32
        %add3A_281 = arith.addi %mul3A_279, %add3A_280 : i32
        %get3A_282 = arith.index_cast %add3A_281 : i32 to index
        %get3A_283 = arith.constant 0 : index
        %get3A_284 = tpu.vector_load %arg16[%get3A_282, %get3A_283] {strides = array<i32>} : memref<1024x16xf32, #tpu.memory_space<vmem>>, vector<1x16xf32>,
        %get3A_285 = vector.shape_cast %get3A_284 : vector<1x16xf32> to vector<16xf32>
        %mul3A_286 = arith.mulf %get3A_285, %broadcast_in_dim3A_277 : vector<16xf32>
        %swap3A_287 = arith.index_cast %add3A_281 : i32 to index
        %swap3A_288 = arith.constant 0 : index
        %swap3A_289 = tpu.vector_load %arg16[%swap3A_287, %swap3A_288] {strides = array<i32>} : memref<1024x16xf32, #tpu.memory_space<vmem>>, vector<1x16xf32>,
        %swap3A_290 = vector.shape_cast %swap3A_289 : vector<1x16xf32> to vector<16xf32>
        %swap3A_291 = vector.shape_cast %mul3A_286 : vector<16xf32> to vector<1x16xf32>
        tpu.vector_store %arg16[%swap3A_287, %swap3A_288], %swap3A_291 {strides = array<i32>} : memref<1024x16xf32, #tpu.memory_space<vmem>>, vector<1x16xf32>,
        %slice3A_292 = vector.extract_strided_slice %get3A_107 {offsets = [11], sizes = [1], strides = [1]} : vector<16xf32> to vector<1xf32>
        %broadcast_in_dim3A_293 = vector.shape_cast %slice3A_292 : vector<1xf32> to vector<1xf32>
        %broadcast_in_dim3A_294 = vector.broadcast %broadcast_in_dim3A_293 : vector<1xf32> to vector<16xf32>
        %mul3A_295 = arith.constant 16 : i32
        %mul3A_296 = arith.muli %scan3A_103, %mul3A_295 : i32
        %add3A_297 = arith.constant 11 : i32
        %add3A_298 = arith.addi %mul3A_296, %add3A_297 : i32
        %get3A_299 = arith.index_cast %add3A_298 : i32 to index
        %get3A_300 = arith.constant 0 : index
        %get3A_301 = tpu.vector_load %arg16[%get3A_299, %get3A_300] {strides = array<i32>} : memref<1024x16xf32, #tpu.memory_space<vmem>>, vector<1x16xf32>,
        %get3A_302 = vector.shape_cast %get3A_301 : vector<1x16xf32> to vector<16xf32>
        %mul3A_303 = arith.mulf %get3A_302, %broadcast_in_dim3A_294 : vector<16xf32>
        %swap3A_304 = arith.index_cast %add3A_298 : i32 to index
        %swap3A_305 = arith.constant 0 : index
        %swap3A_306 = tpu.vector_load %arg16[%swap3A_304, %swap3A_305] {strides = array<i32>} : memref<1024x16xf32, #tpu.memory_space<vmem>>, vector<1x16xf32>,
        %swap3A_307 = vector.shape_cast %swap3A_306 : vector<1x16xf32> to vector<16xf32>
        %swap3A_308 = vector.shape_cast %mul3A_303 : vector<16xf32> to vector<1x16xf32>
        tpu.vector_store %arg16[%swap3A_304, %swap3A_305], %swap3A_308 {strides = array<i32>} : memref<1024x16xf32, #tpu.memory_space<vmem>>, vector<1x16xf32>,
        %slice3A_309 = vector.extract_strided_slice %get3A_107 {offsets = [12], sizes = [1], strides = [1]} : vector<16xf32> to vector<1xf32>
        %broadcast_in_dim3A_310 = vector.shape_cast %slice3A_309 : vector<1xf32> to vector<1xf32>
        %broadcast_in_dim3A_311 = vector.broadcast %broadcast_in_dim3A_310 : vector<1xf32> to vector<16xf32>
        %mul3A_312 = arith.constant 16 : i32
        %mul3A_313 = arith.muli %scan3A_103, %mul3A_312 : i32
        %add3A_314 = arith.constant 12 : i32
        %add3A_315 = arith.addi %mul3A_313, %add3A_314 : i32
        %get3A_316 = arith.index_cast %add3A_315 : i32 to index
        %get3A_317 = arith.constant 0 : index
        %get3A_318 = tpu.vector_load %arg16[%get3A_316, %get3A_317] {strides = array<i32>} : memref<1024x16xf32, #tpu.memory_space<vmem>>, vector<1x16xf32>,
        %get3A_319 = vector.shape_cast %get3A_318 : vector<1x16xf32> to vector<16xf32>
        %mul3A_320 = arith.mulf %get3A_319, %broadcast_in_dim3A_311 : vector<16xf32>
        %swap3A_321 = arith.index_cast %add3A_315 : i32 to index
        %swap3A_322 = arith.constant 0 : index
        %swap3A_323 = tpu.vector_load %arg16[%swap3A_321, %swap3A_322] {strides = array<i32>} : memref<1024x16xf32, #tpu.memory_space<vmem>>, vector<1x16xf32>,
        %swap3A_324 = vector.shape_cast %swap3A_323 : vector<1x16xf32> to vector<16xf32>
        %swap3A_325 = vector.shape_cast %mul3A_320 : vector<16xf32> to vector<1x16xf32>
        tpu.vector_store %arg16[%swap3A_321, %swap3A_322], %swap3A_325 {strides = array<i32>} : memref<1024x16xf32, #tpu.memory_space<vmem>>, vector<1x16xf32>,
        %slice3A_326 = vector.extract_strided_slice %get3A_107 {offsets = [13], sizes = [1], strides = [1]} : vector<16xf32> to vector<1xf32>
        %broadcast_in_dim3A_327 = vector.shape_cast %slice3A_326 : vector<1xf32> to vector<1xf32>
        %broadcast_in_dim3A_328 = vector.broadcast %broadcast_in_dim3A_327 : vector<1xf32> to vector<16xf32>
        %mul3A_329 = arith.constant 16 : i32
        %mul3A_330 = arith.muli %scan3A_103, %mul3A_329 : i32
        %add3A_331 = arith.constant 13 : i32
        %add3A_332 = arith.addi %mul3A_330, %add3A_331 : i32
        %get3A_333 = arith.index_cast %add3A_332 : i32 to index
        %get3A_334 = arith.constant 0 : index
        %get3A_335 = tpu.vector_load %arg16[%get3A_333, %get3A_334] {strides = array<i32>} : memref<1024x16xf32, #tpu.memory_space<vmem>>, vector<1x16xf32>,
        %get3A_336 = vector.shape_cast %get3A_335 : vector<1x16xf32> to vector<16xf32>
        %mul3A_337 = arith.mulf %get3A_336, %broadcast_in_dim3A_328 : vector<16xf32>
        %swap3A_338 = arith.index_cast %add3A_332 : i32 to index
        %swap3A_339 = arith.constant 0 : index
        %swap3A_340 = tpu.vector_load %arg16[%swap3A_338, %swap3A_339] {strides = array<i32>} : memref<1024x16xf32, #tpu.memory_space<vmem>>, vector<1x16xf32>,
        %swap3A_341 = vector.shape_cast %swap3A_340 : vector<1x16xf32> to vector<16xf32>
        %swap3A_342 = vector.shape_cast %mul3A_337 : vector<16xf32> to vector<1x16xf32>
        tpu.vector_store %arg16[%swap3A_338, %swap3A_339], %swap3A_342 {strides = array<i32>} : memref<1024x16xf32, #tpu.memory_space<vmem>>, vector<1x16xf32>,
        %slice3A_343 = vector.extract_strided_slice %get3A_107 {offsets = [14], sizes = [1], strides = [1]} : vector<16xf32> to vector<1xf32>
        %broadcast_in_dim3A_344 = vector.shape_cast %slice3A_343 : vector<1xf32> to vector<1xf32>
        %broadcast_in_dim3A_345 = vector.broadcast %broadcast_in_dim3A_344 : vector<1xf32> to vector<16xf32>
        %mul3A_346 = arith.constant 16 : i32
        %mul3A_347 = arith.muli %scan3A_103, %mul3A_346 : i32
        %add3A_348 = arith.constant 14 : i32
        %add3A_349 = arith.addi %mul3A_347, %add3A_348 : i32
        %get3A_350 = arith.index_cast %add3A_349 : i32 to index
        %get3A_351 = arith.constant 0 : index
        %get3A_352 = tpu.vector_load %arg16[%get3A_350, %get3A_351] {strides = array<i32>} : memref<1024x16xf32, #tpu.memory_space<vmem>>, vector<1x16xf32>,
        %get3A_353 = vector.shape_cast %get3A_352 : vector<1x16xf32> to vector<16xf32>
        %mul3A_354 = arith.mulf %get3A_353, %broadcast_in_dim3A_345 : vector<16xf32>
        %swap3A_355 = arith.index_cast %add3A_349 : i32 to index
        %swap3A_356 = arith.constant 0 : index
        %swap3A_357 = tpu.vector_load %arg16[%swap3A_355, %swap3A_356] {strides = array<i32>} : memref<1024x16xf32, #tpu.memory_space<vmem>>, vector<1x16xf32>,
        %swap3A_358 = vector.shape_cast %swap3A_357 : vector<1x16xf32> to vector<16xf32>
        %swap3A_359 = vector.shape_cast %mul3A_354 : vector<16xf32> to vector<1x16xf32>
        tpu.vector_store %arg16[%swap3A_355, %swap3A_356], %swap3A_359 {strides = array<i32>} : memref<1024x16xf32, #tpu.memory_space<vmem>>, vector<1x16xf32>,
        %slice3A_360 = vector.extract_strided_slice %get3A_107 {offsets = [15], sizes = [1], strides = [1]} : vector<16xf32> to vector<1xf32>
        %broadcast_in_dim3A_361 = vector.shape_cast %slice3A_360 : vector<1xf32> to vector<1xf32>
        %broadcast_in_dim3A_362 = vector.broadcast %broadcast_in_dim3A_361 : vector<1xf32> to vector<16xf32>
        %mul3A_363 = arith.constant 16 : i32
        %mul3A_364 = arith.muli %scan3A_103, %mul3A_363 : i32
        %add3A_365 = arith.constant 15 : i32
        %add3A_366 = arith.addi %mul3A_364, %add3A_365 : i32
        %get3A_367 = arith.index_cast %add3A_366 : i32 to index
        %get3A_368 = arith.constant 0 : index
        %get3A_369 = tpu.vector_load %arg16[%get3A_367, %get3A_368] {strides = array<i32>} : memref<1024x16xf32, #tpu.memory_space<vmem>>, vector<1x16xf32>,
        %get3A_370 = vector.shape_cast %get3A_369 : vector<1x16xf32> to vector<16xf32>
        %mul3A_371 = arith.mulf %get3A_370, %broadcast_in_dim3A_362 : vector<16xf32>
        %swap3A_372 = arith.index_cast %add3A_366 : i32 to index
        %swap3A_373 = arith.constant 0 : index
        %swap3A_374 = tpu.vector_load %arg16[%swap3A_372, %swap3A_373] {strides = array<i32>} : memref<1024x16xf32, #tpu.memory_space<vmem>>, vector<1x16xf32>,
        %swap3A_375 = vector.shape_cast %swap3A_374 : vector<1x16xf32> to vector<16xf32>
        %swap3A_376 = vector.shape_cast %mul3A_371 : vector<16xf32> to vector<1x16xf32>
        tpu.vector_store %arg16[%swap3A_372, %swap3A_373], %swap3A_376 {strides = array<i32>} : memref<1024x16xf32, #tpu.memory_space<vmem>>, vector<1x16xf32>,
      }
      %scan3A_102 = arith.constant 64 : i32
      "tpu.region"() ({
        %run_scoped3A_103 = tpu.sem_alloc : memref<!tpu.dma_semaphore, #tpu.memory_space<semaphore_mem>>
        %dma_start3A = arith.constant 0 : i32
        %dma_start3A_104 = arith.constant 0 : i32
        %dma_start3A_105 = tpu.memref_slice %arg17[%dma_start3A, %dma_start3A_104] : memref<100352x16xf32, #tpu.memory_space<vmem_shared>> -> memref<100352x16xf32, #tpu.memory_space<vmem_shared>>
        tpu.enqueue_indirect_dma source(%arg16 : memref<1024x16xf32, #tpu.memory_space<vmem>>) target(%dma_start3A_105 : memref<100352x16xf32, #tpu.memory_space<vmem_shared>>) offsets(%arg14 : memref<1024xi32, #tpu.memory_space<vmem>>) semaphore(%run_scoped3A_103 : memref<!tpu.dma_semaphore, #tpu.memory_space<semaphore_mem>>) {add = true}
        %dma_wait3A = arith.constant 0 : i32
        %dma_wait3A_106 = arith.constant 0 : i32
        %dma_wait3A_107 = tpu.memref_slice %arg17[%dma_wait3A, %dma_wait3A_106] : memref<100352x16xf32, #tpu.memory_space<vmem_shared>> -> memref<100352x16xf32, #tpu.memory_space<vmem_shared>>
        tpu.wait_indirect_dma semaphore(%run_scoped3A_103 : memref<!tpu.dma_semaphore, #tpu.memory_space<semaphore_mem>>) src(%arg16 : memref<1024x16xf32, #tpu.memory_space<vmem>>) dst(%dma_wait3A_107 : memref<100352x16xf32, #tpu.memory_space<vmem_shared>>)
        tpu.yield
      }) : () -> ()
    }
    %scan3A_48 = arith.constant 202 : i32
    %barrier3A_49 = arith.constant 0 : index
    tpu.barrier barrier_id(%barrier3A_49)
    %eq3A_50 = arith.constant 0 : i32
    %eq3A_51 = arith.cmpi eq, %arg0, %eq3A_50 : i32
    %convert_element_type3A_52 = arith.extui %eq3A_51 : i1 to i32
    %cond3A_53 = arith.constant 0 : i32
    %cond3A_54 = arith.cmpi ne, %convert_element_type3A_52, %cond3A_53 : i32
    scf.if %cond3A_54 {
      %mul3A_82 = arith.constant 6272 : i32
      %mul3A_83 = arith.muli %arg1, %mul3A_82 : i32
      %mul3A_84 = arith.constant 6272 : i32
      %mul3A_85 = arith.muli %arg1, %mul3A_84 : i32
      "tpu.region"() ({
        %run_scoped3A = tpu.sem_alloc : memref<!tpu.dma_semaphore, #tpu.memory_space<semaphore_mem>>
        %dma_start3A = arith.constant 0 : i32
        %dma_start3A_86 = tpu.memref_slice %arg10[%mul3A_85, %dma_start3A] : memref<100352x16xf32, #tpu.memory_space<hbm>> -> memref<6272x16xf32, #tpu.memory_space<hbm>>
        %dma_start3A_87 = arith.constant 0 : i32
        %dma_start3A_88 = tpu.memref_slice %arg17[%mul3A_83, %dma_start3A_87] : memref<100352x16xf32, #tpu.memory_space<vmem_shared>> -> memref<6272x16xf32, #tpu.memory_space<vmem_shared>>
        tpu.enqueue_dma source(%dma_start3A_88 : memref<6272x16xf32, #tpu.memory_space<vmem_shared>>) target(%dma_start3A_86 : memref<6272x16xf32, #tpu.memory_space<hbm>>) target_semaphore(%run_scoped3A : memref<!tpu.dma_semaphore, #tpu.memory_space<semaphore_mem>>)
        %dma_wait3A = arith.constant 0 : i32
        %dma_wait3A_89 = tpu.memref_slice %arg10[%mul3A_85, %dma_wait3A] : memref<100352x16xf32, #tpu.memory_space<hbm>> -> memref<6272x16xf32, #tpu.memory_space<hbm>>
        %dma_wait3A_90 = arith.constant 0 : i32
        %dma_wait3A_91 = tpu.memref_slice %arg17[%mul3A_83, %dma_wait3A_90] : memref<100352x16xf32, #tpu.memory_space<vmem_shared>> -> memref<6272x16xf32, #tpu.memory_space<vmem_shared>>
        tpu.wait_dma2 semaphore(%run_scoped3A : memref<!tpu.dma_semaphore, #tpu.memory_space<semaphore_mem>>) src(%dma_wait3A_91 : memref<6272x16xf32, #tpu.memory_space<vmem_shared>>) dst(%dma_wait3A_89 : memref<6272x16xf32, #tpu.memory_space<hbm>>)
        tpu.yield
      }) : () -> ()
    } else {
    }
    %eq3A_55 = arith.constant 1 : i32
    %eq3A_56 = arith.cmpi eq, %arg0, %eq3A_55 : i32
    %convert_element_type3A_57 = arith.extui %eq3A_56 : i1 to i32
    %cond3A_58 = arith.constant 0 : i32
    %cond3A_59 = arith.cmpi ne, %convert_element_type3A_57, %cond3A_58 : i32
    scf.if %cond3A_59 {
      %mul3A_82 = arith.constant 6272 : i32
      %mul3A_83 = arith.muli %arg1, %mul3A_82 : i32
      %mul3A_84 = arith.constant 6272 : i32
      %mul3A_85 = arith.muli %arg1, %mul3A_84 : i32
      "tpu.region"() ({
        %run_scoped3A = tpu.sem_alloc : memref<!tpu.dma_semaphore, #tpu.memory_space<semaphore_mem>>
        %dma_start3A = arith.constant 0 : i32
        %dma_start3A_86 = tpu.memref_slice %arg11[%mul3A_85, %dma_start3A] : memref<100352x16xf32, #tpu.memory_space<hbm>> -> memref<6272x16xf32, #tpu.memory_space<hbm>>
        %dma_start3A_87 = arith.constant 0 : i32
        %dma_start3A_88 = tpu.memref_slice %arg17[%mul3A_83, %dma_start3A_87] : memref<100352x16xf32, #tpu.memory_space<vmem_shared>> -> memref<6272x16xf32, #tpu.memory_space<vmem_shared>>
        tpu.enqueue_dma source(%dma_start3A_88 : memref<6272x16xf32, #tpu.memory_space<vmem_shared>>) target(%dma_start3A_86 : memref<6272x16xf32, #tpu.memory_space<hbm>>) target_semaphore(%run_scoped3A : memref<!tpu.dma_semaphore, #tpu.memory_space<semaphore_mem>>)
        %dma_wait3A = arith.constant 0 : i32
        %dma_wait3A_89 = tpu.memref_slice %arg11[%mul3A_85, %dma_wait3A] : memref<100352x16xf32, #tpu.memory_space<hbm>> -> memref<6272x16xf32, #tpu.memory_space<hbm>>
        %dma_wait3A_90 = arith.constant 0 : i32
        %dma_wait3A_91 = tpu.memref_slice %arg17[%mul3A_83, %dma_wait3A_90] : memref<100352x16xf32, #tpu.memory_space<vmem_shared>> -> memref<6272x16xf32, #tpu.memory_space<vmem_shared>>
        tpu.wait_dma2 semaphore(%run_scoped3A : memref<!tpu.dma_semaphore, #tpu.memory_space<semaphore_mem>>) src(%dma_wait3A_91 : memref<6272x16xf32, #tpu.memory_space<vmem_shared>>) dst(%dma_wait3A_89 : memref<6272x16xf32, #tpu.memory_space<hbm>>)
        tpu.yield
      }) : () -> ()
    } else {
    }
    %mul3A_60 = arith.constant 6272 : i32
    %mul3A_61 = arith.muli %arg1, %mul3A_60 : i32
    %mul3A_62 = arith.constant 6272 : i32
    %mul3A_63 = arith.muli %arg1, %mul3A_62 : i32
    "tpu.region"() ({
      %run_scoped3A = tpu.sem_alloc : memref<!tpu.dma_semaphore, #tpu.memory_space<semaphore_mem>>
      %dma_start3A = arith.constant 0 : i32
      %dma_start3A_82 = tpu.memref_slice %arg17[%mul3A_63, %dma_start3A] : memref<100352x16xf32, #tpu.memory_space<vmem_shared>> -> memref<6272x16xf32, #tpu.memory_space<vmem_shared>>
      %dma_start3A_83 = arith.constant 0 : i32
      %dma_start3A_84 = tpu.memref_slice %arg5[%mul3A_61, %dma_start3A_83] : memref<100352x16xf32, #tpu.memory_space<hbm>> -> memref<6272x16xf32, #tpu.memory_space<hbm>>
      tpu.enqueue_dma source(%dma_start3A_84 : memref<6272x16xf32, #tpu.memory_space<hbm>>) target(%dma_start3A_82 : memref<6272x16xf32, #tpu.memory_space<vmem_shared>>) target_semaphore(%run_scoped3A : memref<!tpu.dma_semaphore, #tpu.memory_space<semaphore_mem>>)
      %dma_wait3A = arith.constant 0 : i32
      %dma_wait3A_85 = tpu.memref_slice %arg17[%mul3A_63, %dma_wait3A] : memref<100352x16xf32, #tpu.memory_space<vmem_shared>> -> memref<6272x16xf32, #tpu.memory_space<vmem_shared>>
      %dma_wait3A_86 = arith.constant 0 : i32
      %dma_wait3A_87 = tpu.memref_slice %arg5[%mul3A_61, %dma_wait3A_86] : memref<100352x16xf32, #tpu.memory_space<hbm>> -> memref<6272x16xf32, #tpu.memory_space<hbm>>
      tpu.wait_dma2 semaphore(%run_scoped3A : memref<!tpu.dma_semaphore, #tpu.memory_space<semaphore_mem>>) src(%dma_wait3A_87 : memref<6272x16xf32, #tpu.memory_space<hbm>>) dst(%dma_wait3A_85 : memref<6272x16xf32, #tpu.memory_space<vmem_shared>>)
      tpu.yield
    }) : () -> ()
    %barrier3A_64 = arith.constant 0 : index
    tpu.barrier barrier_id(%barrier3A_64)
    %scan3A_65 = arith.constant 0 : i32
    %scan3A_66 = arith.constant 0 : i32
    %scan3A_67 = arith.constant 202 : i32
    %scan3A_68 = arith.addi %scan3A_66, %scan3A_67 : i32
    %scan3A_69 = arith.constant 1 : i32
    scf.for %scan3A_82 = %scan3A_66 to %scan3A_68 step %scan3A_69  : i32 {
      %mul3A_83 = arith.constant 202 : i32
      %mul3A_84 = arith.muli %arg1, %mul3A_83 : i32
      %add3A = arith.addi %mul3A_84, %scan3A_82 : i32
      %mul3A_85 = arith.constant 1024 : i32
      %mul3A_86 = arith.muli %add3A, %mul3A_85 : i32
      "tpu.region"() ({
        %run_scoped3A_103 = tpu.sem_alloc : memref<!tpu.dma_semaphore, #tpu.memory_space<semaphore_mem>>
        %dma_start3A = tpu.memref_slice %arg2[%mul3A_86] : memref<3309568xi32, #tpu.memory_space<hbm>> -> memref<1024xi32, #tpu.memory_space<hbm>>
        %dma_start3A_104 = tpu.memref_slice %arg2[%mul3A_86] : memref<3309568xi32, #tpu.memory_space<hbm>> -> memref<1024xi32, #tpu.memory_space<hbm>>
        tpu.enqueue_dma source(%dma_start3A_104 : memref<1024xi32, #tpu.memory_space<hbm>>) target(%arg14 : memref<1024xi32, #tpu.memory_space<vmem>>) target_semaphore(%run_scoped3A_103 : memref<!tpu.dma_semaphore, #tpu.memory_space<semaphore_mem>>)
        %dma_wait3A = tpu.memref_slice %arg2[%mul3A_86] : memref<3309568xi32, #tpu.memory_space<hbm>> -> memref<1024xi32, #tpu.memory_space<hbm>>
        %dma_wait3A_105 = tpu.memref_slice %arg2[%mul3A_86] : memref<3309568xi32, #tpu.memory_space<hbm>> -> memref<1024xi32, #tpu.memory_space<hbm>>
        tpu.wait_dma2 semaphore(%run_scoped3A_103 : memref<!tpu.dma_semaphore, #tpu.memory_space<semaphore_mem>>) src(%dma_wait3A_105 : memref<1024xi32, #tpu.memory_space<hbm>>) dst(%arg14 : memref<1024xi32, #tpu.memory_space<vmem>>)
        tpu.yield
      }) : () -> ()
      %run_scoped3A = arith.constant 3 : i32
      "tpu.region"() ({
        %run_scoped3A_103 = tpu.sem_alloc : memref<!tpu.dma_semaphore, #tpu.memory_space<semaphore_mem>>
        %dma_start3A = tpu.memref_slice %arg3[%run_scoped3A, %mul3A_86] : memref<4x3309568xf32, #tpu.memory_space<hbm>> -> memref<1x1024xf32, #tpu.memory_space<hbm>>
        %dma_start3A_104 = tpu.memref_squeeze %dma_start3A : memref<1x1024xf32, #tpu.memory_space<hbm>> -> memref<1024xf32, #tpu.memory_space<hbm>>
        %dma_start3A_105 = tpu.memref_slice %arg3[%run_scoped3A, %mul3A_86] : memref<4x3309568xf32, #tpu.memory_space<hbm>> -> memref<1x1024xf32, #tpu.memory_space<hbm>>
        %dma_start3A_106 = tpu.memref_squeeze %dma_start3A_105 : memref<1x1024xf32, #tpu.memory_space<hbm>> -> memref<1024xf32, #tpu.memory_space<hbm>>
        tpu.enqueue_dma source(%dma_start3A_106 : memref<1024xf32, #tpu.memory_space<hbm>>) target(%arg15 : memref<1024xf32, #tpu.memory_space<vmem>>) target_semaphore(%run_scoped3A_103 : memref<!tpu.dma_semaphore, #tpu.memory_space<semaphore_mem>>)
        %dma_wait3A = tpu.memref_slice %arg3[%run_scoped3A, %mul3A_86] : memref<4x3309568xf32, #tpu.memory_space<hbm>> -> memref<1x1024xf32, #tpu.memory_space<hbm>>
        %dma_wait3A_107 = tpu.memref_squeeze %dma_wait3A : memref<1x1024xf32, #tpu.memory_space<hbm>> -> memref<1024xf32, #tpu.memory_space<hbm>>
        %dma_wait3A_108 = tpu.memref_slice %arg3[%run_scoped3A, %mul3A_86] : memref<4x3309568xf32, #tpu.memory_space<hbm>> -> memref<1x1024xf32, #tpu.memory_space<hbm>>
        %dma_wait3A_109 = tpu.memref_squeeze %dma_wait3A_108 : memref<1x1024xf32, #tpu.memory_space<hbm>> -> memref<1024xf32, #tpu.memory_space<hbm>>
        tpu.wait_dma2 semaphore(%run_scoped3A_103 : memref<!tpu.dma_semaphore, #tpu.memory_space<semaphore_mem>>) src(%dma_wait3A_109 : memref<1024xf32, #tpu.memory_space<hbm>>) dst(%arg15 : memref<1024xf32, #tpu.memory_space<vmem>>)
        tpu.yield
      }) : () -> ()
      %eq3A_87 = arith.constant 0 : i32
      %eq3A_88 = arith.cmpi eq, %arg0, %eq3A_87 : i32
      %convert_element_type3A_89 = arith.extui %eq3A_88 : i1 to i32
      %cond3A_90 = arith.constant 0 : i32
      %cond3A_91 = arith.cmpi ne, %convert_element_type3A_89, %cond3A_90 : i32
      scf.if %cond3A_91 {
        "tpu.region"() ({
          %run_scoped3A_103 = tpu.sem_alloc : memref<!tpu.dma_semaphore, #tpu.memory_space<semaphore_mem>>
          %dma_start3A = arith.constant 24 : i32
          %dma_start3A_104 = tpu.memref_slice %arg4[%mul3A_86, %dma_start3A] : memref<3309568x48xf32, #tpu.memory_space<hbm>> -> memref<1024x16xf32, #tpu.memory_space<hbm>>
          %dma_start3A_105 = arith.constant 24 : i32
          %dma_start3A_106 = tpu.memref_slice %arg4[%mul3A_86, %dma_start3A_105] : memref<3309568x48xf32, #tpu.memory_space<hbm>> -> memref<1024x16xf32, #tpu.memory_space<hbm>>
          tpu.enqueue_dma source(%dma_start3A_106 : memref<1024x16xf32, #tpu.memory_space<hbm>>) target(%arg16 : memref<1024x16xf32, #tpu.memory_space<vmem>>) target_semaphore(%run_scoped3A_103 : memref<!tpu.dma_semaphore, #tpu.memory_space<semaphore_mem>>)
          %dma_wait3A = arith.constant 24 : i32
          %dma_wait3A_107 = tpu.memref_slice %arg4[%mul3A_86, %dma_wait3A] : memref<3309568x48xf32, #tpu.memory_space<hbm>> -> memref<1024x16xf32, #tpu.memory_space<hbm>>
          %dma_wait3A_108 = arith.constant 24 : i32
          %dma_wait3A_109 = tpu.memref_slice %arg4[%mul3A_86, %dma_wait3A_108] : memref<3309568x48xf32, #tpu.memory_space<hbm>> -> memref<1024x16xf32, #tpu.memory_space<hbm>>
          tpu.wait_dma2 semaphore(%run_scoped3A_103 : memref<!tpu.dma_semaphore, #tpu.memory_space<semaphore_mem>>) src(%dma_wait3A_109 : memref<1024x16xf32, #tpu.memory_space<hbm>>) dst(%arg16 : memref<1024x16xf32, #tpu.memory_space<vmem>>)
          tpu.yield
        }) : () -> ()
      } else {
      }
      %eq3A_92 = arith.constant 1 : i32
      %eq3A_93 = arith.cmpi eq, %arg0, %eq3A_92 : i32
      %convert_element_type3A_94 = arith.extui %eq3A_93 : i1 to i32
      %cond3A_95 = arith.constant 0 : i32
      %cond3A_96 = arith.cmpi ne, %convert_element_type3A_94, %cond3A_95 : i32
      scf.if %cond3A_96 {
        "tpu.region"() ({
          %run_scoped3A_103 = tpu.sem_alloc : memref<!tpu.dma_semaphore, #tpu.memory_space<semaphore_mem>>
          %dma_start3A = arith.constant 32 : i32
          %dma_start3A_104 = tpu.memref_slice %arg4[%mul3A_86, %dma_start3A] : memref<3309568x48xf32, #tpu.memory_space<hbm>> -> memref<1024x16xf32, #tpu.memory_space<hbm>>
          %dma_start3A_105 = arith.constant 32 : i32
          %dma_start3A_106 = tpu.memref_slice %arg4[%mul3A_86, %dma_start3A_105] : memref<3309568x48xf32, #tpu.memory_space<hbm>> -> memref<1024x16xf32, #tpu.memory_space<hbm>>
          tpu.enqueue_dma source(%dma_start3A_106 : memref<1024x16xf32, #tpu.memory_space<hbm>>) target(%arg16 : memref<1024x16xf32, #tpu.memory_space<vmem>>) target_semaphore(%run_scoped3A_103 : memref<!tpu.dma_semaphore, #tpu.memory_space<semaphore_mem>>)
          %dma_wait3A = arith.constant 32 : i32
          %dma_wait3A_107 = tpu.memref_slice %arg4[%mul3A_86, %dma_wait3A] : memref<3309568x48xf32, #tpu.memory_space<hbm>> -> memref<1024x16xf32, #tpu.memory_space<hbm>>
          %dma_wait3A_108 = arith.constant 32 : i32
          %dma_wait3A_109 = tpu.memref_slice %arg4[%mul3A_86, %dma_wait3A_108] : memref<3309568x48xf32, #tpu.memory_space<hbm>> -> memref<1024x16xf32, #tpu.memory_space<hbm>>
          tpu.wait_dma2 semaphore(%run_scoped3A_103 : memref<!tpu.dma_semaphore, #tpu.memory_space<semaphore_mem>>) src(%dma_wait3A_109 : memref<1024x16xf32, #tpu.memory_space<hbm>>) dst(%arg16 : memref<1024x16xf32, #tpu.memory_space<vmem>>)
          tpu.yield
        }) : () -> ()
      } else {
      }
      %scan3A_97 = arith.constant 0 : i32
      %scan3A_98 = arith.constant 0 : i32
      %scan3A_99 = arith.constant 64 : i32
      %scan3A_100 = arith.addi %scan3A_98, %scan3A_99 : i32
      %scan3A_101 = arith.constant 1 : i32
      scf.for %scan3A_103 = %scan3A_98 to %scan3A_100 step %scan3A_101  : i32 {
        %mul3A_104 = arith.constant 16 : i32
        %mul3A_105 = arith.muli %scan3A_103, %mul3A_104 : i32
        %get3A = arith.index_cast %mul3A_105 : i32 to index
        %get3A_106 = tpu.vector_load %arg15[%get3A] {strides = array<i32>} : memref<1024xf32, #tpu.memory_space<vmem>>, vector<16xf32>,
        %get3A_107 = vector.shape_cast %get3A_106 : vector<16xf32> to vector<16xf32>
        %slice3A = vector.extract_strided_slice %get3A_107 {offsets = [0], sizes = [1], strides = [1]} : vector<16xf32> to vector<1xf32>
        %broadcast_in_dim3A = vector.shape_cast %slice3A : vector<1xf32> to vector<1xf32>
        %broadcast_in_dim3A_108 = vector.broadcast %broadcast_in_dim3A : vector<1xf32> to vector<16xf32>
        %mul3A_109 = arith.constant 16 : i32
        %mul3A_110 = arith.muli %scan3A_103, %mul3A_109 : i32
        %add3A_111 = arith.constant 0 : i32
        %add3A_112 = arith.addi %mul3A_110, %add3A_111 : i32
        %get3A_113 = arith.index_cast %add3A_112 : i32 to index
        %get3A_114 = arith.constant 0 : index
        %get3A_115 = tpu.vector_load %arg16[%get3A_113, %get3A_114] {strides = array<i32>} : memref<1024x16xf32, #tpu.memory_space<vmem>>, vector<1x16xf32>,
        %get3A_116 = vector.shape_cast %get3A_115 : vector<1x16xf32> to vector<16xf32>
        %mul3A_117 = arith.mulf %get3A_116, %broadcast_in_dim3A_108 : vector<16xf32>
        %swap3A = arith.index_cast %add3A_112 : i32 to index
        %swap3A_118 = arith.constant 0 : index
        %swap3A_119 = tpu.vector_load %arg16[%swap3A, %swap3A_118] {strides = array<i32>} : memref<1024x16xf32, #tpu.memory_space<vmem>>, vector<1x16xf32>,
        %swap3A_120 = vector.shape_cast %swap3A_119 : vector<1x16xf32> to vector<16xf32>
        %swap3A_121 = vector.shape_cast %mul3A_117 : vector<16xf32> to vector<1x16xf32>
        tpu.vector_store %arg16[%swap3A, %swap3A_118], %swap3A_121 {strides = array<i32>} : memref<1024x16xf32, #tpu.memory_space<vmem>>, vector<1x16xf32>,
        %slice3A_122 = vector.extract_strided_slice %get3A_107 {offsets = [1], sizes = [1], strides = [1]} : vector<16xf32> to vector<1xf32>
        %broadcast_in_dim3A_123 = vector.shape_cast %slice3A_122 : vector<1xf32> to vector<1xf32>
        %broadcast_in_dim3A_124 = vector.broadcast %broadcast_in_dim3A_123 : vector<1xf32> to vector<16xf32>
        %mul3A_125 = arith.constant 16 : i32
        %mul3A_126 = arith.muli %scan3A_103, %mul3A_125 : i32
        %add3A_127 = arith.constant 1 : i32
        %add3A_128 = arith.addi %mul3A_126, %add3A_127 : i32
        %get3A_129 = arith.index_cast %add3A_128 : i32 to index
        %get3A_130 = arith.constant 0 : index
        %get3A_131 = tpu.vector_load %arg16[%get3A_129, %get3A_130] {strides = array<i32>} : memref<1024x16xf32, #tpu.memory_space<vmem>>, vector<1x16xf32>,
        %get3A_132 = vector.shape_cast %get3A_131 : vector<1x16xf32> to vector<16xf32>
        %mul3A_133 = arith.mulf %get3A_132, %broadcast_in_dim3A_124 : vector<16xf32>
        %swap3A_134 = arith.index_cast %add3A_128 : i32 to index
        %swap3A_135 = arith.constant 0 : index
        %swap3A_136 = tpu.vector_load %arg16[%swap3A_134, %swap3A_135] {strides = array<i32>} : memref<1024x16xf32, #tpu.memory_space<vmem>>, vector<1x16xf32>,
        %swap3A_137 = vector.shape_cast %swap3A_136 : vector<1x16xf32> to vector<16xf32>
        %swap3A_138 = vector.shape_cast %mul3A_133 : vector<16xf32> to vector<1x16xf32>
        tpu.vector_store %arg16[%swap3A_134, %swap3A_135], %swap3A_138 {strides = array<i32>} : memref<1024x16xf32, #tpu.memory_space<vmem>>, vector<1x16xf32>,
        %slice3A_139 = vector.extract_strided_slice %get3A_107 {offsets = [2], sizes = [1], strides = [1]} : vector<16xf32> to vector<1xf32>
        %broadcast_in_dim3A_140 = vector.shape_cast %slice3A_139 : vector<1xf32> to vector<1xf32>
        %broadcast_in_dim3A_141 = vector.broadcast %broadcast_in_dim3A_140 : vector<1xf32> to vector<16xf32>
        %mul3A_142 = arith.constant 16 : i32
        %mul3A_143 = arith.muli %scan3A_103, %mul3A_142 : i32
        %add3A_144 = arith.constant 2 : i32
        %add3A_145 = arith.addi %mul3A_143, %add3A_144 : i32
        %get3A_146 = arith.index_cast %add3A_145 : i32 to index
        %get3A_147 = arith.constant 0 : index
        %get3A_148 = tpu.vector_load %arg16[%get3A_146, %get3A_147] {strides = array<i32>} : memref<1024x16xf32, #tpu.memory_space<vmem>>, vector<1x16xf32>,
        %get3A_149 = vector.shape_cast %get3A_148 : vector<1x16xf32> to vector<16xf32>
        %mul3A_150 = arith.mulf %get3A_149, %broadcast_in_dim3A_141 : vector<16xf32>
        %swap3A_151 = arith.index_cast %add3A_145 : i32 to index
        %swap3A_152 = arith.constant 0 : index
        %swap3A_153 = tpu.vector_load %arg16[%swap3A_151, %swap3A_152] {strides = array<i32>} : memref<1024x16xf32, #tpu.memory_space<vmem>>, vector<1x16xf32>,
        %swap3A_154 = vector.shape_cast %swap3A_153 : vector<1x16xf32> to vector<16xf32>
        %swap3A_155 = vector.shape_cast %mul3A_150 : vector<16xf32> to vector<1x16xf32>
        tpu.vector_store %arg16[%swap3A_151, %swap3A_152], %swap3A_155 {strides = array<i32>} : memref<1024x16xf32, #tpu.memory_space<vmem>>, vector<1x16xf32>,
        %slice3A_156 = vector.extract_strided_slice %get3A_107 {offsets = [3], sizes = [1], strides = [1]} : vector<16xf32> to vector<1xf32>
        %broadcast_in_dim3A_157 = vector.shape_cast %slice3A_156 : vector<1xf32> to vector<1xf32>
        %broadcast_in_dim3A_158 = vector.broadcast %broadcast_in_dim3A_157 : vector<1xf32> to vector<16xf32>
        %mul3A_159 = arith.constant 16 : i32
        %mul3A_160 = arith.muli %scan3A_103, %mul3A_159 : i32
        %add3A_161 = arith.constant 3 : i32
        %add3A_162 = arith.addi %mul3A_160, %add3A_161 : i32
        %get3A_163 = arith.index_cast %add3A_162 : i32 to index
        %get3A_164 = arith.constant 0 : index
        %get3A_165 = tpu.vector_load %arg16[%get3A_163, %get3A_164] {strides = array<i32>} : memref<1024x16xf32, #tpu.memory_space<vmem>>, vector<1x16xf32>,
        %get3A_166 = vector.shape_cast %get3A_165 : vector<1x16xf32> to vector<16xf32>
        %mul3A_167 = arith.mulf %get3A_166, %broadcast_in_dim3A_158 : vector<16xf32>
        %swap3A_168 = arith.index_cast %add3A_162 : i32 to index
        %swap3A_169 = arith.constant 0 : index
        %swap3A_170 = tpu.vector_load %arg16[%swap3A_168, %swap3A_169] {strides = array<i32>} : memref<1024x16xf32, #tpu.memory_space<vmem>>, vector<1x16xf32>,
        %swap3A_171 = vector.shape_cast %swap3A_170 : vector<1x16xf32> to vector<16xf32>
        %swap3A_172 = vector.shape_cast %mul3A_167 : vector<16xf32> to vector<1x16xf32>
        tpu.vector_store %arg16[%swap3A_168, %swap3A_169], %swap3A_172 {strides = array<i32>} : memref<1024x16xf32, #tpu.memory_space<vmem>>, vector<1x16xf32>,
        %slice3A_173 = vector.extract_strided_slice %get3A_107 {offsets = [4], sizes = [1], strides = [1]} : vector<16xf32> to vector<1xf32>
        %broadcast_in_dim3A_174 = vector.shape_cast %slice3A_173 : vector<1xf32> to vector<1xf32>
        %broadcast_in_dim3A_175 = vector.broadcast %broadcast_in_dim3A_174 : vector<1xf32> to vector<16xf32>
        %mul3A_176 = arith.constant 16 : i32
        %mul3A_177 = arith.muli %scan3A_103, %mul3A_176 : i32
        %add3A_178 = arith.constant 4 : i32
        %add3A_179 = arith.addi %mul3A_177, %add3A_178 : i32
        %get3A_180 = arith.index_cast %add3A_179 : i32 to index
        %get3A_181 = arith.constant 0 : index
        %get3A_182 = tpu.vector_load %arg16[%get3A_180, %get3A_181] {strides = array<i32>} : memref<1024x16xf32, #tpu.memory_space<vmem>>, vector<1x16xf32>,
        %get3A_183 = vector.shape_cast %get3A_182 : vector<1x16xf32> to vector<16xf32>
        %mul3A_184 = arith.mulf %get3A_183, %broadcast_in_dim3A_175 : vector<16xf32>
        %swap3A_185 = arith.index_cast %add3A_179 : i32 to index
        %swap3A_186 = arith.constant 0 : index
        %swap3A_187 = tpu.vector_load %arg16[%swap3A_185, %swap3A_186] {strides = array<i32>} : memref<1024x16xf32, #tpu.memory_space<vmem>>, vector<1x16xf32>,
        %swap3A_188 = vector.shape_cast %swap3A_187 : vector<1x16xf32> to vector<16xf32>
        %swap3A_189 = vector.shape_cast %mul3A_184 : vector<16xf32> to vector<1x16xf32>
        tpu.vector_store %arg16[%swap3A_185, %swap3A_186], %swap3A_189 {strides = array<i32>} : memref<1024x16xf32, #tpu.memory_space<vmem>>, vector<1x16xf32>,
        %slice3A_190 = vector.extract_strided_slice %get3A_107 {offsets = [5], sizes = [1], strides = [1]} : vector<16xf32> to vector<1xf32>
        %broadcast_in_dim3A_191 = vector.shape_cast %slice3A_190 : vector<1xf32> to vector<1xf32>
        %broadcast_in_dim3A_192 = vector.broadcast %broadcast_in_dim3A_191 : vector<1xf32> to vector<16xf32>
        %mul3A_193 = arith.constant 16 : i32
        %mul3A_194 = arith.muli %scan3A_103, %mul3A_193 : i32
        %add3A_195 = arith.constant 5 : i32
        %add3A_196 = arith.addi %mul3A_194, %add3A_195 : i32
        %get3A_197 = arith.index_cast %add3A_196 : i32 to index
        %get3A_198 = arith.constant 0 : index
        %get3A_199 = tpu.vector_load %arg16[%get3A_197, %get3A_198] {strides = array<i32>} : memref<1024x16xf32, #tpu.memory_space<vmem>>, vector<1x16xf32>,
        %get3A_200 = vector.shape_cast %get3A_199 : vector<1x16xf32> to vector<16xf32>
        %mul3A_201 = arith.mulf %get3A_200, %broadcast_in_dim3A_192 : vector<16xf32>
        %swap3A_202 = arith.index_cast %add3A_196 : i32 to index
        %swap3A_203 = arith.constant 0 : index
        %swap3A_204 = tpu.vector_load %arg16[%swap3A_202, %swap3A_203] {strides = array<i32>} : memref<1024x16xf32, #tpu.memory_space<vmem>>, vector<1x16xf32>,
        %swap3A_205 = vector.shape_cast %swap3A_204 : vector<1x16xf32> to vector<16xf32>
        %swap3A_206 = vector.shape_cast %mul3A_201 : vector<16xf32> to vector<1x16xf32>
        tpu.vector_store %arg16[%swap3A_202, %swap3A_203], %swap3A_206 {strides = array<i32>} : memref<1024x16xf32, #tpu.memory_space<vmem>>, vector<1x16xf32>,
        %slice3A_207 = vector.extract_strided_slice %get3A_107 {offsets = [6], sizes = [1], strides = [1]} : vector<16xf32> to vector<1xf32>
        %broadcast_in_dim3A_208 = vector.shape_cast %slice3A_207 : vector<1xf32> to vector<1xf32>
        %broadcast_in_dim3A_209 = vector.broadcast %broadcast_in_dim3A_208 : vector<1xf32> to vector<16xf32>
        %mul3A_210 = arith.constant 16 : i32
        %mul3A_211 = arith.muli %scan3A_103, %mul3A_210 : i32
        %add3A_212 = arith.constant 6 : i32
        %add3A_213 = arith.addi %mul3A_211, %add3A_212 : i32
        %get3A_214 = arith.index_cast %add3A_213 : i32 to index
        %get3A_215 = arith.constant 0 : index
        %get3A_216 = tpu.vector_load %arg16[%get3A_214, %get3A_215] {strides = array<i32>} : memref<1024x16xf32, #tpu.memory_space<vmem>>, vector<1x16xf32>,
        %get3A_217 = vector.shape_cast %get3A_216 : vector<1x16xf32> to vector<16xf32>
        %mul3A_218 = arith.mulf %get3A_217, %broadcast_in_dim3A_209 : vector<16xf32>
        %swap3A_219 = arith.index_cast %add3A_213 : i32 to index
        %swap3A_220 = arith.constant 0 : index
        %swap3A_221 = tpu.vector_load %arg16[%swap3A_219, %swap3A_220] {strides = array<i32>} : memref<1024x16xf32, #tpu.memory_space<vmem>>, vector<1x16xf32>,
        %swap3A_222 = vector.shape_cast %swap3A_221 : vector<1x16xf32> to vector<16xf32>
        %swap3A_223 = vector.shape_cast %mul3A_218 : vector<16xf32> to vector<1x16xf32>
        tpu.vector_store %arg16[%swap3A_219, %swap3A_220], %swap3A_223 {strides = array<i32>} : memref<1024x16xf32, #tpu.memory_space<vmem>>, vector<1x16xf32>,
        %slice3A_224 = vector.extract_strided_slice %get3A_107 {offsets = [7], sizes = [1], strides = [1]} : vector<16xf32> to vector<1xf32>
        %broadcast_in_dim3A_225 = vector.shape_cast %slice3A_224 : vector<1xf32> to vector<1xf32>
        %broadcast_in_dim3A_226 = vector.broadcast %broadcast_in_dim3A_225 : vector<1xf32> to vector<16xf32>
        %mul3A_227 = arith.constant 16 : i32
        %mul3A_228 = arith.muli %scan3A_103, %mul3A_227 : i32
        %add3A_229 = arith.constant 7 : i32
        %add3A_230 = arith.addi %mul3A_228, %add3A_229 : i32
        %get3A_231 = arith.index_cast %add3A_230 : i32 to index
        %get3A_232 = arith.constant 0 : index
        %get3A_233 = tpu.vector_load %arg16[%get3A_231, %get3A_232] {strides = array<i32>} : memref<1024x16xf32, #tpu.memory_space<vmem>>, vector<1x16xf32>,
        %get3A_234 = vector.shape_cast %get3A_233 : vector<1x16xf32> to vector<16xf32>
        %mul3A_235 = arith.mulf %get3A_234, %broadcast_in_dim3A_226 : vector<16xf32>
        %swap3A_236 = arith.index_cast %add3A_230 : i32 to index
        %swap3A_237 = arith.constant 0 : index
        %swap3A_238 = tpu.vector_load %arg16[%swap3A_236, %swap3A_237] {strides = array<i32>} : memref<1024x16xf32, #tpu.memory_space<vmem>>, vector<1x16xf32>,
        %swap3A_239 = vector.shape_cast %swap3A_238 : vector<1x16xf32> to vector<16xf32>
        %swap3A_240 = vector.shape_cast %mul3A_235 : vector<16xf32> to vector<1x16xf32>
        tpu.vector_store %arg16[%swap3A_236, %swap3A_237], %swap3A_240 {strides = array<i32>} : memref<1024x16xf32, #tpu.memory_space<vmem>>, vector<1x16xf32>,
        %slice3A_241 = vector.extract_strided_slice %get3A_107 {offsets = [8], sizes = [1], strides = [1]} : vector<16xf32> to vector<1xf32>
        %broadcast_in_dim3A_242 = vector.shape_cast %slice3A_241 : vector<1xf32> to vector<1xf32>
        %broadcast_in_dim3A_243 = vector.broadcast %broadcast_in_dim3A_242 : vector<1xf32> to vector<16xf32>
        %mul3A_244 = arith.constant 16 : i32
        %mul3A_245 = arith.muli %scan3A_103, %mul3A_244 : i32
        %add3A_246 = arith.constant 8 : i32
        %add3A_247 = arith.addi %mul3A_245, %add3A_246 : i32
        %get3A_248 = arith.index_cast %add3A_247 : i32 to index
        %get3A_249 = arith.constant 0 : index
        %get3A_250 = tpu.vector_load %arg16[%get3A_248, %get3A_249] {strides = array<i32>} : memref<1024x16xf32, #tpu.memory_space<vmem>>, vector<1x16xf32>,
        %get3A_251 = vector.shape_cast %get3A_250 : vector<1x16xf32> to vector<16xf32>
        %mul3A_252 = arith.mulf %get3A_251, %broadcast_in_dim3A_243 : vector<16xf32>
        %swap3A_253 = arith.index_cast %add3A_247 : i32 to index
        %swap3A_254 = arith.constant 0 : index
        %swap3A_255 = tpu.vector_load %arg16[%swap3A_253, %swap3A_254] {strides = array<i32>} : memref<1024x16xf32, #tpu.memory_space<vmem>>, vector<1x16xf32>,
        %swap3A_256 = vector.shape_cast %swap3A_255 : vector<1x16xf32> to vector<16xf32>
        %swap3A_257 = vector.shape_cast %mul3A_252 : vector<16xf32> to vector<1x16xf32>
        tpu.vector_store %arg16[%swap3A_253, %swap3A_254], %swap3A_257 {strides = array<i32>} : memref<1024x16xf32, #tpu.memory_space<vmem>>, vector<1x16xf32>,
        %slice3A_258 = vector.extract_strided_slice %get3A_107 {offsets = [9], sizes = [1], strides = [1]} : vector<16xf32> to vector<1xf32>
        %broadcast_in_dim3A_259 = vector.shape_cast %slice3A_258 : vector<1xf32> to vector<1xf32>
        %broadcast_in_dim3A_260 = vector.broadcast %broadcast_in_dim3A_259 : vector<1xf32> to vector<16xf32>
        %mul3A_261 = arith.constant 16 : i32
        %mul3A_262 = arith.muli %scan3A_103, %mul3A_261 : i32
        %add3A_263 = arith.constant 9 : i32
        %add3A_264 = arith.addi %mul3A_262, %add3A_263 : i32
        %get3A_265 = arith.index_cast %add3A_264 : i32 to index
        %get3A_266 = arith.constant 0 : index
        %get3A_267 = tpu.vector_load %arg16[%get3A_265, %get3A_266] {strides = array<i32>} : memref<1024x16xf32, #tpu.memory_space<vmem>>, vector<1x16xf32>,
        %get3A_268 = vector.shape_cast %get3A_267 : vector<1x16xf32> to vector<16xf32>
        %mul3A_269 = arith.mulf %get3A_268, %broadcast_in_dim3A_260 : vector<16xf32>
        %swap3A_270 = arith.index_cast %add3A_264 : i32 to index
        %swap3A_271 = arith.constant 0 : index
        %swap3A_272 = tpu.vector_load %arg16[%swap3A_270, %swap3A_271] {strides = array<i32>} : memref<1024x16xf32, #tpu.memory_space<vmem>>, vector<1x16xf32>,
        %swap3A_273 = vector.shape_cast %swap3A_272 : vector<1x16xf32> to vector<16xf32>
        %swap3A_274 = vector.shape_cast %mul3A_269 : vector<16xf32> to vector<1x16xf32>
        tpu.vector_store %arg16[%swap3A_270, %swap3A_271], %swap3A_274 {strides = array<i32>} : memref<1024x16xf32, #tpu.memory_space<vmem>>, vector<1x16xf32>,
        %slice3A_275 = vector.extract_strided_slice %get3A_107 {offsets = [10], sizes = [1], strides = [1]} : vector<16xf32> to vector<1xf32>
        %broadcast_in_dim3A_276 = vector.shape_cast %slice3A_275 : vector<1xf32> to vector<1xf32>
        %broadcast_in_dim3A_277 = vector.broadcast %broadcast_in_dim3A_276 : vector<1xf32> to vector<16xf32>
        %mul3A_278 = arith.constant 16 : i32
        %mul3A_279 = arith.muli %scan3A_103, %mul3A_278 : i32
        %add3A_280 = arith.constant 10 : i32
        %add3A_281 = arith.addi %mul3A_279, %add3A_280 : i32
        %get3A_282 = arith.index_cast %add3A_281 : i32 to index
        %get3A_283 = arith.constant 0 : index
        %get3A_284 = tpu.vector_load %arg16[%get3A_282, %get3A_283] {strides = array<i32>} : memref<1024x16xf32, #tpu.memory_space<vmem>>, vector<1x16xf32>,
        %get3A_285 = vector.shape_cast %get3A_284 : vector<1x16xf32> to vector<16xf32>
        %mul3A_286 = arith.mulf %get3A_285, %broadcast_in_dim3A_277 : vector<16xf32>
        %swap3A_287 = arith.index_cast %add3A_281 : i32 to index
        %swap3A_288 = arith.constant 0 : index
        %swap3A_289 = tpu.vector_load %arg16[%swap3A_287, %swap3A_288] {strides = array<i32>} : memref<1024x16xf32, #tpu.memory_space<vmem>>, vector<1x16xf32>,
        %swap3A_290 = vector.shape_cast %swap3A_289 : vector<1x16xf32> to vector<16xf32>
        %swap3A_291 = vector.shape_cast %mul3A_286 : vector<16xf32> to vector<1x16xf32>
        tpu.vector_store %arg16[%swap3A_287, %swap3A_288], %swap3A_291 {strides = array<i32>} : memref<1024x16xf32, #tpu.memory_space<vmem>>, vector<1x16xf32>,
        %slice3A_292 = vector.extract_strided_slice %get3A_107 {offsets = [11], sizes = [1], strides = [1]} : vector<16xf32> to vector<1xf32>
        %broadcast_in_dim3A_293 = vector.shape_cast %slice3A_292 : vector<1xf32> to vector<1xf32>
        %broadcast_in_dim3A_294 = vector.broadcast %broadcast_in_dim3A_293 : vector<1xf32> to vector<16xf32>
        %mul3A_295 = arith.constant 16 : i32
        %mul3A_296 = arith.muli %scan3A_103, %mul3A_295 : i32
        %add3A_297 = arith.constant 11 : i32
        %add3A_298 = arith.addi %mul3A_296, %add3A_297 : i32
        %get3A_299 = arith.index_cast %add3A_298 : i32 to index
        %get3A_300 = arith.constant 0 : index
        %get3A_301 = tpu.vector_load %arg16[%get3A_299, %get3A_300] {strides = array<i32>} : memref<1024x16xf32, #tpu.memory_space<vmem>>, vector<1x16xf32>,
        %get3A_302 = vector.shape_cast %get3A_301 : vector<1x16xf32> to vector<16xf32>
        %mul3A_303 = arith.mulf %get3A_302, %broadcast_in_dim3A_294 : vector<16xf32>
        %swap3A_304 = arith.index_cast %add3A_298 : i32 to index
        %swap3A_305 = arith.constant 0 : index
        %swap3A_306 = tpu.vector_load %arg16[%swap3A_304, %swap3A_305] {strides = array<i32>} : memref<1024x16xf32, #tpu.memory_space<vmem>>, vector<1x16xf32>,
        %swap3A_307 = vector.shape_cast %swap3A_306 : vector<1x16xf32> to vector<16xf32>
        %swap3A_308 = vector.shape_cast %mul3A_303 : vector<16xf32> to vector<1x16xf32>
        tpu.vector_store %arg16[%swap3A_304, %swap3A_305], %swap3A_308 {strides = array<i32>} : memref<1024x16xf32, #tpu.memory_space<vmem>>, vector<1x16xf32>,
        %slice3A_309 = vector.extract_strided_slice %get3A_107 {offsets = [12], sizes = [1], strides = [1]} : vector<16xf32> to vector<1xf32>
        %broadcast_in_dim3A_310 = vector.shape_cast %slice3A_309 : vector<1xf32> to vector<1xf32>
        %broadcast_in_dim3A_311 = vector.broadcast %broadcast_in_dim3A_310 : vector<1xf32> to vector<16xf32>
        %mul3A_312 = arith.constant 16 : i32
        %mul3A_313 = arith.muli %scan3A_103, %mul3A_312 : i32
        %add3A_314 = arith.constant 12 : i32
        %add3A_315 = arith.addi %mul3A_313, %add3A_314 : i32
        %get3A_316 = arith.index_cast %add3A_315 : i32 to index
        %get3A_317 = arith.constant 0 : index
        %get3A_318 = tpu.vector_load %arg16[%get3A_316, %get3A_317] {strides = array<i32>} : memref<1024x16xf32, #tpu.memory_space<vmem>>, vector<1x16xf32>,
        %get3A_319 = vector.shape_cast %get3A_318 : vector<1x16xf32> to vector<16xf32>
        %mul3A_320 = arith.mulf %get3A_319, %broadcast_in_dim3A_311 : vector<16xf32>
        %swap3A_321 = arith.index_cast %add3A_315 : i32 to index
        %swap3A_322 = arith.constant 0 : index
        %swap3A_323 = tpu.vector_load %arg16[%swap3A_321, %swap3A_322] {strides = array<i32>} : memref<1024x16xf32, #tpu.memory_space<vmem>>, vector<1x16xf32>,
        %swap3A_324 = vector.shape_cast %swap3A_323 : vector<1x16xf32> to vector<16xf32>
        %swap3A_325 = vector.shape_cast %mul3A_320 : vector<16xf32> to vector<1x16xf32>
        tpu.vector_store %arg16[%swap3A_321, %swap3A_322], %swap3A_325 {strides = array<i32>} : memref<1024x16xf32, #tpu.memory_space<vmem>>, vector<1x16xf32>,
        %slice3A_326 = vector.extract_strided_slice %get3A_107 {offsets = [13], sizes = [1], strides = [1]} : vector<16xf32> to vector<1xf32>
        %broadcast_in_dim3A_327 = vector.shape_cast %slice3A_326 : vector<1xf32> to vector<1xf32>
        %broadcast_in_dim3A_328 = vector.broadcast %broadcast_in_dim3A_327 : vector<1xf32> to vector<16xf32>
        %mul3A_329 = arith.constant 16 : i32
        %mul3A_330 = arith.muli %scan3A_103, %mul3A_329 : i32
        %add3A_331 = arith.constant 13 : i32
        %add3A_332 = arith.addi %mul3A_330, %add3A_331 : i32
        %get3A_333 = arith.index_cast %add3A_332 : i32 to index
        %get3A_334 = arith.constant 0 : index
        %get3A_335 = tpu.vector_load %arg16[%get3A_333, %get3A_334] {strides = array<i32>} : memref<1024x16xf32, #tpu.memory_space<vmem>>, vector<1x16xf32>,
        %get3A_336 = vector.shape_cast %get3A_335 : vector<1x16xf32> to vector<16xf32>
        %mul3A_337 = arith.mulf %get3A_336, %broadcast_in_dim3A_328 : vector<16xf32>
        %swap3A_338 = arith.index_cast %add3A_332 : i32 to index
        %swap3A_339 = arith.constant 0 : index
        %swap3A_340 = tpu.vector_load %arg16[%swap3A_338, %swap3A_339] {strides = array<i32>} : memref<1024x16xf32, #tpu.memory_space<vmem>>, vector<1x16xf32>,
        %swap3A_341 = vector.shape_cast %swap3A_340 : vector<1x16xf32> to vector<16xf32>
        %swap3A_342 = vector.shape_cast %mul3A_337 : vector<16xf32> to vector<1x16xf32>
        tpu.vector_store %arg16[%swap3A_338, %swap3A_339], %swap3A_342 {strides = array<i32>} : memref<1024x16xf32, #tpu.memory_space<vmem>>, vector<1x16xf32>,
        %slice3A_343 = vector.extract_strided_slice %get3A_107 {offsets = [14], sizes = [1], strides = [1]} : vector<16xf32> to vector<1xf32>
        %broadcast_in_dim3A_344 = vector.shape_cast %slice3A_343 : vector<1xf32> to vector<1xf32>
        %broadcast_in_dim3A_345 = vector.broadcast %broadcast_in_dim3A_344 : vector<1xf32> to vector<16xf32>
        %mul3A_346 = arith.constant 16 : i32
        %mul3A_347 = arith.muli %scan3A_103, %mul3A_346 : i32
        %add3A_348 = arith.constant 14 : i32
        %add3A_349 = arith.addi %mul3A_347, %add3A_348 : i32
        %get3A_350 = arith.index_cast %add3A_349 : i32 to index
        %get3A_351 = arith.constant 0 : index
        %get3A_352 = tpu.vector_load %arg16[%get3A_350, %get3A_351] {strides = array<i32>} : memref<1024x16xf32, #tpu.memory_space<vmem>>, vector<1x16xf32>,
        %get3A_353 = vector.shape_cast %get3A_352 : vector<1x16xf32> to vector<16xf32>
        %mul3A_354 = arith.mulf %get3A_353, %broadcast_in_dim3A_345 : vector<16xf32>
        %swap3A_355 = arith.index_cast %add3A_349 : i32 to index
        %swap3A_356 = arith.constant 0 : index
        %swap3A_357 = tpu.vector_load %arg16[%swap3A_355, %swap3A_356] {strides = array<i32>} : memref<1024x16xf32, #tpu.memory_space<vmem>>, vector<1x16xf32>,
        %swap3A_358 = vector.shape_cast %swap3A_357 : vector<1x16xf32> to vector<16xf32>
        %swap3A_359 = vector.shape_cast %mul3A_354 : vector<16xf32> to vector<1x16xf32>
        tpu.vector_store %arg16[%swap3A_355, %swap3A_356], %swap3A_359 {strides = array<i32>} : memref<1024x16xf32, #tpu.memory_space<vmem>>, vector<1x16xf32>,
        %slice3A_360 = vector.extract_strided_slice %get3A_107 {offsets = [15], sizes = [1], strides = [1]} : vector<16xf32> to vector<1xf32>
        %broadcast_in_dim3A_361 = vector.shape_cast %slice3A_360 : vector<1xf32> to vector<1xf32>
        %broadcast_in_dim3A_362 = vector.broadcast %broadcast_in_dim3A_361 : vector<1xf32> to vector<16xf32>
        %mul3A_363 = arith.constant 16 : i32
        %mul3A_364 = arith.muli %scan3A_103, %mul3A_363 : i32
        %add3A_365 = arith.constant 15 : i32
        %add3A_366 = arith.addi %mul3A_364, %add3A_365 : i32
        %get3A_367 = arith.index_cast %add3A_366 : i32 to index
        %get3A_368 = arith.constant 0 : index
        %get3A_369 = tpu.vector_load %arg16[%get3A_367, %get3A_368] {strides = array<i32>} : memref<1024x16xf32, #tpu.memory_space<vmem>>, vector<1x16xf32>,
        %get3A_370 = vector.shape_cast %get3A_369 : vector<1x16xf32> to vector<16xf32>
        %mul3A_371 = arith.mulf %get3A_370, %broadcast_in_dim3A_362 : vector<16xf32>
        %swap3A_372 = arith.index_cast %add3A_366 : i32 to index
        %swap3A_373 = arith.constant 0 : index
        %swap3A_374 = tpu.vector_load %arg16[%swap3A_372, %swap3A_373] {strides = array<i32>} : memref<1024x16xf32, #tpu.memory_space<vmem>>, vector<1x16xf32>,
        %swap3A_375 = vector.shape_cast %swap3A_374 : vector<1x16xf32> to vector<16xf32>
        %swap3A_376 = vector.shape_cast %mul3A_371 : vector<16xf32> to vector<1x16xf32>
        tpu.vector_store %arg16[%swap3A_372, %swap3A_373], %swap3A_376 {strides = array<i32>} : memref<1024x16xf32, #tpu.memory_space<vmem>>, vector<1x16xf32>,
      }
      %scan3A_102 = arith.constant 64 : i32
      "tpu.region"() ({
        %run_scoped3A_103 = tpu.sem_alloc : memref<!tpu.dma_semaphore, #tpu.memory_space<semaphore_mem>>
        %dma_start3A = arith.constant 0 : i32
        %dma_start3A_104 = arith.constant 0 : i32
        %dma_start3A_105 = tpu.memref_slice %arg17[%dma_start3A, %dma_start3A_104] : memref<100352x16xf32, #tpu.memory_space<vmem_shared>> -> memref<100352x16xf32, #tpu.memory_space<vmem_shared>>
        tpu.enqueue_indirect_dma source(%arg16 : memref<1024x16xf32, #tpu.memory_space<vmem>>) target(%dma_start3A_105 : memref<100352x16xf32, #tpu.memory_space<vmem_shared>>) offsets(%arg14 : memref<1024xi32, #tpu.memory_space<vmem>>) semaphore(%run_scoped3A_103 : memref<!tpu.dma_semaphore, #tpu.memory_space<semaphore_mem>>) {add = true}
        %dma_wait3A = arith.constant 0 : i32
        %dma_wait3A_106 = arith.constant 0 : i32
        %dma_wait3A_107 = tpu.memref_slice %arg17[%dma_wait3A, %dma_wait3A_106] : memref<100352x16xf32, #tpu.memory_space<vmem_shared>> -> memref<100352x16xf32, #tpu.memory_space<vmem_shared>>
        tpu.wait_indirect_dma semaphore(%run_scoped3A_103 : memref<!tpu.dma_semaphore, #tpu.memory_space<semaphore_mem>>) src(%arg16 : memref<1024x16xf32, #tpu.memory_space<vmem>>) dst(%dma_wait3A_107 : memref<100352x16xf32, #tpu.memory_space<vmem_shared>>)
        tpu.yield
      }) : () -> ()
    }
    %scan3A_70 = arith.constant 202 : i32
    %barrier3A_71 = arith.constant 0 : index
    tpu.barrier barrier_id(%barrier3A_71)
    %eq3A_72 = arith.constant 0 : i32
    %eq3A_73 = arith.cmpi eq, %arg0, %eq3A_72 : i32
    %convert_element_type3A_74 = arith.extui %eq3A_73 : i1 to i32
    %cond3A_75 = arith.constant 0 : i32
    %cond3A_76 = arith.cmpi ne, %convert_element_type3A_74, %cond3A_75 : i32
    scf.if %cond3A_76 {
      %mul3A_82 = arith.constant 6272 : i32
      %mul3A_83 = arith.muli %arg1, %mul3A_82 : i32
      %mul3A_84 = arith.constant 6272 : i32
      %mul3A_85 = arith.muli %arg1, %mul3A_84 : i32
      "tpu.region"() ({
        %run_scoped3A = tpu.sem_alloc : memref<!tpu.dma_semaphore, #tpu.memory_space<semaphore_mem>>
        %dma_start3A = arith.constant 0 : i32
        %dma_start3A_86 = tpu.memref_slice %arg12[%mul3A_85, %dma_start3A] : memref<100352x16xf32, #tpu.memory_space<hbm>> -> memref<6272x16xf32, #tpu.memory_space<hbm>>
        %dma_start3A_87 = arith.constant 0 : i32
        %dma_start3A_88 = tpu.memref_slice %arg17[%mul3A_83, %dma_start3A_87] : memref<100352x16xf32, #tpu.memory_space<vmem_shared>> -> memref<6272x16xf32, #tpu.memory_space<vmem_shared>>
        tpu.enqueue_dma source(%dma_start3A_88 : memref<6272x16xf32, #tpu.memory_space<vmem_shared>>) target(%dma_start3A_86 : memref<6272x16xf32, #tpu.memory_space<hbm>>) target_semaphore(%run_scoped3A : memref<!tpu.dma_semaphore, #tpu.memory_space<semaphore_mem>>)
        %dma_wait3A = arith.constant 0 : i32
        %dma_wait3A_89 = tpu.memref_slice %arg12[%mul3A_85, %dma_wait3A] : memref<100352x16xf32, #tpu.memory_space<hbm>> -> memref<6272x16xf32, #tpu.memory_space<hbm>>
        %dma_wait3A_90 = arith.constant 0 : i32
        %dma_wait3A_91 = tpu.memref_slice %arg17[%mul3A_83, %dma_wait3A_90] : memref<100352x16xf32, #tpu.memory_space<vmem_shared>> -> memref<6272x16xf32, #tpu.memory_space<vmem_shared>>
        tpu.wait_dma2 semaphore(%run_scoped3A : memref<!tpu.dma_semaphore, #tpu.memory_space<semaphore_mem>>) src(%dma_wait3A_91 : memref<6272x16xf32, #tpu.memory_space<vmem_shared>>) dst(%dma_wait3A_89 : memref<6272x16xf32, #tpu.memory_space<hbm>>)
        tpu.yield
      }) : () -> ()
    } else {
    }
    %eq3A_77 = arith.constant 1 : i32
    %eq3A_78 = arith.cmpi eq, %arg0, %eq3A_77 : i32
    %convert_element_type3A_79 = arith.extui %eq3A_78 : i1 to i32
    %cond3A_80 = arith.constant 0 : i32
    %cond3A_81 = arith.cmpi ne, %convert_element_type3A_79, %cond3A_80 : i32
    scf.if %cond3A_81 {
      %mul3A_82 = arith.constant 6272 : i32
      %mul3A_83 = arith.muli %arg1, %mul3A_82 : i32
      %mul3A_84 = arith.constant 6272 : i32
      %mul3A_85 = arith.muli %arg1, %mul3A_84 : i32
      "tpu.region"() ({
        %run_scoped3A = tpu.sem_alloc : memref<!tpu.dma_semaphore, #tpu.memory_space<semaphore_mem>>
        %dma_start3A = arith.constant 0 : i32
        %dma_start3A_86 = tpu.memref_slice %arg13[%mul3A_85, %dma_start3A] : memref<100352x16xf32, #tpu.memory_space<hbm>> -> memref<6272x16xf32, #tpu.memory_space<hbm>>
        %dma_start3A_87 = arith.constant 0 : i32
        %dma_start3A_88 = tpu.memref_slice %arg17[%mul3A_83, %dma_start3A_87] : memref<100352x16xf32, #tpu.memory_space<vmem_shared>> -> memref<6272x16xf32, #tpu.memory_space<vmem_shared>>
        tpu.enqueue_dma source(%dma_start3A_88 : memref<6272x16xf32, #tpu.memory_space<vmem_shared>>) target(%dma_start3A_86 : memref<6272x16xf32, #tpu.memory_space<hbm>>) target_semaphore(%run_scoped3A : memref<!tpu.dma_semaphore, #tpu.memory_space<semaphore_mem>>)
        %dma_wait3A = arith.constant 0 : i32
        %dma_wait3A_89 = tpu.memref_slice %arg13[%mul3A_85, %dma_wait3A] : memref<100352x16xf32, #tpu.memory_space<hbm>> -> memref<6272x16xf32, #tpu.memory_space<hbm>>
        %dma_wait3A_90 = arith.constant 0 : i32
        %dma_wait3A_91 = tpu.memref_slice %arg17[%mul3A_83, %dma_wait3A_90] : memref<100352x16xf32, #tpu.memory_space<vmem_shared>> -> memref<6272x16xf32, #tpu.memory_space<vmem_shared>>
        tpu.wait_dma2 semaphore(%run_scoped3A : memref<!tpu.dma_semaphore, #tpu.memory_space<semaphore_mem>>) src(%dma_wait3A_91 : memref<6272x16xf32, #tpu.memory_space<vmem_shared>>) dst(%dma_wait3A_89 : memref<6272x16xf32, #tpu.memory_space<hbm>>)
        tpu.yield
      }) : () -> ()
    } else {
    }
    return
  }
}

#map = affine_map<(d0, d1) -> (0)>
#map1 = affine_map<(d0, d1) -> (0, 0)>
module attributes {stable_mosaic.version = 14 : i64} {
  func.func @_ex_body(%arg0: i32, %arg1: i32, %arg2: memref<3309568xi32, #tpu.memory_space<hbm>>, %arg3: memref<3309568xi32, #tpu.memory_space<hbm>>, %arg4: memref<100352x16xf32, #tpu.memory_space<hbm>>, %arg5: memref<100352x16xf32, #tpu.memory_space<hbm>>, %arg6: memref<100352x48xf32, #tpu.memory_space<hbm>>, %arg7: memref<3309568x16xf32, #tpu.memory_space<hbm>>, %arg8: memref<3309568x48xf32, #tpu.memory_space<hbm>>, %arg9: memref<1024xi32, #tpu.memory_space<vmem>>, %arg10: memref<1024xi32, #tpu.memory_space<vmem>>, %arg11: memref<1024x16xf32, #tpu.memory_space<vmem>>, %arg12: memref<1024x16xf32, #tpu.memory_space<vmem>>, %arg13: memref<1024x48xf32, #tpu.memory_space<vmem>>, %arg14: memref<!tpu.dma_semaphore, #tpu.memory_space<semaphore_mem>>) attributes {dimension_semantics = [#tpu.dimension_semantics<core_parallel>, #tpu.dimension_semantics<subcore_parallel>], iteration_bounds = array<i64: 2, 16>, scalar_prefetch = 0 : i64, scratch_operands = 6 : i64, tpu.core_type = #tpu.core_type<sc_vector_subcore>, window_params = [{transform_indices = #map}, {transform_indices = #map}, {transform_indices = #map1}, {transform_indices = #map1}, {transform_indices = #map1}, {transform_indices = #map1}, {transform_indices = #map1}]} {
    %mul3A = arith.constant 2 : i32
    %mul3A_0 = arith.muli %arg1, %mul3A : i32
    %add3A = arith.addi %mul3A_0, %arg0 : i32
    %scan3A = arith.constant 0 : i32
    %scan3A_1 = arith.constant 0 : i32
    %scan3A_2 = arith.constant 101 : i32
    %scan3A_3 = arith.addi %scan3A_1, %scan3A_2 : i32
    %scan3A_4 = arith.constant 1 : i32
    scf.for %scan3A_6 = %scan3A_1 to %scan3A_3 step %scan3A_4  : i32 {
      %mul3A_7 = arith.constant 101 : i32
      %mul3A_8 = arith.muli %add3A, %mul3A_7 : i32
      %add3A_9 = arith.addi %mul3A_8, %scan3A_6 : i32
      %mul3A_10 = arith.constant 1024 : i32
      %mul3A_11 = arith.muli %add3A_9, %mul3A_10 : i32
      "tpu.region"() ({
        %run_scoped3A = tpu.sem_alloc : memref<!tpu.dma_semaphore, #tpu.memory_space<semaphore_mem>>
        %dma_start3A_34 = tpu.memref_slice %arg2[%mul3A_11] : memref<3309568xi32, #tpu.memory_space<hbm>> -> memref<1024xi32, #tpu.memory_space<hbm>>
        %dma_start3A_35 = tpu.memref_slice %arg2[%mul3A_11] : memref<3309568xi32, #tpu.memory_space<hbm>> -> memref<1024xi32, #tpu.memory_space<hbm>>
        tpu.enqueue_dma source(%dma_start3A_35 : memref<1024xi32, #tpu.memory_space<hbm>>) target(%arg9 : memref<1024xi32, #tpu.memory_space<vmem>>) target_semaphore(%run_scoped3A : memref<!tpu.dma_semaphore, #tpu.memory_space<semaphore_mem>>)
        %dma_wait3A_36 = tpu.memref_slice %arg2[%mul3A_11] : memref<3309568xi32, #tpu.memory_space<hbm>> -> memref<1024xi32, #tpu.memory_space<hbm>>
        %dma_wait3A_37 = tpu.memref_slice %arg2[%mul3A_11] : memref<3309568xi32, #tpu.memory_space<hbm>> -> memref<1024xi32, #tpu.memory_space<hbm>>
        tpu.wait_dma2 semaphore(%run_scoped3A : memref<!tpu.dma_semaphore, #tpu.memory_space<semaphore_mem>>) src(%dma_wait3A_37 : memref<1024xi32, #tpu.memory_space<hbm>>) dst(%arg9 : memref<1024xi32, #tpu.memory_space<vmem>>)
        tpu.yield
      }) : () -> ()
      "tpu.region"() ({
        %run_scoped3A = tpu.sem_alloc : memref<!tpu.dma_semaphore, #tpu.memory_space<semaphore_mem>>
        %dma_start3A_34 = tpu.memref_slice %arg3[%mul3A_11] : memref<3309568xi32, #tpu.memory_space<hbm>> -> memref<1024xi32, #tpu.memory_space<hbm>>
        %dma_start3A_35 = tpu.memref_slice %arg3[%mul3A_11] : memref<3309568xi32, #tpu.memory_space<hbm>> -> memref<1024xi32, #tpu.memory_space<hbm>>
        tpu.enqueue_dma source(%dma_start3A_35 : memref<1024xi32, #tpu.memory_space<hbm>>) target(%arg10 : memref<1024xi32, #tpu.memory_space<vmem>>) target_semaphore(%run_scoped3A : memref<!tpu.dma_semaphore, #tpu.memory_space<semaphore_mem>>)
        %dma_wait3A_36 = tpu.memref_slice %arg3[%mul3A_11] : memref<3309568xi32, #tpu.memory_space<hbm>> -> memref<1024xi32, #tpu.memory_space<hbm>>
        %dma_wait3A_37 = tpu.memref_slice %arg3[%mul3A_11] : memref<3309568xi32, #tpu.memory_space<hbm>> -> memref<1024xi32, #tpu.memory_space<hbm>>
        tpu.wait_dma2 semaphore(%run_scoped3A : memref<!tpu.dma_semaphore, #tpu.memory_space<semaphore_mem>>) src(%dma_wait3A_37 : memref<1024xi32, #tpu.memory_space<hbm>>) dst(%arg10 : memref<1024xi32, #tpu.memory_space<vmem>>)
        tpu.yield
      }) : () -> ()
      %dma_start3A = arith.constant 0 : i32
      %dma_start3A_12 = arith.constant 0 : i32
      %dma_start3A_13 = tpu.memref_slice %arg4[%dma_start3A, %dma_start3A_12] : memref<100352x16xf32, #tpu.memory_space<hbm>> -> memref<100352x16xf32, #tpu.memory_space<hbm>>
      tpu.enqueue_indirect_dma source(%dma_start3A_13 : memref<100352x16xf32, #tpu.memory_space<hbm>>) target(%arg11 : memref<1024x16xf32, #tpu.memory_space<vmem>>) offsets(%arg9 : memref<1024xi32, #tpu.memory_space<vmem>>) semaphore(%arg14 : memref<!tpu.dma_semaphore, #tpu.memory_space<semaphore_mem>>)
      %dma_start3A_14 = arith.constant 0 : i32
      %dma_start3A_15 = arith.constant 0 : i32
      %dma_start3A_16 = tpu.memref_slice %arg5[%dma_start3A_14, %dma_start3A_15] : memref<100352x16xf32, #tpu.memory_space<hbm>> -> memref<100352x16xf32, #tpu.memory_space<hbm>>
      tpu.enqueue_indirect_dma source(%dma_start3A_16 : memref<100352x16xf32, #tpu.memory_space<hbm>>) target(%arg12 : memref<1024x16xf32, #tpu.memory_space<vmem>>) offsets(%arg10 : memref<1024xi32, #tpu.memory_space<vmem>>) semaphore(%arg14 : memref<!tpu.dma_semaphore, #tpu.memory_space<semaphore_mem>>)
      %dma_start3A_17 = arith.constant 0 : i32
      %dma_start3A_18 = arith.constant 0 : i32
      %dma_start3A_19 = tpu.memref_slice %arg6[%dma_start3A_17, %dma_start3A_18] : memref<100352x48xf32, #tpu.memory_space<hbm>> -> memref<100352x48xf32, #tpu.memory_space<hbm>>
      tpu.enqueue_indirect_dma source(%dma_start3A_19 : memref<100352x48xf32, #tpu.memory_space<hbm>>) target(%arg13 : memref<1024x48xf32, #tpu.memory_space<vmem>>) offsets(%arg9 : memref<1024xi32, #tpu.memory_space<vmem>>) semaphore(%arg14 : memref<!tpu.dma_semaphore, #tpu.memory_space<semaphore_mem>>)
      %dma_wait3A = arith.constant 0 : i32
      %dma_wait3A_20 = arith.constant 0 : i32
      %dma_wait3A_21 = tpu.memref_slice %arg4[%dma_wait3A, %dma_wait3A_20] : memref<100352x16xf32, #tpu.memory_space<hbm>> -> memref<100352x16xf32, #tpu.memory_space<hbm>>
      tpu.wait_indirect_dma semaphore(%arg14 : memref<!tpu.dma_semaphore, #tpu.memory_space<semaphore_mem>>) src(%dma_wait3A_21 : memref<100352x16xf32, #tpu.memory_space<hbm>>) dst(%arg11 : memref<1024x16xf32, #tpu.memory_space<vmem>>)
      %dma_wait3A_22 = arith.constant 0 : i32
      %dma_wait3A_23 = arith.constant 0 : i32
      %dma_wait3A_24 = tpu.memref_slice %arg5[%dma_wait3A_22, %dma_wait3A_23] : memref<100352x16xf32, #tpu.memory_space<hbm>> -> memref<100352x16xf32, #tpu.memory_space<hbm>>
      tpu.wait_indirect_dma semaphore(%arg14 : memref<!tpu.dma_semaphore, #tpu.memory_space<semaphore_mem>>) src(%dma_wait3A_24 : memref<100352x16xf32, #tpu.memory_space<hbm>>) dst(%arg12 : memref<1024x16xf32, #tpu.memory_space<vmem>>)
      %dma_wait3A_25 = arith.constant 0 : i32
      %dma_wait3A_26 = arith.constant 0 : i32
      %dma_wait3A_27 = tpu.memref_slice %arg6[%dma_wait3A_25, %dma_wait3A_26] : memref<100352x48xf32, #tpu.memory_space<hbm>> -> memref<100352x48xf32, #tpu.memory_space<hbm>>
      tpu.wait_indirect_dma semaphore(%arg14 : memref<!tpu.dma_semaphore, #tpu.memory_space<semaphore_mem>>) src(%dma_wait3A_27 : memref<100352x48xf32, #tpu.memory_space<hbm>>) dst(%arg13 : memref<1024x48xf32, #tpu.memory_space<vmem>>)
      %scan3A_28 = arith.constant 0 : i32
      %scan3A_29 = arith.constant 0 : i32
      %scan3A_30 = arith.constant 256 : i32
      %scan3A_31 = arith.addi %scan3A_29, %scan3A_30 : i32
      %scan3A_32 = arith.constant 1 : i32
      scf.for %scan3A_34 = %scan3A_29 to %scan3A_31 step %scan3A_32  : i32 {
        %mul3A_35 = arith.constant 4 : i32
        %mul3A_36 = arith.muli %scan3A_34, %mul3A_35 : i32
        %add3A_37 = arith.constant 0 : i32
        %add3A_38 = arith.addi %mul3A_36, %add3A_37 : i32
        %get3A = arith.index_cast %add3A_38 : i32 to index
        %get3A_39 = arith.constant 0 : index
        %get3A_40 = tpu.vector_load %arg11[%get3A, %get3A_39] {strides = array<i32>} : memref<1024x16xf32, #tpu.memory_space<vmem>>, vector<1x16xf32>,
        %get3A_41 = vector.shape_cast %get3A_40 : vector<1x16xf32> to vector<16xf32>
        %get3A_42 = arith.index_cast %add3A_38 : i32 to index
        %get3A_43 = arith.constant 0 : index
        %get3A_44 = tpu.vector_load %arg12[%get3A_42, %get3A_43] {strides = array<i32>} : memref<1024x16xf32, #tpu.memory_space<vmem>>, vector<1x16xf32>,
        %get3A_45 = vector.shape_cast %get3A_44 : vector<1x16xf32> to vector<16xf32>
        %add3A_46 = arith.addf %get3A_41, %get3A_45 : vector<16xf32>
        %ge3A = arith.constant 0.000000e+00 : f32
        %ge3A_47 = vector.broadcast %ge3A : f32 to vector<16xf32>
        %ge3A_48 = arith.cmpf oge, %add3A_46, %ge3A_47 : vector<16xf32>
        %mul3A_49 = arith.constant 2.000000e-01 : f32
        %mul3A_50 = vector.broadcast %mul3A_49 : f32 to vector<16xf32>
        %mul3A_51 = arith.mulf %mul3A_50, %add3A_46 : vector<16xf32>
        %select_n3A = arith.select %ge3A_48, %add3A_46, %mul3A_51 : vector<16xi1>, vector<16xf32>
        %exp3A = math.exp %select_n3A : vector<16xf32>
        %swap3A = arith.index_cast %add3A_38 : i32 to index
        %swap3A_52 = arith.constant 0 : index
        %swap3A_53 = tpu.vector_load %arg11[%swap3A, %swap3A_52] {strides = array<i32>} : memref<1024x16xf32, #tpu.memory_space<vmem>>, vector<1x16xf32>,
        %swap3A_54 = vector.shape_cast %swap3A_53 : vector<1x16xf32> to vector<16xf32>
        %swap3A_55 = vector.shape_cast %exp3A : vector<16xf32> to vector<1x16xf32>
        tpu.vector_store %arg11[%swap3A, %swap3A_52], %swap3A_55 {strides = array<i32>} : memref<1024x16xf32, #tpu.memory_space<vmem>>, vector<1x16xf32>,
        %mul3A_56 = arith.constant 4 : i32
        %mul3A_57 = arith.muli %scan3A_34, %mul3A_56 : i32
        %add3A_58 = arith.constant 1 : i32
        %add3A_59 = arith.addi %mul3A_57, %add3A_58 : i32
        %get3A_60 = arith.index_cast %add3A_59 : i32 to index
        %get3A_61 = arith.constant 0 : index
        %get3A_62 = tpu.vector_load %arg11[%get3A_60, %get3A_61] {strides = array<i32>} : memref<1024x16xf32, #tpu.memory_space<vmem>>, vector<1x16xf32>,
        %get3A_63 = vector.shape_cast %get3A_62 : vector<1x16xf32> to vector<16xf32>
        %get3A_64 = arith.index_cast %add3A_59 : i32 to index
        %get3A_65 = arith.constant 0 : index
        %get3A_66 = tpu.vector_load %arg12[%get3A_64, %get3A_65] {strides = array<i32>} : memref<1024x16xf32, #tpu.memory_space<vmem>>, vector<1x16xf32>,
        %get3A_67 = vector.shape_cast %get3A_66 : vector<1x16xf32> to vector<16xf32>
        %add3A_68 = arith.addf %get3A_63, %get3A_67 : vector<16xf32>
        %ge3A_69 = arith.constant 0.000000e+00 : f32
        %ge3A_70 = vector.broadcast %ge3A_69 : f32 to vector<16xf32>
        %ge3A_71 = arith.cmpf oge, %add3A_68, %ge3A_70 : vector<16xf32>
        %mul3A_72 = arith.constant 2.000000e-01 : f32
        %mul3A_73 = vector.broadcast %mul3A_72 : f32 to vector<16xf32>
        %mul3A_74 = arith.mulf %mul3A_73, %add3A_68 : vector<16xf32>
        %select_n3A_75 = arith.select %ge3A_71, %add3A_68, %mul3A_74 : vector<16xi1>, vector<16xf32>
        %exp3A_76 = math.exp %select_n3A_75 : vector<16xf32>
        %swap3A_77 = arith.index_cast %add3A_59 : i32 to index
        %swap3A_78 = arith.constant 0 : index
        %swap3A_79 = tpu.vector_load %arg11[%swap3A_77, %swap3A_78] {strides = array<i32>} : memref<1024x16xf32, #tpu.memory_space<vmem>>, vector<1x16xf32>,
        %swap3A_80 = vector.shape_cast %swap3A_79 : vector<1x16xf32> to vector<16xf32>
        %swap3A_81 = vector.shape_cast %exp3A_76 : vector<16xf32> to vector<1x16xf32>
        tpu.vector_store %arg11[%swap3A_77, %swap3A_78], %swap3A_81 {strides = array<i32>} : memref<1024x16xf32, #tpu.memory_space<vmem>>, vector<1x16xf32>,
        %mul3A_82 = arith.constant 4 : i32
        %mul3A_83 = arith.muli %scan3A_34, %mul3A_82 : i32
        %add3A_84 = arith.constant 2 : i32
        %add3A_85 = arith.addi %mul3A_83, %add3A_84 : i32
        %get3A_86 = arith.index_cast %add3A_85 : i32 to index
        %get3A_87 = arith.constant 0 : index
        %get3A_88 = tpu.vector_load %arg11[%get3A_86, %get3A_87] {strides = array<i32>} : memref<1024x16xf32, #tpu.memory_space<vmem>>, vector<1x16xf32>,
        %get3A_89 = vector.shape_cast %get3A_88 : vector<1x16xf32> to vector<16xf32>
        %get3A_90 = arith.index_cast %add3A_85 : i32 to index
        %get3A_91 = arith.constant 0 : index
        %get3A_92 = tpu.vector_load %arg12[%get3A_90, %get3A_91] {strides = array<i32>} : memref<1024x16xf32, #tpu.memory_space<vmem>>, vector<1x16xf32>,
        %get3A_93 = vector.shape_cast %get3A_92 : vector<1x16xf32> to vector<16xf32>
        %add3A_94 = arith.addf %get3A_89, %get3A_93 : vector<16xf32>
        %ge3A_95 = arith.constant 0.000000e+00 : f32
        %ge3A_96 = vector.broadcast %ge3A_95 : f32 to vector<16xf32>
        %ge3A_97 = arith.cmpf oge, %add3A_94, %ge3A_96 : vector<16xf32>
        %mul3A_98 = arith.constant 2.000000e-01 : f32
        %mul3A_99 = vector.broadcast %mul3A_98 : f32 to vector<16xf32>
        %mul3A_100 = arith.mulf %mul3A_99, %add3A_94 : vector<16xf32>
        %select_n3A_101 = arith.select %ge3A_97, %add3A_94, %mul3A_100 : vector<16xi1>, vector<16xf32>
        %exp3A_102 = math.exp %select_n3A_101 : vector<16xf32>
        %swap3A_103 = arith.index_cast %add3A_85 : i32 to index
        %swap3A_104 = arith.constant 0 : index
        %swap3A_105 = tpu.vector_load %arg11[%swap3A_103, %swap3A_104] {strides = array<i32>} : memref<1024x16xf32, #tpu.memory_space<vmem>>, vector<1x16xf32>,
        %swap3A_106 = vector.shape_cast %swap3A_105 : vector<1x16xf32> to vector<16xf32>
        %swap3A_107 = vector.shape_cast %exp3A_102 : vector<16xf32> to vector<1x16xf32>
        tpu.vector_store %arg11[%swap3A_103, %swap3A_104], %swap3A_107 {strides = array<i32>} : memref<1024x16xf32, #tpu.memory_space<vmem>>, vector<1x16xf32>,
        %mul3A_108 = arith.constant 4 : i32
        %mul3A_109 = arith.muli %scan3A_34, %mul3A_108 : i32
        %add3A_110 = arith.constant 3 : i32
        %add3A_111 = arith.addi %mul3A_109, %add3A_110 : i32
        %get3A_112 = arith.index_cast %add3A_111 : i32 to index
        %get3A_113 = arith.constant 0 : index
        %get3A_114 = tpu.vector_load %arg11[%get3A_112, %get3A_113] {strides = array<i32>} : memref<1024x16xf32, #tpu.memory_space<vmem>>, vector<1x16xf32>,
        %get3A_115 = vector.shape_cast %get3A_114 : vector<1x16xf32> to vector<16xf32>
        %get3A_116 = arith.index_cast %add3A_111 : i32 to index
        %get3A_117 = arith.constant 0 : index
        %get3A_118 = tpu.vector_load %arg12[%get3A_116, %get3A_117] {strides = array<i32>} : memref<1024x16xf32, #tpu.memory_space<vmem>>, vector<1x16xf32>,
        %get3A_119 = vector.shape_cast %get3A_118 : vector<1x16xf32> to vector<16xf32>
        %add3A_120 = arith.addf %get3A_115, %get3A_119 : vector<16xf32>
        %ge3A_121 = arith.constant 0.000000e+00 : f32
        %ge3A_122 = vector.broadcast %ge3A_121 : f32 to vector<16xf32>
        %ge3A_123 = arith.cmpf oge, %add3A_120, %ge3A_122 : vector<16xf32>
        %mul3A_124 = arith.constant 2.000000e-01 : f32
        %mul3A_125 = vector.broadcast %mul3A_124 : f32 to vector<16xf32>
        %mul3A_126 = arith.mulf %mul3A_125, %add3A_120 : vector<16xf32>
        %select_n3A_127 = arith.select %ge3A_123, %add3A_120, %mul3A_126 : vector<16xi1>, vector<16xf32>
        %exp3A_128 = math.exp %select_n3A_127 : vector<16xf32>
        %swap3A_129 = arith.index_cast %add3A_111 : i32 to index
        %swap3A_130 = arith.constant 0 : index
        %swap3A_131 = tpu.vector_load %arg11[%swap3A_129, %swap3A_130] {strides = array<i32>} : memref<1024x16xf32, #tpu.memory_space<vmem>>, vector<1x16xf32>,
        %swap3A_132 = vector.shape_cast %swap3A_131 : vector<1x16xf32> to vector<16xf32>
        %swap3A_133 = vector.shape_cast %exp3A_128 : vector<16xf32> to vector<1x16xf32>
        tpu.vector_store %arg11[%swap3A_129, %swap3A_130], %swap3A_133 {strides = array<i32>} : memref<1024x16xf32, #tpu.memory_space<vmem>>, vector<1x16xf32>,
      }
      %scan3A_33 = arith.constant 256 : i32
      "tpu.region"() ({
        %run_scoped3A = tpu.sem_alloc : memref<!tpu.dma_semaphore, #tpu.memory_space<semaphore_mem>>
        %dma_start3A_34 = arith.constant 0 : i32
        %dma_start3A_35 = tpu.memref_slice %arg7[%mul3A_11, %dma_start3A_34] : memref<3309568x16xf32, #tpu.memory_space<hbm>> -> memref<1024x16xf32, #tpu.memory_space<hbm>>
        %dma_start3A_36 = arith.constant 0 : i32
        %dma_start3A_37 = tpu.memref_slice %arg7[%mul3A_11, %dma_start3A_36] : memref<3309568x16xf32, #tpu.memory_space<hbm>> -> memref<1024x16xf32, #tpu.memory_space<hbm>>
        tpu.enqueue_dma source(%arg11 : memref<1024x16xf32, #tpu.memory_space<vmem>>) target(%dma_start3A_37 : memref<1024x16xf32, #tpu.memory_space<hbm>>) target_semaphore(%run_scoped3A : memref<!tpu.dma_semaphore, #tpu.memory_space<semaphore_mem>>)
        %dma_wait3A_38 = arith.constant 0 : i32
        %dma_wait3A_39 = tpu.memref_slice %arg7[%mul3A_11, %dma_wait3A_38] : memref<3309568x16xf32, #tpu.memory_space<hbm>> -> memref<1024x16xf32, #tpu.memory_space<hbm>>
        %dma_wait3A_40 = arith.constant 0 : i32
        %dma_wait3A_41 = tpu.memref_slice %arg7[%mul3A_11, %dma_wait3A_40] : memref<3309568x16xf32, #tpu.memory_space<hbm>> -> memref<1024x16xf32, #tpu.memory_space<hbm>>
        tpu.wait_dma2 semaphore(%run_scoped3A : memref<!tpu.dma_semaphore, #tpu.memory_space<semaphore_mem>>) src(%arg11 : memref<1024x16xf32, #tpu.memory_space<vmem>>) dst(%dma_wait3A_41 : memref<1024x16xf32, #tpu.memory_space<hbm>>)
        tpu.yield
      }) : () -> ()
      "tpu.region"() ({
        %run_scoped3A = tpu.sem_alloc : memref<!tpu.dma_semaphore, #tpu.memory_space<semaphore_mem>>
        %dma_start3A_34 = arith.constant 0 : i32
        %dma_start3A_35 = tpu.memref_slice %arg8[%mul3A_11, %dma_start3A_34] : memref<3309568x48xf32, #tpu.memory_space<hbm>> -> memref<1024x48xf32, #tpu.memory_space<hbm>>
        %dma_start3A_36 = arith.constant 0 : i32
        %dma_start3A_37 = tpu.memref_slice %arg8[%mul3A_11, %dma_start3A_36] : memref<3309568x48xf32, #tpu.memory_space<hbm>> -> memref<1024x48xf32, #tpu.memory_space<hbm>>
        tpu.enqueue_dma source(%arg13 : memref<1024x48xf32, #tpu.memory_space<vmem>>) target(%dma_start3A_37 : memref<1024x48xf32, #tpu.memory_space<hbm>>) target_semaphore(%run_scoped3A : memref<!tpu.dma_semaphore, #tpu.memory_space<semaphore_mem>>)
        %dma_wait3A_38 = arith.constant 0 : i32
        %dma_wait3A_39 = tpu.memref_slice %arg8[%mul3A_11, %dma_wait3A_38] : memref<3309568x48xf32, #tpu.memory_space<hbm>> -> memref<1024x48xf32, #tpu.memory_space<hbm>>
        %dma_wait3A_40 = arith.constant 0 : i32
        %dma_wait3A_41 = tpu.memref_slice %arg8[%mul3A_11, %dma_wait3A_40] : memref<3309568x48xf32, #tpu.memory_space<hbm>> -> memref<1024x48xf32, #tpu.memory_space<hbm>>
        tpu.wait_dma2 semaphore(%run_scoped3A : memref<!tpu.dma_semaphore, #tpu.memory_space<semaphore_mem>>) src(%arg13 : memref<1024x48xf32, #tpu.memory_space<vmem>>) dst(%dma_wait3A_41 : memref<1024x48xf32, #tpu.memory_space<hbm>>)
        tpu.yield
      }) : () -> ()
    }
    %scan3A_5 = arith.constant 101 : i32
    return
  }
}

module attributes {stable_mosaic.version = 14 : i64} {
  func.func @_split_body(%arg0: i32, %arg1: memref<8192x16xf32, #tpu.memory_space<vmem>>, %arg2: memref<4x8192xf32, #tpu.memory_space<vmem>>) attributes {dimension_semantics = [#tpu.dimension_semantics<arbitrary>], iteration_bounds = array<i64: 404>, scalar_prefetch = 0 : i64, scratch_operands = 0 : i64, tpu.core_type = #tpu.core_type<tc>, window_params = [{transform_indices = @transform_0, window_bounds = array<i64: 8192, 16>}, {transform_indices = @transform_1, window_bounds = array<i64: 4, 8192>}]} {
    %get3A = arith.constant 0 : index
    %get3A_0 = arith.constant 0 : index
    %get3A_1 = vector.load %arg1[%get3A, %get3A_0] : memref<8192x16xf32, #tpu.memory_space<vmem>>, vector<8192x4xf32>
    %transpose3A = tpu.transpose %get3A_1, [1, 0] : vector<8192x4xf32> -> vector<4x8192xf32>
    %swap3A = arith.constant 0 : index
    %swap3A_2 = arith.constant 0 : index
    %swap3A_3 = vector.load %arg2[%swap3A, %swap3A_2] : memref<4x8192xf32, #tpu.memory_space<vmem>>, vector<4x8192xf32>
    tpu.vector_store %arg2[%swap3A, %swap3A_2], %transpose3A {strides = array<i32>} : memref<4x8192xf32, #tpu.memory_space<vmem>>, vector<4x8192xf32>,
    return
  }
  func.func @transform_0(%arg0: i32) -> (i32, i32) {
    %c0_i32 = arith.constant 0 : i32
    %c0_i32_0 = arith.constant 0 : i32
    return %arg0, %c0_i32 : i32, i32
  }
  func.func @transform_1(%arg0: i32) -> (i32, i32) {
    %c0_i32 = arith.constant 0 : i32
    %c0_i32_0 = arith.constant 0 : i32
    return %c0_i32, %arg0 : i32, i32
  }
}

module attributes {stable_mosaic.version = 14 : i64} {
  func.func @_final_body(%arg0: i32, %arg1: memref<2000x20xf32, #tpu.memory_space<vmem>>, %arg2: memref<2000x20xf32, #tpu.memory_space<vmem>>, %arg3: memref<2000x20xf32, #tpu.memory_space<vmem>>, %arg4: memref<2000x20xf32, #tpu.memory_space<vmem>>, %arg5: memref<2000x4xf32, #tpu.memory_space<vmem>>, %arg6: memref<2000x20xf32, #tpu.memory_space<vmem>>, %arg7: memref<20x20xf32, #tpu.memory_space<vmem>>, %arg8: memref<20x20xf32, #tpu.memory_space<vmem>>, %arg9: memref<20x20xf32, #tpu.memory_space<vmem>>, %arg10: memref<20x20xf32, #tpu.memory_space<vmem>>, %arg11: memref<4x20xf32, #tpu.memory_space<vmem>>, %arg12: memref<2000x20xf32, #tpu.memory_space<vmem>>, %arg13: memref<2000x20xf32, #tpu.memory_space<vmem>>, %arg14: memref<2000x1xf32, #tpu.memory_space<vmem>>) attributes {dimension_semantics = [#tpu.dimension_semantics<arbitrary>], iteration_bounds = array<i64: 50>, scalar_prefetch = 0 : i64, scratch_operands = 0 : i64, tpu.core_type = #tpu.core_type<tc>, window_params = [{transform_indices = @transform_0, window_bounds = array<i64: 2000, 20>}, {transform_indices = @transform_1, window_bounds = array<i64: 2000, 20>}, {transform_indices = @transform_2, window_bounds = array<i64: 2000, 20>}, {transform_indices = @transform_3, window_bounds = array<i64: 2000, 20>}, {transform_indices = @transform_4, window_bounds = array<i64: 2000, 4>}, {transform_indices = @transform_5, window_bounds = array<i64: 2000, 20>}, {pipeline_mode = #tpu.pipeline_mode<synchronous>, transform_indices = @transform_6, window_bounds = array<i64: 20, 20>}, {pipeline_mode = #tpu.pipeline_mode<synchronous>, transform_indices = @transform_7, window_bounds = array<i64: 20, 20>}, {pipeline_mode = #tpu.pipeline_mode<synchronous>, transform_indices = @transform_8, window_bounds = array<i64: 20, 20>}, {pipeline_mode = #tpu.pipeline_mode<synchronous>, transform_indices = @transform_9, window_bounds = array<i64: 20, 20>}, {pipeline_mode = #tpu.pipeline_mode<synchronous>, transform_indices = @transform_10, window_bounds = array<i64: 4, 20>}, {transform_indices = @transform_11, window_bounds = array<i64: 2000, 20>}, {transform_indices = @transform_12, window_bounds = array<i64: 2000, 20>}, {transform_indices = @transform_13, window_bounds = array<i64: 2000, 1>}]} {
    %get3A = arith.constant 0 : index
    %get3A_0 = arith.constant 0 : index
    %get3A_1 = vector.load %arg5[%get3A, %get3A_0] : memref<2000x4xf32, #tpu.memory_space<vmem>>, vector<2000x4xf32>
    %add3A = arith.constant 1.000000e-16 : f32
    %add3A_2 = vector.broadcast %add3A : f32 to vector<2000x4xf32>
    %add3A_3 = arith.addf %get3A_1, %add3A_2 : vector<2000x4xf32>
    %div3A = arith.constant 1.000000e+00 : f32
    %div3A_4 = vector.broadcast %div3A : f32 to vector<2000x4xf32>
    %div3A_5 = arith.divf %div3A_4, %add3A_3 : vector<2000x4xf32>
    %get3A_6 = arith.constant 0 : index
    %get3A_7 = arith.constant 0 : index
    %get3A_8 = vector.load %arg1[%get3A_6, %get3A_7] : memref<2000x20xf32, #tpu.memory_space<vmem>>, vector<2000x20xf32>
    %get3A_9 = arith.constant 0 : index
    %get3A_10 = arith.constant 0 : index
    %get3A_11 = vector.load %arg7[%get3A_9, %get3A_10] : memref<20x20xf32, #tpu.memory_space<vmem>>, vector<20x20xf32>
    %dot_general3A = arith.constant dense<0.000000e+00> : vector<2000x20xf32>
    %dot_general3A_12 = tpu.matmul %get3A_8, %get3A_11, %dot_general3A {dimension_numbers = #tpu.dot_dimension_numbers<[1], [0], [0], [1], [0, 0, 1, 1], [], []>, transpose_lhs_hint = false} : vector<2000x20xf32>, vector<20x20xf32>, vector<2000x20xf32> -> vector<2000x20xf32>
    %slice3A = vector.extract_strided_slice %div3A_5 {offsets = [0, 0], sizes = [2000, 1], strides = [1, 1]} : vector<2000x4xf32> to vector<2000x1xf32>
    %mul3A = vector.broadcast %slice3A : vector<2000x1xf32> to vector<2000x20xf32>
    %mul3A_13 = arith.mulf %dot_general3A_12, %mul3A : vector<2000x20xf32>
    %get3A_14 = arith.constant 0 : index
    %get3A_15 = arith.constant 0 : index
    %get3A_16 = vector.load %arg11[%get3A_14, %get3A_15] : memref<4x20xf32, #tpu.memory_space<vmem>>, vector<1x20xf32>
    %get3A_17 = vector.shape_cast %get3A_16 : vector<1x20xf32> to vector<20xf32>
    %broadcast_in_dim3A = vector.shape_cast %get3A_17 : vector<20xf32> to vector<1x20xf32>
    %add3A_18 = vector.broadcast %broadcast_in_dim3A : vector<1x20xf32> to vector<2000x20xf32>
    %add3A_19 = arith.addf %mul3A_13, %add3A_18 : vector<2000x20xf32>
    %get3A_20 = arith.constant 0 : index
    %get3A_21 = arith.constant 0 : index
    %get3A_22 = vector.load %arg2[%get3A_20, %get3A_21] : memref<2000x20xf32, #tpu.memory_space<vmem>>, vector<2000x20xf32>
    %get3A_23 = arith.constant 0 : index
    %get3A_24 = arith.constant 0 : index
    %get3A_25 = vector.load %arg8[%get3A_23, %get3A_24] : memref<20x20xf32, #tpu.memory_space<vmem>>, vector<20x20xf32>
    %dot_general3A_26 = arith.constant dense<0.000000e+00> : vector<2000x20xf32>
    %dot_general3A_27 = tpu.matmul %get3A_22, %get3A_25, %dot_general3A_26 {dimension_numbers = #tpu.dot_dimension_numbers<[1], [0], [0], [1], [0, 0, 1, 1], [], []>, transpose_lhs_hint = false} : vector<2000x20xf32>, vector<20x20xf32>, vector<2000x20xf32> -> vector<2000x20xf32>
    %slice3A_28 = vector.extract_strided_slice %div3A_5 {offsets = [0, 1], sizes = [2000, 1], strides = [1, 1]} : vector<2000x4xf32> to vector<2000x1xf32>
    %mul3A_29 = vector.broadcast %slice3A_28 : vector<2000x1xf32> to vector<2000x20xf32>
    %mul3A_30 = arith.mulf %dot_general3A_27, %mul3A_29 : vector<2000x20xf32>
    %get3A_31 = arith.constant 1 : index
    %get3A_32 = arith.constant 0 : index
    %get3A_33 = vector.load %arg11[%get3A_31, %get3A_32] : memref<4x20xf32, #tpu.memory_space<vmem>>, vector<1x20xf32>
    %get3A_34 = vector.shape_cast %get3A_33 : vector<1x20xf32> to vector<20xf32>
    %broadcast_in_dim3A_35 = vector.shape_cast %get3A_34 : vector<20xf32> to vector<1x20xf32>
    %add3A_36 = vector.broadcast %broadcast_in_dim3A_35 : vector<1x20xf32> to vector<2000x20xf32>
    %add3A_37 = arith.addf %mul3A_30, %add3A_36 : vector<2000x20xf32>
    %get3A_38 = arith.constant 0 : index
    %get3A_39 = arith.constant 0 : index
    %get3A_40 = vector.load %arg3[%get3A_38, %get3A_39] : memref<2000x20xf32, #tpu.memory_space<vmem>>, vector<2000x20xf32>
    %get3A_41 = arith.constant 0 : index
    %get3A_42 = arith.constant 0 : index
    %get3A_43 = vector.load %arg9[%get3A_41, %get3A_42] : memref<20x20xf32, #tpu.memory_space<vmem>>, vector<20x20xf32>
    %dot_general3A_44 = arith.constant dense<0.000000e+00> : vector<2000x20xf32>
    %dot_general3A_45 = tpu.matmul %get3A_40, %get3A_43, %dot_general3A_44 {dimension_numbers = #tpu.dot_dimension_numbers<[1], [0], [0], [1], [0, 0, 1, 1], [], []>, transpose_lhs_hint = false} : vector<2000x20xf32>, vector<20x20xf32>, vector<2000x20xf32> -> vector<2000x20xf32>
    %slice3A_46 = vector.extract_strided_slice %div3A_5 {offsets = [0, 2], sizes = [2000, 1], strides = [1, 1]} : vector<2000x4xf32> to vector<2000x1xf32>
    %mul3A_47 = vector.broadcast %slice3A_46 : vector<2000x1xf32> to vector<2000x20xf32>
    %mul3A_48 = arith.mulf %dot_general3A_45, %mul3A_47 : vector<2000x20xf32>
    %get3A_49 = arith.constant 2 : index
    %get3A_50 = arith.constant 0 : index
    %get3A_51 = vector.load %arg11[%get3A_49, %get3A_50] : memref<4x20xf32, #tpu.memory_space<vmem>>, vector<1x20xf32>
    %get3A_52 = vector.shape_cast %get3A_51 : vector<1x20xf32> to vector<20xf32>
    %broadcast_in_dim3A_53 = vector.shape_cast %get3A_52 : vector<20xf32> to vector<1x20xf32>
    %add3A_54 = vector.broadcast %broadcast_in_dim3A_53 : vector<1x20xf32> to vector<2000x20xf32>
    %add3A_55 = arith.addf %mul3A_48, %add3A_54 : vector<2000x20xf32>
    %get3A_56 = arith.constant 0 : index
    %get3A_57 = arith.constant 0 : index
    %get3A_58 = vector.load %arg4[%get3A_56, %get3A_57] : memref<2000x20xf32, #tpu.memory_space<vmem>>, vector<2000x20xf32>
    %get3A_59 = arith.constant 0 : index
    %get3A_60 = arith.constant 0 : index
    %get3A_61 = vector.load %arg10[%get3A_59, %get3A_60] : memref<20x20xf32, #tpu.memory_space<vmem>>, vector<20x20xf32>
    %dot_general3A_62 = arith.constant dense<0.000000e+00> : vector<2000x20xf32>
    %dot_general3A_63 = tpu.matmul %get3A_58, %get3A_61, %dot_general3A_62 {dimension_numbers = #tpu.dot_dimension_numbers<[1], [0], [0], [1], [0, 0, 1, 1], [], []>, transpose_lhs_hint = false} : vector<2000x20xf32>, vector<20x20xf32>, vector<2000x20xf32> -> vector<2000x20xf32>
    %slice3A_64 = vector.extract_strided_slice %div3A_5 {offsets = [0, 3], sizes = [2000, 1], strides = [1, 1]} : vector<2000x4xf32> to vector<2000x1xf32>
    %mul3A_65 = vector.broadcast %slice3A_64 : vector<2000x1xf32> to vector<2000x20xf32>
    %mul3A_66 = arith.mulf %dot_general3A_63, %mul3A_65 : vector<2000x20xf32>
    %get3A_67 = arith.constant 3 : index
    %get3A_68 = arith.constant 0 : index
    %get3A_69 = vector.load %arg11[%get3A_67, %get3A_68] : memref<4x20xf32, #tpu.memory_space<vmem>>, vector<1x20xf32>
    %get3A_70 = vector.shape_cast %get3A_69 : vector<1x20xf32> to vector<20xf32>
    %broadcast_in_dim3A_71 = vector.shape_cast %get3A_70 : vector<20xf32> to vector<1x20xf32>
    %add3A_72 = vector.broadcast %broadcast_in_dim3A_71 : vector<1x20xf32> to vector<2000x20xf32>
    %add3A_73 = arith.addf %mul3A_66, %add3A_72 : vector<2000x20xf32>
    %get3A_74 = arith.constant 0 : index
    %get3A_75 = arith.constant 0 : index
    %get3A_76 = vector.load %arg6[%get3A_74, %get3A_75] : memref<2000x20xf32, #tpu.memory_space<vmem>>, vector<2000x20xf32>
    %exp3A = math.exp %add3A_19 : vector<2000x20xf32>
    %mul3A_77 = arith.mulf %get3A_76, %exp3A : vector<2000x20xf32>
    %add3A_78 = arith.addf %mul3A_77, %add3A_37 : vector<2000x20xf32>
    %exp3A_79 = math.exp %add3A_55 : vector<2000x20xf32>
    %mul3A_80 = arith.mulf %add3A_78, %exp3A_79 : vector<2000x20xf32>
    %add3A_81 = arith.addf %mul3A_80, %add3A_73 : vector<2000x20xf32>
    %swap3A = arith.constant 0 : index
    %swap3A_82 = arith.constant 0 : index
    %swap3A_83 = vector.load %arg12[%swap3A, %swap3A_82] : memref<2000x20xf32, #tpu.memory_space<vmem>>, vector<2000x20xf32>
    tpu.vector_store %arg12[%swap3A, %swap3A_82], %add3A_78 {strides = array<i32>} : memref<2000x20xf32, #tpu.memory_space<vmem>>, vector<2000x20xf32>,
    %swap3A_84 = arith.constant 0 : index
    %swap3A_85 = arith.constant 0 : index
    %swap3A_86 = vector.load %arg13[%swap3A_84, %swap3A_85] : memref<2000x20xf32, #tpu.memory_space<vmem>>, vector<2000x20xf32>
    tpu.vector_store %arg13[%swap3A_84, %swap3A_85], %add3A_81 {strides = array<i32>} : memref<2000x20xf32, #tpu.memory_space<vmem>>, vector<2000x20xf32>,
    %add3A_87 = arith.addf %add3A_19, %add3A_55 : vector<2000x20xf32>
    %reduce_sum3A = arith.constant dense<0.000000e+00> : vector<2000xf32>
    %reduce_sum3A_88 = vector.multi_reduction <add>, %add3A_87, %reduce_sum3A [1] : vector<2000x20xf32> to vector<2000xf32>
    %broadcast_in_dim3A_89 = vector.shape_cast %reduce_sum3A_88 : vector<2000xf32> to vector<2000x1xf32>
    %swap3A_90 = arith.constant 0 : index
    %swap3A_91 = arith.constant 0 : index
    %swap3A_92 = vector.load %arg14[%swap3A_90, %swap3A_91] : memref<2000x1xf32, #tpu.memory_space<vmem>>, vector<2000x1xf32>
    tpu.vector_store %arg14[%swap3A_90, %swap3A_91], %broadcast_in_dim3A_89 {strides = array<i32>} : memref<2000x1xf32, #tpu.memory_space<vmem>>, vector<2000x1xf32>,
    return
  }
  func.func @transform_0(%arg0: i32) -> (i32, i32) {
    %c0_i32 = arith.constant 0 : i32
    %c0_i32_0 = arith.constant 0 : i32
    return %arg0, %c0_i32 : i32, i32
  }
  func.func @transform_1(%arg0: i32) -> (i32, i32) {
    %c0_i32 = arith.constant 0 : i32
    %c0_i32_0 = arith.constant 0 : i32
    return %arg0, %c0_i32 : i32, i32
  }
  func.func @transform_2(%arg0: i32) -> (i32, i32) {
    %c0_i32 = arith.constant 0 : i32
    %c0_i32_0 = arith.constant 0 : i32
    return %arg0, %c0_i32 : i32, i32
  }
  func.func @transform_3(%arg0: i32) -> (i32, i32) {
    %c0_i32 = arith.constant 0 : i32
    %c0_i32_0 = arith.constant 0 : i32
    return %arg0, %c0_i32 : i32, i32
  }
  func.func @transform_4(%arg0: i32) -> (i32, i32) {
    %c0_i32 = arith.constant 0 : i32
    %c0_i32_0 = arith.constant 0 : i32
    return %arg0, %c0_i32 : i32, i32
  }
  func.func @transform_5(%arg0: i32) -> (i32, i32) {
    %c0_i32 = arith.constant 0 : i32
    %c0_i32_0 = arith.constant 0 : i32
    return %arg0, %c0_i32 : i32, i32
  }
  func.func @transform_6(%arg0: i32) -> (i32, i32) {
    %c0_i32 = arith.constant 0 : i32
    %c0_i32_0 = arith.constant 0 : i32
    %c0_i32_1 = arith.constant 0 : i32
    return %c0_i32, %c0_i32_0 : i32, i32
  }
  func.func @transform_7(%arg0: i32) -> (i32, i32) {
    %c0_i32 = arith.constant 0 : i32
    %c0_i32_0 = arith.constant 0 : i32
    %c0_i32_1 = arith.constant 0 : i32
    return %c0_i32, %c0_i32_0 : i32, i32
  }
  func.func @transform_8(%arg0: i32) -> (i32, i32) {
    %c0_i32 = arith.constant 0 : i32
    %c0_i32_0 = arith.constant 0 : i32
    %c0_i32_1 = arith.constant 0 : i32
    return %c0_i32, %c0_i32_0 : i32, i32
  }
  func.func @transform_9(%arg0: i32) -> (i32, i32) {
    %c0_i32 = arith.constant 0 : i32
    %c0_i32_0 = arith.constant 0 : i32
    %c0_i32_1 = arith.constant 0 : i32
    return %c0_i32, %c0_i32_0 : i32, i32
  }
  func.func @transform_10(%arg0: i32) -> (i32, i32) {
    %c0_i32 = arith.constant 0 : i32
    %c0_i32_0 = arith.constant 0 : i32
    %c0_i32_1 = arith.constant 0 : i32
    return %c0_i32, %c0_i32_0 : i32, i32
  }
  func.func @transform_11(%arg0: i32) -> (i32, i32) {
    %c0_i32 = arith.constant 0 : i32
    %c0_i32_0 = arith.constant 0 : i32
    return %arg0, %c0_i32 : i32, i32
  }
  func.func @transform_12(%arg0: i32) -> (i32, i32) {
    %c0_i32 = arith.constant 0 : i32
    %c0_i32_0 = arith.constant 0 : i32
    return %arg0, %c0_i32 : i32, i32
  }
  func.func @transform_13(%arg0: i32) -> (i32, i32) {
    %c0_i32 = arith.constant 0 : i32
    %c0_i32_0 = arith.constant 0 : i32
    return %arg0, %c0_i32 : i32, i32
  }
}

</mosaic_0001>

<sc_bundles>
// kernel: kernel.6.cloned.1.call-start
scs
__scs_entry_jumppad:
0x0: {  	(pc) =	sbr.rel $0x88, $3  }
0x1: {  	(tag) =	ssettag $0x0;
	lr =	simm.s32 $0x1  }
0x2: {  	[smem:$0x3F8F] =	sst lr;
	_ =	strace $0xD0000000  }
0x3: {  	_ = 	snop  }
0x4: {  	_ = 	snop  }
0x5: {  	_ = 	snop  }
0x6: {  	_ = 	snop  }
0x7: {  	_ = 	snop  }
__scs_overlays_trampoline_lowered:
0x8: {  	[smem:$0x3F9E] =	sst s0  }
0x9: {  	[smem:$0x3F9F] =	sst s1  }
0xa: {  	[smem:$0x3FA0] =	sst s2  }
0xb: {  	[smem:$0x3FA1] =	sst s3  }
0xc: {  	[smem:$0x3FA2] =	sst s4  }
0xd: {  	[smem:$0x3FA3] =	sst s5  }
0xe: {  	[smem:$0x3FA4] =	sst s6  }
0xf: {  	[smem:$0x3FA5] =	sst s7  }
0x10: {  	[smem:$0x3FA6] =	sst s8  }
0x11: {  	[smem:$0x3FA7] =	sst s9;
	s0 =	simm.s32 @!p0 $0x0  }
0x12: {  	s1 =	sld [smem:$0x3F8D];
	s0 =	simm.s32 @p0 $0x1  }
0x13: {  	[smem:$0x3FA8] =	sst s0;
	s0 =	simm.s32 @!p1 $0x0  }
0x14: {  	s2 =	sld [smem:$0x3F8C];
	s0 =	simm.s32 @p1 $0x1  }
0x15: {  	[smem:$0x3FA9] =	sst s0;
	s0 =	simm.s32 @!p2 $0x0  }
0x16: {  	s3 =	sld [smem:$0x3FDB];
	s0 =	simm.s32 @p2 $0x1  }
0x17: {  	s4 =	simm.s32 $0x1BF5;
	[smem:$0x3FAB] =	sst s0  }
0x18: {  	s0 =	sld [smem:$0x3F8E];
	_ =	swait.ge [sflag:s4], $0x0  }
0x19: {  	s7 =	sld [smem:$0x3F8F]  }
0x1a: {  	s8 =	sadd.s32 $0xFFFFE003, lr  }
0x1b: {  	s9 =	sadd.s32 $0xFFFFFEF7, lr;
	s5 =	simm.s32 $0xFFFFFFFF;
	p2 =	slt.u32 s8, $0xFFFFF086  }
0x1c: {  	p1 =	slt.u32 s9, $0xF7A;
	s5 =	simm.s32 @!p2 $0x0  }
0x1d: {  	s5 =	simm.s32 @p1 $0x1;
	p0 =	seq.s32 s7, s2  }
0x1e: {  	s7 =	smul.u32 @!p0 $0xF7A, s2;
	p2 =	seq.s32 @!p0 s5, $0x0  }
0x1f: {  	s9 =	smul.u32 $0xF7A, s1;
	s8 =	simm.s32 @!p0 $0x1BF5;
	p2 =	por !p2, p0  }
0x20: {  	[sflag:s8] =	ssyncset.s32 @!p0 $0xFFFFF086;
	s6 =	sadd.s32 @!p0 s3, s7;
	s7 =	simm.s32 @!p0 $0x108  }
0x21: {  	s3 =	sadd.s32 s3, s9;
	s6 =	sadd.s32 @!p0 $0x88, s6;
	s7 =	simm.s32 @p2 $0x1082  }
0x22: {  	[simem:s7], [sflag:s8] =	dma.local @!p0 [hbm:s6], $0xF7A  }
0x23: {  	s9 =	sor.u32 $0xD0000000, s2;
	s6 =	simm.s32 $0x108;
	_ =	swait.ge @!p0 [sflag:s8], $0x0  }
0x24: {  	s3 =	sadd.s32 $0x88, s3;
	s6 =	simm.s32 @!p1 $0x1082;
	[sflag:s4] =	ssyncset.s32 $0xFFFFF086  }
0x25: {  	[simem:s6], [sflag:s4] =	dma.local [hbm:s3], $0xF7A  }
0x26: {  	[smem:$0x3F8F] =	sst s1;
	(tag) =	ssettag s2;
	_ =	strace s9  }
0x27: {  	s1 =	sld [smem:$0x3F9F]  }
0x28: {  	s2 =	sld [smem:$0x3FA0]  }
0x29: {  	s4 =	sld [smem:$0x3FA2]  }
0x2a: {  	p0 =	seq.s32 s5, $0x0;
	s5 =	sld [smem:$0x3FA3]  }
0x2b: {  	s6 =	sld [smem:$0x3FA4]  }
0x2c: {  	s7 =	sld [smem:$0x3FA5]  }
0x2d: {  	s3 =	simm.s32 $0x108;
	s8 =	sld [smem:$0x3FA6]  }
0x2e: {  	s3 =	simm.s32 @!p0 $0x1082;
	s9 =	sld [smem:$0x3FA7]  }
0x2f: {  	lr =	sadd.s32 s0, s3;
	s0 =	sld [smem:$0x3F9E]  }
0x30: {  	s3 =	sld [smem:$0x3FA1]  }
0x31: {  	[smem:$0x3FAA] =	sst s10  }
0x32: {  	s10 =	sld [smem:$0x3FA8];
	_ =	sdelay $0x3  }
0x33: {  	p0 =	seq.s32 s10, $0x1;
	s10 =	sld [smem:$0x3FAA];
	_ =	sdelay $0x3  }
0x34: {  	[smem:$0x3FAA] =	sst s10  }
0x35: {  	s10 =	sld [smem:$0x3FA9];
	_ =	sdelay $0x3  }
0x36: {  	p1 =	seq.s32 s10, $0x1;
	s10 =	sld [smem:$0x3FAA];
	_ =	sdelay $0x3  }
0x37: {  	[smem:$0x3FAA] =	sst s10  }
0x38: {  	s10 =	sld [smem:$0x3FAB]  }
0x39: {  	_ = 	snop;
	(pc) =	sbr.ind lr, $3  }
0x3a: {  	_ = 	snop  }
0x3b: {  	_ = 	snop  }
0x3c: {  	p2 =	seq.s32 s10, $0x1;
	s10 =	sld [smem:$0x3FAA]  }
0x3d: {  	_ =	shalt  }
0x3e: {  	_ =	shalt  }
0x3f: {  	_ =	shalt  }
0x40: {  	_ =	shalt  }
0x41: {  	_ =	shalt  }
0x42: {  	_ =	shalt  }
0x43: {  	_ =	shalt  }
0x44: {  	_ =	shalt  }
0x45: {  	_ =	shalt  }
0x46: {  	_ =	shalt  }
0x47: {  	_ =	shalt  }
0x48: {  	_ =	shalt  }
0x49: {  	_ =	shalt  }
0x4a: {  	_ =	shalt  }
0x4b: {  	_ =	shalt  }
0x4c: {  	_ =	shalt  }
0x4d: {  	_ =	shalt  }
0x4e: {  	_ =	shalt  }
0x4f: {  	_ =	shalt  }
0x50: {  	_ =	shalt  }
0x51: {  	_ =	shalt  }
0x52: {  	_ =	shalt  }
0x53: {  	_ =	shalt  }
0x54: {  	_ =	shalt  }
0x55: {  	_ =	shalt  }
0x56: {  	_ =	shalt  }
0x57: {  	_ =	shalt  }
0x58: {  	_ =	shalt  }
0x59: {  	_ =	shalt  }
0x5a: {  	_ =	shalt  }
0x5b: {  	_ =	shalt  }
0x5c: {  	_ =	shalt  }
0x5d: {  	_ =	shalt  }
0x5e: {  	_ =	shalt  }
0x5f: {  	_ =	shalt  }
0x60: {  	_ =	shalt  }
0x61: {  	_ =	shalt  }
0x62: {  	_ =	shalt  }
0x63: {  	_ =	shalt  }
0x64: {  	_ =	shalt  }
0x65: {  	_ =	shalt  }
0x66: {  	_ =	shalt  }
0x67: {  	_ =	shalt  }
0x68: {  	_ =	shalt  }
0x69: {  	_ =	shalt  }
0x6a: {  	_ =	shalt  }
0x6b: {  	_ =	shalt  }
0x6c: {  	_ =	shalt  }
0x6d: {  	_ =	shalt  }
0x6e: {  	_ =	shalt  }
0x6f: {  	_ =	shalt  }
0x70: {  	_ =	shalt  }
0x71: {  	_ =	shalt  }
0x72: {  	_ =	shalt  }
0x73: {  	_ =	shalt  }
0x74: {  	_ =	shalt  }
0x75: {  	_ =	shalt  }
0x76: {  	_ =	shalt  }
0x77: {  	_ =	shalt  }
0x78: {  	_ =	shalt  }
0x79: {  	_ =	shalt  }
0x7a: {  	_ =	shalt  }
0x7b: {  	_ =	shalt  }
0x7c: {  	_ =	shalt  }
0x7d: {  	_ =	shalt  }
0x7e: {  	_ =	shalt  }
0x7f: {  	_ =	shalt  }
0x80: {  	_ =	shalt  }
0x81: {  	_ =	shalt  }
0x82: {  	_ =	shalt  }
0x83: {  	_ =	shalt  }
0x84: {  	_ =	shalt  }
0x85: {  	_ =	shalt  }
0x86: {  	_ =	shalt  }
0x87: {  	_ =	shalt  }
.Lfunc_end0:
.L_simem_size_0:
called_computation.1_lowered:
.L_overlay_start_0:
0x88: {  	s2 =	sld [smem:$0x3FD9]  }
0x89: {  	s3 =	sld [smem:$0x3FFE];
	_ =	sdelay $0x1  }
0x8a: {  	s1 =	srdreg.scid  }
0x8b: {  	s0 =	sand.u32 $0x1, s1  }
0x8c: {  	s14 =	sshll.u32 s0, $0xA;
	s2 =	sadd.s32 s3, s2  }
0x8d: {  	s2 =	sadd.s32 s2, s14  }
0x8e: {  	[smem:$0x3FB6] =	sst s2  }
0x8f: {  	_ = 	snop  }
0x90: {  	s2 =	sld [smem:$0x3FD0];
	_ =	sdelay $0x2  }
0x91: {  	s15 =	simm.s32 $0xA;
	s4 =	simm.s32 $0x10  }
0x92: {  	[smem:s4], [sflag:s15] =	dma.local [hbm:s2], $0x1  }
0x93: {  	_ =	swait.eq [sflag:s15], $0x1  }
0x94: {  	[sflag:s15] =	ssyncset.done $0x0  }
0x95: {  	s16 =	sld [smem:$0x10];
	[sflag:s15] =	ssyncadd.s32 $0xFFFFFFFF  }
0x96: {  	s17 =	sld [smem:$0x11];
	(tm) =	ssettm $0x1  }
0x97: {  	s18 =	sld [smem:$0x3FFB];
	_ =	sdelay $0x3  }
0x98: {  	_ =	strace s18  }
0x99: {  	s4 =	sld [smem:$0x3FFC];
	_ =	sdelay $0x3  }
0x9a: {  	_ =	strace s4  }
0x9b: {  	s4 =	sld [smem:$0x3FFD];
	_ =	sdelay $0x3  }
0x9c: {  	_ =	strace s4  }
0x9d: {  	_ =	strace $0x8FFFFFFF  }
0x9e: {  	s19 =	sld [smem:$0x3FDB];
	_ =	sdelay $0x1  }
0x9f: {  	s5 =	simm.s32 $_scs_section_size  }
0xa0: {  	s6 =	simm.s32 $_size__tile_overlayer_lowered;
	s7 =	simm.s32 $_tile_overlayer_lowered  }
0xa1: {  	s22 =	simm.s32 $0x1BFF;
	s21 =	sshll.u32 s7, $0x1;
	s4 =	sadd.s32 s5, s19  }
0xa2: {  	s8 =	simm.s32 $0x0;
	s20 =	sshll.u32 s6, $0x1;
	s6 =	sadd.s32 s21, s4  }
0xa3: {  	[timem:s8], [sflag:s22] =	dma.local [hbm:s6], s20  }
0xa4: {  	_ =	swait.ge [sflag:s22], s20  }
0xa5: {  	s5 =	ssub.s32 $0x0, s20;
	[sflag:s22] =	ssyncset.done $0x0  }
0xa6: {  	[sflag:s22] =	ssyncadd.s32 s5;
	_ =	sdelay $0x1  }
0xa7: {  	s23 =	simm.s32 $0x1B8B  }
0xa8: {  	_ =	swait.ge [sflag:s23], $0x1  }
0xa9: {  	[sflag:s23] =	ssyncset.done $0x0  }
0xaa: {  	s25 =	simm.s32 $0x1B8E;
	s24 =	sld [smem:$0x3FFE];
	[sflag:s23] =	ssyncadd.s32 $0xFFFFFFFF  }
0xab: {  	s26 =	simm.s32 $execute0_lowered;
	[smem:$0x3FD2] =	sst s25  }
0xac: {  	s6 =	sshll.u32 s26, $0x1;
	_ =	strace $0x80000046;
	[dreg:$0x1] =	wrdreg $0xFFFFFFFF  }
0xad: {  	s28 =	simm.s32 $_size_execute0_lowered;
	s4 =	sadd.s32 s4, s6;
	[dreg:$0x0] =	wrdreg $0x0  }
0xae: {  	s6 =	sshll.u32 s28, $0x1;
	[dreg:$0x2] =	wrdreg s4  }
0xaf: {  	[dreg:$0x3] =	wrdreg s6  }
0xb0: {  	[dreg:$0x4] =	wrdreg $0xC0  }
0xb1: {  	_ =	task [dreg:s8], $0x5FFFF  }
0xb2: {  	[dreg:$0x1] =	wrdreg $0xFFFFFFFF  }
0xb3: {  	[dreg:$0x0] =	wrdreg $0x60  }
0xb4: {  	[dreg:$0x2] =	wrdreg s24  }
0xb5: {  	[dreg:$0x3] =	wrdreg s17  }
0xb6: {  	[dreg:$0x4] =	wrdreg s16  }
0xb7: {  	[dreg:$0x5] =	wrdreg $0x9  }
0xb8: {  	_ =	task.clear_ibuf [dreg:s8], $0x6FFFF;
	_ =	strace $0x90000046  }
0xb9: {  	s29 =	simm.s32 $0x9;
	_ =	strace $0x80000048  }
0xba: {  	_ =	swait.ge [sflag:s29], $0x1  }
0xbb: {  	[sflag:s29] =	ssyncadd.s32 $0xFFFFFFFF  }
0xbc: {  	_ =	strace $0x90000048  }
0xbd: {  	_ =	sfence  }
0xbe: {  	s30 =	sld [smem:$0x0];
	_ =	sdelay $0x2  }
0xbf: {  	s31 =	sshll.u32 s1, $0xD;
	s1 =	sshrl.u32 s1, $0x2  }
0xc0: {  	s3 =	sand.u32 $0x4000, s31;
	s1 =	sadd.s32 s1, s30  }
0xc1: {  	s0 =	sor.u32 s3, s0;
	s1 =	sshll.u32 s1, $0x11  }
0xc2: {  	s0 =	sor.u32 s1, s0  }
0xc3: {  	s0 =	sadd.s32 $0x8F2B, s0  }
0xc4: {  	[sflag:s0] =	ssyncadd.remote.s32 $0x1  }
0xc5: {  	_ =	sfence.sel $0xFFFF  }
0xc6: {  	[dreg:$0x0] =	wrdreg $0xFFFFFFFF;
	(pc) =	sbr.abs _section_cstart, $3  }
0xc7: {  	[dreg:$0x1] =	wrdreg $0xFFFFFFFF  }
0xc8: {  	_ =	task.clear_ibuf [dreg:s8], $0x2FFFF;
	_ =	strace $0x9FFFFFFF  }
0xc9: {  	(tm) =	ssettm $0x7FFFFFFF  }
tec
execute0_lowered:
.L_overlay_start_1:
0x0: {  	(tag) =	ssettag $0x1  }
0x1: {  	s9 =	rddreg [dreg:$0x0]  }
0x2: {  	s1 =	rddreg [dreg:$0x1]  }
0x3: {  	s2 =	rddreg [dreg:$0x2]  }
0x4: {  	s0 =	rddreg [dreg:$0x3];
	s3 =	simm.s32 $0x0  }
0x5: {  	s4 =	srdreg.scid;
	s14 =	simm.s32 $0x800;
	s15 =	simm.s32 $0x4800  }
0x6: {  	s16 =	simm.s32 $0x8800;
	s17 =	simm.s32 $0x1;
	s18 =	simm.s32 $0x0  }
0x7: {  	[smem:$0x7FF] =	sst s3;
	s5 =	sadd.s32 $0x7600, s9;
	s6 =	sadd.s32 $0x2E4800, s9  }
0x8: {  	s10 =	sand.u32 $0x1, s4;
	s7 =	sadd.s32 $0x251800, s9;
	s4 =	stileid.u32  }
0x9: {  	s8 =	sadd.s32 $0x349800, s9;
	s9 =	sadd.s32 $0x999800, s9;
	s11 =	ssub.s32 $0x2, s10  }
0xa: {  	_ =	strace $0x80000047;
	s13 =	sshll.u32 s4, $0x1;
	s12 =	sshrl.u32 s11, $0x1  }
0xb: {  	s10 =	sor.u32 s10, s13;
	s13 =	simm.s32 $0x400;
	s11 =	ssub.s32 s11, s12  }
0xc: {  	s10 =	smul.u32 $0x65, s10;
	s12 =	simm.s32 $0x2;
	s11 =	smax.u32 s11, $0x1  }
.LBB2_1:
0xd: {  	s19 =	simm.s32 $0x0  }
.LBB2_2:
0xe: {  	s20 =	sadd.s32 s10, s19  }
0xf: {  	s21 =	sshll.u32 s20, $0x7  }
0x10: {  	s23 =	simm.s32 $0x0;
	s22 =	sadd.s32 s5, s21  }
0x11: {  	[tilespmem:s23], [sflag:$0x2] =	stream.linear.gather [hbm4b:s22+s23], $0x400, $0x38;
	[tilespmem:$0x14800] =	vst v63  }
0x12: {  	_ =	swait.ge [sflag:s12], $0x400  }
0x13: {  	[sflag:s12] =	ssyncset.done $0x0  }
0x14: {  	s21 =	sadd.s32 s6, s21;
	[sflag:s12] =	ssyncadd.s32 $0xFFFFFC00  }
0x15: {  	[tilespmem:s13], [sflag:$0x2] =	stream.linear.gather [hbm4b:s21+s23], $0x400, $0x38;
	[tilespmem:$0x14800] =	vst v63  }
0x16: {  	_ =	swait.ge [sflag:s12], $0x400  }
0x17: {  	[sflag:s12] =	ssyncset.done $0x0  }
0x18: {  	[sflag:s12] =	ssyncadd.s32 $0xFFFFFC00  }
0x19: {  	[tilespmem:s14], [sflag:$0x1] =	stream.indirect.gather [hbm4b:s1+s13], $0x10, s23, s13, $0xb8;
	[tilespmem:$0x14800] =	vst v63  }
0x1a: {  	_ = 	snop  }
0x1b: {  	[tilespmem:s15], [sflag:$0x1] =	stream.indirect.gather [hbm4b:s2+s13], $0x10, s13, s13, $0xb8;
	[tilespmem:$0x14800] =	vst v63  }
0x1c: {  	_ = 	snop  }
0x1d: {  	[tilespmem:s16], [sflag:$0x1] =	stream.indirect.gather [hbm4b:s7+s13], $0x30, s23, s13, $0xb8;
	[tilespmem:$0x14800] =	vst v63  }
0x1e: {  	_ =	swait.ge [sflag:s17], $0x4000  }
0x1f: {  	[sflag:s17] =	ssyncset.done $0x0  }
0x20: {  	[sflag:s17] =	ssyncadd.s32 $0xFFFFC000  }
0x21: {  	_ =	swait.ge [sflag:s17], $0x4000  }
0x22: {  	[sflag:s17] =	ssyncset.done $0x0  }
0x23: {  	[sflag:s17] =	ssyncadd.s32 $0xFFFFC000  }
0x24: {  	_ =	swait.ge [sflag:s17], $0xC000  }
0x25: {  	[sflag:s17] =	ssyncset.done $0x0  }
0x26: {  	s21 =	simm.s32 $0x0;
	[sflag:s17] =	ssyncadd.s32 $0xFFFF4000  }
0x27: {  	v0 =	vld [tilespmem:s21+$0x4800]  }
0x28: {  	v1 =	vld [tilespmem:s21+$0x4820]  }
0x29: {  	v2 =	vld [tilespmem:s21+$0x820]  }
0x2a: {  	v3 =	vld [tilespmem:s21+$0x4810]  }
0x2b: {  	v4 =	vld [tilespmem:s21+$0x800]  }
0x2c: {  	v5 =	vld [tilespmem:s21+$0x810];
	_ =	sdelay $0x1  }
0x2d: {  	v6 =	vld [tilespmem:s21+$0x4830];
	v1 =	vadd.f32 v1, v2  }
0x2e: {  	v7 =	vld [tilespmem:s21+$0x830]  }
0x2f: {  	v0 =	vadd.f32 v0, v4;
	v2 =	vmul.f32 $2.000000030e-01, v1  }
0x30: {  	v3 =	vadd.f32 v3, v5;
	vm0 =	vge.f32 v1, $0.0e+00  }
0x31: {  	v4 =	vmul.f32 $2.000000030e-01, v0;
	v1 =	vsel vm0, v1, v2  }
0x32: {  	vm13 =	vge.f32 v0, $0.0e+00;
	v5 =	vmul.f32 $2.000000030e-01, v3;
	v1 =	vmul.f32 $1.442695020e+00, v1  }
0x33: {  	v60 =	vadd.f32 v6, v7;
	vm14 =	vge.f32 v3, $0.0e+00;
	v0 =	vsel vm13, v0, v4  }
0x34: {  	v3 =	vsel vm14, v3, v5;
	v0 =	vmul.f32 $1.442695020e+00, v0;
	(erf) = vpow2.f32 v1  }
0x35: {  	v61 =	vmul.f32 $2.000000030e-01, v60;
	v62 =	vmul.f32 $1.442695020e+00, v3  }
0x36: {  	vm15 =	vge.f32 v60, $0.0e+00;
	(erf) = vpow2.f32 v0  }
0x37: {  	v2 =	vsel vm15, v60, v61;
	(erf) = vpow2.f32 v62  }
0x38: {  	v63 =	vmul.f32 $1.442695020e+00, v2;
	_ =	sdelay $0x1  }
0x39: {  	s22 =	simm.s32 $0x100;
	s23 =	simm.s32 $0x200;
	(erf) = vpow2.f32 v63  }
.LBB2_3:
0x3a: {  	p0 =	sne.s32 s23, $0xFF00  }
0x3b: {  	s24 =	sshra.s32 s22, $0x2;
	s22 =	smov.u32 s23;
	s23 =	sadd.s32 $0x100, s23  }
0x3c: {  	v0 =	vld [tilespmem:s24+$0x4800];
	v1 =	vpop (erf)  }
0x3d: {  	v2 =	vld [tilespmem:s24+$0x4820];
	[tilespmem:s21+$0x820] =	vst v1  }
0x3e: {  	v1 =	vld [tilespmem:s24+$0x820];
	v3 =	vpop (erf)  }
0x3f: {  	v4 =	vld [tilespmem:s24+$0x4810];
	[tilespmem:s21+$0x800] =	vst v3;
	v3 =	vpop (erf)  }
0x40: {  	v5 =	vld [tilespmem:s24+$0x800];
	[tilespmem:s21+$0x810] =	vst v3  }
0x41: {  	v3 =	vld [tilespmem:s24+$0x810]  }
0x42: {  	v6 =	vpop (erf)  }
0x43: {  	v1 =	vadd.f32 v2, v1;
	v2 =	vld [tilespmem:s24+$0x4830];
	[tilespmem:s21+$0x830] =	vst v6;
	s21 =	smov.u32 s24  }
0x44: {  	v6 =	vld [tilespmem:s21+$0x830]  }
0x45: {  	v0 =	vadd.f32 v0, v5;
	v5 =	vmul.f32 $2.000000030e-01, v1  }
0x46: {  	vm0 =	vge.f32 v1, $0.0e+00;
	v3 =	vadd.f32 v4, v3  }
0x47: {  	v4 =	vmul.f32 $2.000000030e-01, v0;
	v1 =	vsel vm0, v1, v5  }
0x48: {  	vm0 =	vge.f32 v0, $0.0e+00;
	v5 =	vmul.f32 $2.000000030e-01, v3;
	v1 =	vmul.f32 $1.442695020e+00, v1  }
0x49: {  	v0 =	vsel vm0, v0, v4;
	vm0 =	vge.f32 v3, $0.0e+00;
	v2 =	vadd.f32 v2, v6  }
0x4a: {  	v0 =	vmul.f32 $1.442695020e+00, v0;
	v3 =	vsel vm0, v3, v5;
	(erf) = vpow2.f32 v1  }
0x4b: {  	v1 =	vmul.f32 $1.442695020e+00, v3;
	vm0 =	vge.f32 v2, $0.0e+00;
	v3 =	vmul.f32 $2.000000030e-01, v2  }
.Ltmp0:
0x4c: {  	(erf) = vpow2.f32 v0;
	(pc) =	sbr.rel @p0 .LBB2_3-.Ltmp0, $3  }
0x4d: {  	v0 =	vsel vm0, v2, v3;
	(erf) = vpow2.f32 v1  }
0x4e: {  	v0 =	vmul.f32 $1.442695020e+00, v0;
	_ =	sdelay $0x1  }
0x4f: {  	(erf) = vpow2.f32 v0  }
0x50: {  	_ =	sdelay $0x1  }
0x51: {  	s22 =	sshra.s32 s22, $0x2  }
0x52: {  	v0 =	vld [tilespmem:s22+$0x4800];
	v1 =	vpop (erf)  }
0x53: {  	v2 =	vld [tilespmem:s22+$0x4820];
	[tilespmem:s21+$0x820] =	vst v1  }
0x54: {  	v1 =	vld [tilespmem:s22+$0x820];
	v3 =	vpop (erf)  }
0x55: {  	v4 =	vld [tilespmem:s22+$0x4810];
	[tilespmem:s21+$0x800] =	vst v3;
	v53 =	vpop (erf)  }
0x56: {  	v5 =	vld [tilespmem:s22+$0x800];
	[tilespmem:s21+$0x810] =	vst v53  }
0x57: {  	v3 =	vld [tilespmem:s22+$0x810];
	v6 =	vpop (erf)  }
0x58: {  	v7 =	vld [tilespmem:s22+$0x4830];
	[tilespmem:s21+$0x830] =	vst v6  }
0x59: {  	v6 =	vld [tilespmem:s22+$0x830]  }
0x5a: {  	v1 =	vadd.f32 v2, v1;
	_ =	sdelay $0x1  }
0x5b: {  	v0 =	vadd.f32 v0, v5;
	v2 =	vmul.f32 $2.000000030e-01, v1  }
0x5c: {  	vm0 =	vge.f32 v1, $0.0e+00;
	v3 =	vadd.f32 v4, v3  }
0x5d: {  	v54 =	vmul.f32 $2.000000030e-01, v0;
	v1 =	vsel vm0, v1, v2;
	v55 =	vadd.f32 v7, v6  }
0x5e: {  	vm13 =	vge.f32 v0, $0.0e+00;
	v56 =	vmul.f32 $2.000000030e-01, v3;
	v1 =	vmul.f32 $1.442695020e+00, v1  }
0x5f: {  	vm14 =	vge.f32 v3, $0.0e+00;
	v0 =	vsel vm13, v0, v54;
	v57 =	vmul.f32 $2.000000030e-01, v55  }
0x60: {  	v0 =	vmul.f32 $1.442695020e+00, v0;
	v3 =	vsel vm14, v3, v56;
	vm15 =	vge.f32 v55, $0.0e+00  }
0x61: {  	(erf) = vpow2.f32 v1;
	v58 =	vmul.f32 $1.442695020e+00, v3;
	v2 =	vsel vm15, v55, v57  }
0x62: {  	(erf) = vpow2.f32 v0;
	v59 =	vmul.f32 $1.442695020e+00, v2  }
0x63: {  	(erf) = vpow2.f32 v58  }
0x64: {  	(erf) = vpow2.f32 v59;
	_ =	sdelay $0x5  }
0x65: {  	v60 =	vpop (erf)  }
0x66: {  	[tilespmem:s22+$0x820] =	vst v60;
	v61 =	vpop (erf)  }
0x67: {  	[tilespmem:s22+$0x800] =	vst v61;
	v62 =	vpop (erf)  }
0x68: {  	s30 =	sshll.u32 s20, $0xB;
	[tilespmem:s22+$0x810] =	vst v62;
	v63 =	vpop (erf)  }
0x69: {  	s21 =	sadd.s32 s8, s30;
	[tilespmem:s22+$0x830] =	vst v63  }
0x6a: {  	[hbm4b:s21+s3] =	stream.linear.scatter [tilespmem:s14], [sflag:$0x2], $0x4000, $0x38;
	[tilespmem:$0x14800] =	vst v63  }
0x6b: {  	s31 =	smul.u32 $0x1800, s20;
	s19 =	sadd.s32 $0x1, s19;
	_ =	swait.ge [sflag:s12], $0x4000  }
0x6c: {  	p0 =	sne.s32 s19, $0x65;
	[sflag:s12] =	ssyncset.done $0x0  }
.Ltmp1:
0x6d: {  	s20 =	sadd.s32 s9, s31;
	[sflag:s12] =	ssyncadd.s32 $0xFFFFC000;
	(pc) =	sbr.rel @p0 .LBB2_2-.Ltmp1, $4  }
0x6e: {  	[hbm4b:s20+s3] =	stream.linear.scatter [tilespmem:s16], [sflag:$0x2], $0xC000, $0x38;
	[tilespmem:$0x14800] =	vst v63  }
0x6f: {  	_ =	swait.ge [sflag:s12], $0xC000  }
0x70: {  	[sflag:s12] =	ssyncset.done $0x0  }
0x71: {  	[sflag:s12] =	ssyncadd.s32 $0xFFFF4000  }
0x72: {  	s18 =	sadd.s32 $0x1, s18  }
0x73: {  	p0 =	sne.s32 s18, s11  }
.Ltmp2:
0x74: {  	_ = 	snop;
	(pc) =	sbr.rel @p0 .LBB2_1-.Ltmp2, $1  }
0x75: {  	_ =	sdelay $0x3  }
0x76: {  	_ =	sfence.sel $0x180000  }
0x77: {  	[bflag:$0x0] =	sbarrier.arrive $0xFFFF  }
0x78: {  	p0 =	sne.s32 s4, $0x0;
	_ =	strace $0x90000047  }
0x79: {  	s0 =	sadd.s32 @!p0 $0x100000, s0;
	[bflag:$0x2] =	sbarrier.arrive $0xFFFF  }
0x7a: {  	[sflag:s0] =	ssyncadd.tile.s32 @!p0 $0x1;
	_ =	shalt  }
.Lfunc_end2:
_tile_overlayer_lowered:
.L_overlay_start_2:
0x7b: {  	(tag) =	ssettag $0x2  }
0x7c: {  	s0 =	rddreg [dreg:$0x0];
	s2 =	stileid.u32  }
0x7d: {  	s1 =	rddreg [dreg:$0x1];
	p0 =	sne.s32 s2, $0x0  }
0x7e: {  	s3 =	rddreg [dreg:$0x2];
	[bflag:$0x3] =	sbarrier.arrive $0xFFFF;
	s2 =	simm.s32 @!p0 $0x1C02  }
0x7f: {  	[timem:s3], [sflag:s2] =	dma.local @!p0 [hbm:s0], s1  }
0x80: {  	s0 =	simm.s32 @!p0 $0x2  }
0x81: {  	_ =	swait.ge @!p0 [sflag:s0], s1  }
0x82: {  	s1 =	ssub.s32 @!p0 $0x0, s1;
	[sflag:s0] =	ssyncset.done @!p0 $0x0  }
0x83: {  	[sflag:s0] =	ssyncadd.s32 @!p0 s1  }
0x84: {  	[bflag:$0x3] =	sbarrier.arrive $0xFFFF  }
0x85: {  	_ =	shalt  }

// kernel: kernel.9.cloned.1.call-start
scs
__scs_entry_jumppad:
0x0: {  	(pc) =	sbr.rel $0x88, $3  }
0x1: {  	(tag) =	ssettag $0x0;
	lr =	simm.s32 $0x1  }
0x2: {  	[smem:$0x3F8F] =	sst lr;
	_ =	strace $0xD0000000  }
0x3: {  	_ = 	snop  }
0x4: {  	_ = 	snop  }
0x5: {  	_ = 	snop  }
0x6: {  	_ = 	snop  }
0x7: {  	_ = 	snop  }
__scs_overlays_trampoline_lowered:
0x8: {  	[smem:$0x3F9E] =	sst s0  }
0x9: {  	[smem:$0x3F9F] =	sst s1  }
0xa: {  	[smem:$0x3FA0] =	sst s2  }
0xb: {  	[smem:$0x3FA1] =	sst s3  }
0xc: {  	[smem:$0x3FA2] =	sst s4  }
0xd: {  	[smem:$0x3FA3] =	sst s5  }
0xe: {  	[smem:$0x3FA4] =	sst s6  }
0xf: {  	[smem:$0x3FA5] =	sst s7  }
0x10: {  	[smem:$0x3FA6] =	sst s8  }
0x11: {  	[smem:$0x3FA7] =	sst s9;
	s0 =	simm.s32 @!p0 $0x0  }
0x12: {  	s1 =	sld [smem:$0x3F8D];
	s0 =	simm.s32 @p0 $0x1  }
0x13: {  	[smem:$0x3FA8] =	sst s0;
	s0 =	simm.s32 @!p1 $0x0  }
0x14: {  	s2 =	sld [smem:$0x3F8C];
	s0 =	simm.s32 @p1 $0x1  }
0x15: {  	[smem:$0x3FA9] =	sst s0;
	s0 =	simm.s32 @!p2 $0x0  }
0x16: {  	s3 =	sld [smem:$0x3FDB];
	s0 =	simm.s32 @p2 $0x1  }
0x17: {  	s4 =	simm.s32 $0x1BF5;
	[smem:$0x3FAB] =	sst s0  }
0x18: {  	s0 =	sld [smem:$0x3F8E];
	_ =	swait.ge [sflag:s4], $0x0  }
0x19: {  	s7 =	sld [smem:$0x3F8F]  }
0x1a: {  	s8 =	sadd.s32 $0xFFFFE003, lr  }
0x1b: {  	s9 =	sadd.s32 $0xFFFFFEF7, lr;
	s5 =	simm.s32 $0xFFFFFFFF;
	p2 =	slt.u32 s8, $0xFFFFF086  }
0x1c: {  	p1 =	slt.u32 s9, $0xF7A;
	s5 =	simm.s32 @!p2 $0x0  }
0x1d: {  	s5 =	simm.s32 @p1 $0x1;
	p0 =	seq.s32 s7, s2  }
0x1e: {  	s7 =	smul.u32 @!p0 $0xF7A, s2;
	p2 =	seq.s32 @!p0 s5, $0x0  }
0x1f: {  	s9 =	smul.u32 $0xF7A, s1;
	s8 =	simm.s32 @!p0 $0x1BF5;
	p2 =	por !p2, p0  }
0x20: {  	[sflag:s8] =	ssyncset.s32 @!p0 $0xFFFFF086;
	s6 =	sadd.s32 @!p0 s3, s7;
	s7 =	simm.s32 @!p0 $0x108  }
0x21: {  	s3 =	sadd.s32 s3, s9;
	s6 =	sadd.s32 @!p0 $0x88, s6;
	s7 =	simm.s32 @p2 $0x1082  }
0x22: {  	[simem:s7], [sflag:s8] =	dma.local @!p0 [hbm:s6], $0xF7A  }
0x23: {  	s9 =	sor.u32 $0xD0000000, s2;
	s6 =	simm.s32 $0x108;
	_ =	swait.ge @!p0 [sflag:s8], $0x0  }
0x24: {  	s3 =	sadd.s32 $0x88, s3;
	s6 =	simm.s32 @!p1 $0x1082;
	[sflag:s4] =	ssyncset.s32 $0xFFFFF086  }
0x25: {  	[simem:s6], [sflag:s4] =	dma.local [hbm:s3], $0xF7A  }
0x26: {  	[smem:$0x3F8F] =	sst s1;
	(tag) =	ssettag s2;
	_ =	strace s9  }
0x27: {  	s1 =	sld [smem:$0x3F9F]  }
0x28: {  	s2 =	sld [smem:$0x3FA0]  }
0x29: {  	s4 =	sld [smem:$0x3FA2]  }
0x2a: {  	p0 =	seq.s32 s5, $0x0;
	s5 =	sld [smem:$0x3FA3]  }
0x2b: {  	s6 =	sld [smem:$0x3FA4]  }
0x2c: {  	s7 =	sld [smem:$0x3FA5]  }
0x2d: {  	s3 =	simm.s32 $0x108;
	s8 =	sld [smem:$0x3FA6]  }
0x2e: {  	s3 =	simm.s32 @!p0 $0x1082;
	s9 =	sld [smem:$0x3FA7]  }
0x2f: {  	lr =	sadd.s32 s0, s3;
	s0 =	sld [smem:$0x3F9E]  }
0x30: {  	s3 =	sld [smem:$0x3FA1]  }
0x31: {  	[smem:$0x3FAA] =	sst s10  }
0x32: {  	s10 =	sld [smem:$0x3FA8];
	_ =	sdelay $0x3  }
0x33: {  	p0 =	seq.s32 s10, $0x1;
	s10 =	sld [smem:$0x3FAA];
	_ =	sdelay $0x3  }
0x34: {  	[smem:$0x3FAA] =	sst s10  }
0x35: {  	s10 =	sld [smem:$0x3FA9];
	_ =	sdelay $0x3  }
0x36: {  	p1 =	seq.s32 s10, $0x1;
	s10 =	sld [smem:$0x3FAA];
	_ =	sdelay $0x3  }
0x37: {  	[smem:$0x3FAA] =	sst s10  }
0x38: {  	s10 =	sld [smem:$0x3FAB]  }
0x39: {  	_ = 	snop;
	(pc) =	sbr.ind lr, $3  }
0x3a: {  	_ = 	snop  }
0x3b: {  	_ = 	snop  }
0x3c: {  	p2 =	seq.s32 s10, $0x1;
	s10 =	sld [smem:$0x3FAA]  }
0x3d: {  	_ =	shalt  }
0x3e: {  	_ =	shalt  }
0x3f: {  	_ =	shalt  }
0x40: {  	_ =	shalt  }
0x41: {  	_ =	shalt  }
0x42: {  	_ =	shalt  }
0x43: {  	_ =	shalt  }
0x44: {  	_ =	shalt  }
0x45: {  	_ =	shalt  }
0x46: {  	_ =	shalt  }
0x47: {  	_ =	shalt  }
0x48: {  	_ =	shalt  }
0x49: {  	_ =	shalt  }
0x4a: {  	_ =	shalt  }
0x4b: {  	_ =	shalt  }
0x4c: {  	_ =	shalt  }
0x4d: {  	_ =	shalt  }
0x4e: {  	_ =	shalt  }
0x4f: {  	_ =	shalt  }
0x50: {  	_ =	shalt  }
0x51: {  	_ =	shalt  }
0x52: {  	_ =	shalt  }
0x53: {  	_ =	shalt  }
0x54: {  	_ =	shalt  }
0x55: {  	_ =	shalt  }
0x56: {  	_ =	shalt  }
0x57: {  	_ =	shalt  }
0x58: {  	_ =	shalt  }
0x59: {  	_ =	shalt  }
0x5a: {  	_ =	shalt  }
0x5b: {  	_ =	shalt  }
0x5c: {  	_ =	shalt  }
0x5d: {  	_ =	shalt  }
0x5e: {  	_ =	shalt  }
0x5f: {  	_ =	shalt  }
0x60: {  	_ =	shalt  }
0x61: {  	_ =	shalt  }
0x62: {  	_ =	shalt  }
0x63: {  	_ =	shalt  }
0x64: {  	_ =	shalt  }
0x65: {  	_ =	shalt  }
0x66: {  	_ =	shalt  }
0x67: {  	_ =	shalt  }
0x68: {  	_ =	shalt  }
0x69: {  	_ =	shalt  }
0x6a: {  	_ =	shalt  }
0x6b: {  	_ =	shalt  }
0x6c: {  	_ =	shalt  }
0x6d: {  	_ =	shalt  }
0x6e: {  	_ =	shalt  }
0x6f: {  	_ =	shalt  }
0x70: {  	_ =	shalt  }
0x71: {  	_ =	shalt  }
0x72: {  	_ =	shalt  }
0x73: {  	_ =	shalt  }
0x74: {  	_ =	shalt  }
0x75: {  	_ =	shalt  }
0x76: {  	_ =	shalt  }
0x77: {  	_ =	shalt  }
0x78: {  	_ =	shalt  }
0x79: {  	_ =	shalt  }
0x7a: {  	_ =	shalt  }
0x7b: {  	_ =	shalt  }
0x7c: {  	_ =	shalt  }
0x7d: {  	_ =	shalt  }
0x7e: {  	_ =	shalt  }
0x7f: {  	_ =	shalt  }
0x80: {  	_ =	shalt  }
0x81: {  	_ =	shalt  }
0x82: {  	_ =	shalt  }
0x83: {  	_ =	shalt  }
0x84: {  	_ =	shalt  }
0x85: {  	_ =	shalt  }
0x86: {  	_ =	shalt  }
0x87: {  	_ =	shalt  }
.Lfunc_end0:
.L_simem_size_0:
called_computation.2_lowered:
.L_overlay_start_0:
0x88: {  	s2 =	sld [smem:$0x3FD9]  }
0x89: {  	s3 =	sld [smem:$0x3FFE];
	_ =	sdelay $0x1  }
0x8a: {  	s1 =	srdreg.scid  }
0x8b: {  	s0 =	sand.u32 $0x1, s1  }
0x8c: {  	s14 =	sshll.u32 s0, $0xA;
	s2 =	sadd.s32 s3, s2  }
0x8d: {  	s2 =	sadd.s32 s2, s14  }
0x8e: {  	[smem:$0x3FB6] =	sst s2  }
0x8f: {  	_ = 	snop  }
0x90: {  	s2 =	sld [smem:$0x3FD0];
	_ =	sdelay $0x2  }
0x91: {  	s15 =	simm.s32 $0xA;
	s4 =	simm.s32 $0x10  }
0x92: {  	[smem:s4], [sflag:s15] =	dma.local [hbm:s2], $0x1  }
0x93: {  	_ =	swait.eq [sflag:s15], $0x1  }
0x94: {  	[sflag:s15] =	ssyncset.done $0x0  }
0x95: {  	s16 =	sld [smem:$0x10];
	[sflag:s15] =	ssyncadd.s32 $0xFFFFFFFF  }
0x96: {  	s17 =	sld [smem:$0x11];
	(tm) =	ssettm $0x1  }
0x97: {  	s18 =	sld [smem:$0x3FFB];
	_ =	sdelay $0x3  }
0x98: {  	_ =	strace s18  }
0x99: {  	s4 =	sld [smem:$0x3FFC];
	_ =	sdelay $0x3  }
0x9a: {  	_ =	strace s4  }
0x9b: {  	s4 =	sld [smem:$0x3FFD];
	_ =	sdelay $0x3  }
0x9c: {  	_ =	strace s4  }
0x9d: {  	_ =	strace $0x8FFFFFFF  }
0x9e: {  	s19 =	sld [smem:$0x3FDB];
	_ =	sdelay $0x1  }
0x9f: {  	s5 =	simm.s32 $_scs_section_size  }
0xa0: {  	s6 =	simm.s32 $_size__tile_overlayer_lowered;
	s7 =	simm.s32 $_tile_overlayer_lowered  }
0xa1: {  	s22 =	simm.s32 $0x1BFF;
	s21 =	sshll.u32 s7, $0x1;
	s4 =	sadd.s32 s5, s19  }
0xa2: {  	s8 =	simm.s32 $0x0;
	s20 =	sshll.u32 s6, $0x1;
	s6 =	sadd.s32 s21, s4  }
0xa3: {  	[timem:s8], [sflag:s22] =	dma.local [hbm:s6], s20  }
0xa4: {  	_ =	swait.ge [sflag:s22], s20  }
0xa5: {  	s5 =	ssub.s32 $0x0, s20;
	[sflag:s22] =	ssyncset.done $0x0  }
0xa6: {  	[sflag:s22] =	ssyncadd.s32 s5;
	_ =	sdelay $0x1  }
0xa7: {  	s23 =	simm.s32 $0x1B8B  }
0xa8: {  	_ =	swait.ge [sflag:s23], $0x1  }
0xa9: {  	[sflag:s23] =	ssyncset.done $0x0  }
0xaa: {  	s25 =	simm.s32 $0x1B8E;
	s24 =	sld [smem:$0x3FFE];
	[sflag:s23] =	ssyncadd.s32 $0xFFFFFFFF  }
0xab: {  	s26 =	simm.s32 $execute0_lowered;
	[smem:$0x3FD2] =	sst s25  }
0xac: {  	s6 =	sshll.u32 s26, $0x1;
	_ =	strace $0x8000004C;
	[dreg:$0x1] =	wrdreg $0xFFFFFFFF  }
0xad: {  	s28 =	simm.s32 $_size_execute0_lowered;
	s4 =	sadd.s32 s4, s6;
	[dreg:$0x0] =	wrdreg $0x0  }
0xae: {  	s6 =	sshll.u32 s28, $0x1;
	[dreg:$0x2] =	wrdreg s4  }
0xaf: {  	[dreg:$0x3] =	wrdreg s6  }
0xb0: {  	[dreg:$0x4] =	wrdreg $0xC0  }
0xb1: {  	_ =	task [dreg:s8], $0x5FFFF  }
0xb2: {  	[dreg:$0x1] =	wrdreg $0xFFFFFFFF  }
0xb3: {  	[dreg:$0x0] =	wrdreg $0x60  }
0xb4: {  	[dreg:$0x2] =	wrdreg s24  }
0xb5: {  	[dreg:$0x3] =	wrdreg s17  }
0xb6: {  	[dreg:$0x4] =	wrdreg s16  }
0xb7: {  	[dreg:$0x5] =	wrdreg $0x48000  }
0xb8: {  	[dreg:$0x6] =	wrdreg $0x9  }
0xb9: {  	_ =	task.clear_ibuf [dreg:s8], $0x7FFFF;
	_ =	strace $0x9000004C  }
0xba: {  	s29 =	simm.s32 $0x9;
	_ =	strace $0x8000004E  }
0xbb: {  	_ =	swait.ge [sflag:s29], $0x1  }
0xbc: {  	[sflag:s29] =	ssyncadd.s32 $0xFFFFFFFF  }
0xbd: {  	_ =	strace $0x9000004E  }
0xbe: {  	_ =	sfence  }
0xbf: {  	s30 =	sld [smem:$0x0];
	_ =	sdelay $0x2  }
0xc0: {  	s31 =	sshll.u32 s1, $0xD;
	s1 =	sshrl.u32 s1, $0x2  }
0xc1: {  	s3 =	sand.u32 $0x4000, s31;
	s1 =	sadd.s32 s1, s30  }
0xc2: {  	s0 =	sor.u32 s3, s0;
	s1 =	sshll.u32 s1, $0x11  }
0xc3: {  	s0 =	sor.u32 s1, s0  }
0xc4: {  	s0 =	sadd.s32 $0x8F2B, s0  }
0xc5: {  	[sflag:s0] =	ssyncadd.remote.s32 $0x1  }
0xc6: {  	_ =	sfence.sel $0xFFFF  }
0xc7: {  	[dreg:$0x0] =	wrdreg $0xFFFFFFFF;
	(pc) =	sbr.abs _section_cstart, $3  }
0xc8: {  	[dreg:$0x1] =	wrdreg $0xFFFFFFFF  }
0xc9: {  	_ =	task.clear_ibuf [dreg:s8], $0x2FFFF;
	_ =	strace $0x9FFFFFFF  }
0xca: {  	(tm) =	ssettm $0x7FFFFFFF  }
0xcb: {  	_ =	shalt  }
tec
execute0_lowered:
.L_overlay_start_1:
0x0: {  	(tag) =	ssettag $0x1  }
0x1: {  	s0 =	rddreg [dreg:$0x0]  }
0x2: {  	s6 =	rddreg [dreg:$0x1]  }
0x3: {  	s13 =	rddreg [dreg:$0x2]  }
0x4: {  	s1 =	rddreg [dreg:$0x3]  }
0x5: {  	s2 =	simm.s32 $0x0;
	s4 =	srdreg.scid;
	s5 =	stileid.u32  }
0x6: {  	s24 =	simm.s32 $0x800;
	s25 =	simm.s32 $0x0;
	s3 =	sadd.s32 $0x2E4800, s0  }
0x7: {  	s10 =	sand.u32 $0x1, s4;
	s4 =	sadd.s32 $0x4DD800, s0;
	s14 =	sadd.s32 $0x2B3800, s0  }
0x8: {  	[smem:$0x7FF] =	sst s2;
	s15 =	sadd.s32 $0x349800, s0;
	s17 =	sadd.s32 $0x7600, s0  }
0x9: {  	s18 =	sadd.s32 $0x69600, s0;
	s8 =	smul.u32 $0x18800, s5;
	s19 =	sadd.s32 $0x251800, s0  }
0xa: {  	s20 =	sadd.s32 $0x38600, s0;
	s21 =	sadd.s32 $0x282800, s0;
	s31 =	sshll.u32 s5, $0x6  }
0xb: {  	s11 =	sadd.s32 $0x60C800, s0;
	_ =	strace $0x8000004D;
	s16 =	sadd.s32 s10, s0  }
0xc: {  	s7 =	ssub.s32 $0x2, s10;
	p0 =	seq.s32 s10, $0x0;
	s10 =	sadd.s32 $0x5A7800, s0  }
0xd: {  	s9 =	sshrl.u32 s7, $0x1;
	s22 =	sshrl.u32 s8, $0x3;
	s23 =	sadd.s32 s8, s1  }
0xe: {  	s8 =	smul.u32 $0xCA, s5;
	s14 =	smov.u32 @p0 s13;
	s17 =	smov.u32 @p0 s15  }
0xf: {  	v0 =	vimm.s32 $0x0;
	s13 =	sadd.s32 $0x999800, s16;
	s16 =	sadd.s32 $0x999803, s16;
	s19 =	smov.u32 @p0 s18  }
0x10: {  	v1 =	vimm.s32 $0x1;
	v2 =	vimm.s32 $0x2;
	v3 =	vimm.s32 $0x3;
	s21 =	smov.u32 @p0 s20;
	s20 =	simm.s32 $0x1;
	s12 =	ssub.s32 s7, s9  }
0x11: {  	v4 =	vimm.s32 $0x4;
	v5 =	vimm.s32 $0x5;
	v6 =	vimm.s32 $0x6;
	s6 =	sadd.s32 s6, s22;
	s7 =	sor.u32 $0x1C01, s31;
	s9 =	sadd.s32 $0x542800, s0  }
0x12: {  	v7 =	vimm.s32 $0x7;
	v8 =	vimm.s32 $0x8;
	v9 =	vimm.s32 $0x9;
	s14 =	sadd.s32 s14, s22;
	s15 =	sadd.s32 s17, s22;
	s17 =	sadd.s32 s19, s22  }
0x13: {  	v10 =	vimm.s32 $0xA;
	v11 =	vimm.s32 $0xB;
	v12 =	vimm.s32 $0xC;
	s18 =	sadd.s32 s21, s22;
	s19 =	sshrl.u32 s23, $0x3;
	s21 =	simm.s32 $0x400  }
0x14: {  	v13 =	vimm.s32 $0xD;
	v14 =	vimm.s32 $0xE;
	v15 =	vimm.s32 $0xF;
	s22 =	simm.s32 $0x10;
	s23 =	simm.s32 $0x30;
	s12 =	smax.u32 s12, $0x1  }
.LBB2_1:
0x15: {  	[spmem:s19], [sflag:s7] =	dma.local [hbm:s6], $0x3100  }
0x16: {  	_ =	swait.ge [sflag:s20], $0x3100  }
0x17: {  	[sflag:s20] =	ssyncset.done $0x0  }
0x18: {  	[sflag:s20] =	ssyncadd.s32 $0xFFFFCF00  }
0x19: {  	s26 =	simm.s32 $0x0;
	[bflag:$0x0] =	sbarrier.arrive $0xFFFF  }
.LBB2_2:
0x1a: {  	s0 =	sadd.s32 s8, s26  }
0x1b: {  	s28 =	sshll.u32 s0, $0x7  }
0x1c: {  	s30 =	simm.s32 $0x0;
	s29 =	sadd.s32 s3, s28  }
0x1d: {  	[tilespmem:s30], [sflag:$0x1] =	stream.linear.gather [hbm4b:s29+s30], $0x400, $0x38;
	[tilespmem:$0x1D000] =	vst v63  }
0x1e: {  	_ =	swait.ge [sflag:s20], $0x400  }
0x1f: {  	[sflag:s20] =	ssyncset.done $0x0  }
0x20: {  	s28 =	sadd.s32 s4, s28;
	[sflag:s20] =	ssyncadd.s32 $0xFFFFFC00  }
0x21: {  	[tilespmem:s21], [sflag:$0x1] =	stream.linear.gather [hbm4b:s28+s30], $0x400, $0x38;
	[tilespmem:$0x1D000] =	vst v63  }
0x22: {  	s0 =	smul.u32 $0x1800, s0;
	_ =	swait.ge [sflag:s20], $0x400  }
0x23: {  	[sflag:s20] =	ssyncset.done $0x0  }
0x24: {  	s0 =	sadd.s32 s0, s13;
	[sflag:s20] =	ssyncadd.s32 $0xFFFFFC00  }
0x25: {  	[tilespmem:s24], [sflag:$0x1] =	stream.strided.gather [hbm4b:s0+s22], $0x4000, s23, s22, $0x38;
	[tilespmem:$0x1D000] =	vst v63  }
0x26: {  	_ =	swait.ge [sflag:s20], $0x4000  }
0x27: {  	[sflag:s20] =	ssyncset.done $0x0  }
0x28: {  	s28 =	simm.s32 $0x880;
	[sflag:s20] =	ssyncadd.s32 $0xFFFFC000  }
0x29: {  	s31 =	simm.s32 $0x0;
	s29 =	simm.s32 $0x880;
	s30 =	simm.s32 $0x40;
	v16 =	vld [tilespmem:s28+$0xFFFFFFB0]  }
.LBB2_3:
0x2a: {  	p0 =	sne.s32 s30, $0xFC0;
	v17 =	vld [tilespmem:s31+$0x400]  }
0x2b: {  	v18 =	vld [tilespmem:s28+$0xFFFFFF90]  }
0x2c: {  	v19 =	vld [tilespmem:s28+$0xFFFFFF80]  }
0x2d: {  	v20 =	vld [tilespmem:s28+$0xFFFFFFA0]  }
0x2e: {  	v21 =	vld [tilespmem:s28+$0xFFFFFFF0]  }
0x2f: {  	v22 =	vperm.xlane v17, v0;
	v23 =	vperm.xlane v17, v1;
	v24 =	vld [tilespmem:s28+$0xFFFFFFD0]  }
0x30: {  	v25 =	vperm.xlane v17, v2;
	v26 =	vperm.xlane v17, v3;
	v27 =	vld [tilespmem:s28+$0xFFFFFFC0]  }
0x31: {  	v19 =	vmul.f32 v22, v19;
	v18 =	vmul.f32 v23, v18;
	v22 =	vld [tilespmem:s28+$0xFFFFFFE0]  }
0x32: {  	v16 =	vmul.f32 v26, v16;
	v20 =	vmul.f32 v25, v20;
	v23 =	vld [tilespmem:s28+$0x30]  }
0x33: {  	v25 =	vperm.xlane v17, v5;
	[tilespmem:s28+$0xFFFFFF80] =	vst v19;
	v19 =	vperm.xlane v17, v4;
	v26 =	vld [tilespmem:s28+$0x10]  }
0x34: {  	v28 =	vperm.xlane v17, v7;
	[tilespmem:s28+$0xFFFFFF90] =	vst v18;
	v18 =	vperm.xlane v17, v6;
	v29 =	vld [tilespmem:s28+$0x0]  }
0x35: {  	[tilespmem:s28+$0xFFFFFFA0] =	vst v20;
	v19 =	vmul.f32 v19, v27;
	v20 =	vmul.f32 v25, v24;
	v24 =	vld [tilespmem:s28+$0x20]  }
0x36: {  	[tilespmem:s28+$0xFFFFFFB0] =	vst v16;
	v16 =	vmul.f32 v18, v22;
	v18 =	vmul.f32 v28, v21;
	v21 =	vld [tilespmem:s28+$0x70]  }
0x37: {  	v22 =	vperm.xlane v17, v9;
	[tilespmem:s28+$0xFFFFFFC0] =	vst v19;
	v19 =	vperm.xlane v17, v8;
	v25 =	vld [tilespmem:s28+$0x50]  }
0x38: {  	v27 =	vperm.xlane v17, v11;
	[tilespmem:s28+$0xFFFFFFD0] =	vst v20;
	v20 =	vperm.xlane v17, v10;
	v28 =	vld [tilespmem:s28+$0x40]  }
0x39: {  	[tilespmem:s28+$0xFFFFFFE0] =	vst v16;
	v16 =	vmul.f32 v19, v29;
	v19 =	vmul.f32 v22, v26;
	v22 =	vld [tilespmem:s28+$0x60]  }
0x3a: {  	[tilespmem:s28+$0xFFFFFFF0] =	vst v18;
	v18 =	vmul.f32 v20, v24;
	v20 =	vmul.f32 v27, v23  }
0x3b: {  	v23 =	vperm.xlane v17, v13;
	[tilespmem:s28+$0x0] =	vst v16;
	v16 =	vperm.xlane v17, v12  }
0x3c: {  	[tilespmem:s28+$0x10] =	vst v19;
	v19 =	vperm.xlane v17, v14;
	v17 =	vperm.xlane v17, v15  }
0x3d: {  	[tilespmem:s28+$0x20] =	vst v18;
	v16 =	vmul.f32 v16, v28;
	v18 =	vmul.f32 v23, v25  }
.Ltmp0:
0x3e: {  	[tilespmem:s28+$0x30] =	vst v20;
	v19 =	vmul.f32 v19, v22;
	v17 =	vmul.f32 v17, v21;
	(pc) =	sbr.rel @p0 .LBB2_3-.Ltmp0, $4  }
0x3f: {  	[tilespmem:s28+$0x40] =	vst v16  }
0x40: {  	[tilespmem:s28+$0x50] =	vst v18  }
0x41: {  	s28 =	sadd.s32 $0x100, s28;
	[tilespmem:s29+$0x60] =	vst v19  }
0x42: {  	s31 =	sshra.s32 s30, $0x2;
	s30 =	sadd.s32 $0x40, s30;
	v16 =	vld [tilespmem:s28+$0xFFFFFFB0];
	[tilespmem:s29+$0x70] =	vst v17;
	s29 =	smov.u32 s28  }
0x43: {  	v17 =	vld [tilespmem:s31+$0x400];
	_ =	sdelay $0x1  }
0x44: {  	v18 =	vld [tilespmem:s28+$0xFFFFFF80]  }
0x45: {  	v19 =	vld [tilespmem:s28+$0xFFFFFF90]  }
0x46: {  	v20 =	vld [tilespmem:s28+$0xFFFFFFA0]  }
0x47: {  	v21 =	vperm.xlane v17, v0  }
0x48: {  	v24 =	vld [tilespmem:s28+$0xFFFFFFD0];
	v22 =	vperm.xlane v17, v1;
	v25 =	vperm.xlane v17, v2  }
0x49: {  	v45 =	vld [tilespmem:s28+$0xFFFFFFE0];
	v44 =	vperm.xlane v17, v3;
	v18 =	vmul.f32 v21, v18  }
0x4a: {  	v49 =	vld [tilespmem:s28+$0x10];
	v46 =	vperm.xlane v17, v4;
	v19 =	vmul.f32 v22, v19  }
0x4b: {  	v23 =	vld [tilespmem:s28+$0xFFFFFFC0];
	v47 =	vperm.xlane v17, v5;
	v20 =	vmul.f32 v25, v20;
	[tilespmem:s28+$0xFFFFFF80] =	vst v18  }
0x4c: {  	v26 =	vld [tilespmem:s28+$0xFFFFFFF0];
	v27 =	vperm.xlane v17, v6;
	v16 =	vmul.f32 v44, v16;
	[tilespmem:s28+$0xFFFFFF90] =	vst v19  }
0x4d: {  	v51 =	vld [tilespmem:s28+$0x20];
	v53 =	vperm.xlane v17, v9;
	v21 =	vmul.f32 v47, v24;
	[tilespmem:s28+$0xFFFFFFA0] =	vst v20  }
0x4e: {  	v48 =	vld [tilespmem:s28+$0x0];
	v50 =	vperm.xlane v17, v7;
	v22 =	vmul.f32 v27, v45;
	[tilespmem:s28+$0xFFFFFFB0] =	vst v16  }
0x4f: {  	v55 =	vld [tilespmem:s28+$0x50];
	v52 =	vperm.xlane v17, v8;
	v58 =	vmul.f32 v53, v49;
	[tilespmem:s28+$0xFFFFFFD0] =	vst v21  }
0x50: {  	v54 =	vld [tilespmem:s28+$0x40];
	v56 =	vperm.xlane v17, v10;
	v18 =	vmul.f32 v46, v23;
	[tilespmem:s28+$0xFFFFFFE0] =	vst v22  }
0x51: {  	v57 =	vperm.xlane v17, v11;
	v16 =	vld [tilespmem:s28+$0x30];
	v20 =	vmul.f32 v50, v26;
	[tilespmem:s28+$0x10] =	vst v58  }
0x52: {  	v60 =	vld [tilespmem:s28+$0x70];
	v62 =	vperm.xlane v17, v13;
	v23 =	vmul.f32 v56, v51;
	[tilespmem:s28+$0xFFFFFFC0] =	vst v18  }
0x53: {  	v59 =	vld [tilespmem:s28+$0x60];
	v61 =	vperm.xlane v17, v12;
	v18 =	vmul.f32 v52, v48;
	[tilespmem:s28+$0xFFFFFFF0] =	vst v20  }
0x54: {  	v63 =	vperm.xlane v17, v14;
	v19 =	vmul.f32 v62, v55;
	[tilespmem:s28+$0x20] =	vst v23  }
0x55: {  	v17 =	vperm.xlane v17, v15;
	[tilespmem:s28+$0x0] =	vst v18;
	v18 =	vmul.f32 v61, v54  }
0x56: {  	[tilespmem:s28+$0x50] =	vst v19;
	v16 =	vmul.f32 v57, v16  }
0x57: {  	v17 =	vmul.f32 v17, v60;
	[tilespmem:s28+$0x40] =	vst v18  }
0x58: {  	s26 =	sadd.s32 $0x1, s26;
	[tilespmem:s28+$0x30] =	vst v16;
	v16 =	vmul.f32 v63, v59  }
0x59: {  	p0 =	sne.s32 s26, $0xCA;
	[tilespmem:s29+$0x70] =	vst v17  }
.Ltmp1:
0x5a: {  	[tilespmem:s29+$0x60] =	vst v16;
	(pc) =	sbr.rel @p0 .LBB2_2-.Ltmp1, $4  }
0x5b: {  	[spmem:s1] =	stream.indirect.scatter.add.f32 [tilespmem:s24], [sflag:$0x1], $0x10, s2, s21, $0xb8;
	[tilespmem:$0x1D000] =	vst v63  }
0x5c: {  	_ =	swait.ge [sflag:s20], $0x4000  }
0x5d: {  	[sflag:s20] =	ssyncset.done $0x0  }
0x5e: {  	[sflag:s20] =	ssyncadd.s32 $0xFFFFC000  }
0x5f: {  	[bflag:$0x0] =	sbarrier.arrive $0xFFFF  }
0x60: {  	[hbm:s14], [sflag:s7] =	dma.local [spmem:s19], $0x3100  }
0x61: {  	_ =	swait.ge [sflag:s20], $0x3100  }
0x62: {  	[sflag:s20] =	ssyncset.done $0x0  }
0x63: {  	[sflag:s20] =	ssyncadd.s32 $0xFFFFCF00  }
0x64: {  	[spmem:s19], [sflag:s7] =	dma.local [hbm:s6], $0x3100  }
0x65: {  	_ =	swait.ge [sflag:s20], $0x3100  }
0x66: {  	[sflag:s20] =	ssyncset.done $0x0  }
0x67: {  	[sflag:s20] =	ssyncadd.s32 $0xFFFFCF00  }
0x68: {  	s26 =	simm.s32 $0x0;
	s28 =	simm.s32 $0x0;
	[bflag:$0x0] =	sbarrier.arrive $0xFFFF  }
.LBB2_6:
0x69: {  	s0 =	sadd.s32 s8, s28  }
0x6a: {  	s29 =	sshll.u32 s0, $0x7  }
0x6b: {  	s30 =	sadd.s32 s3, s29  }
0x6c: {  	[tilespmem:s26], [sflag:$0x1] =	stream.linear.gather [hbm4b:s30+s26], $0x400, $0x38;
	[tilespmem:$0x1D000] =	vst v63  }
0x6d: {  	_ =	swait.ge [sflag:s20], $0x400  }
0x6e: {  	[sflag:s20] =	ssyncset.done $0x0  }
0x6f: {  	s29 =	sadd.s32 s29, s9;
	[sflag:s20] =	ssyncadd.s32 $0xFFFFFC00  }
0x70: {  	[tilespmem:s21], [sflag:$0x1] =	stream.linear.gather [hbm4b:s29+s26], $0x400, $0x38;
	[tilespmem:$0x1D000] =	vst v63  }
0x71: {  	s0 =	smul.u32 $0x1800, s0;
	_ =	swait.ge [sflag:s20], $0x400  }
0x72: {  	[sflag:s20] =	ssyncset.done $0x0  }
0x73: {  	s0 =	sadd.s32 s13, s0;
	[sflag:s20] =	ssyncadd.s32 $0xFFFFFC00  }
0x74: {  	[tilespmem:s24], [sflag:$0x1] =	stream.strided.gather [hbm4b:s0+s22], $0x4000, s23, s22, $0x38;
	[tilespmem:$0x1D000] =	vst v63  }
0x75: {  	_ =	swait.ge [sflag:s20], $0x4000  }
0x76: {  	[sflag:s20] =	ssyncset.done $0x0  }
0x77: {  	s29 =	simm.s32 $0x880;
	[sflag:s20] =	ssyncadd.s32 $0xFFFFC000  }
0x78: {  	s31 =	simm.s32 $0x40;
	s30 =	simm.s32 $0x880;
	s0 =	simm.s32 $0x0;
	v16 =	vld [tilespmem:s29+$0xFFFFFFB0]  }
.LBB2_7:
0x79: {  	p0 =	sne.s32 s31, $0xFC0;
	v17 =	vld [tilespmem:s0+$0x400]  }
0x7a: {  	v18 =	vld [tilespmem:s29+$0xFFFFFF90]  }
0x7b: {  	v19 =	vld [tilespmem:s29+$0xFFFFFF80]  }
0x7c: {  	v20 =	vld [tilespmem:s29+$0xFFFFFFA0]  }
0x7d: {  	v21 =	vld [tilespmem:s29+$0xFFFFFFF0]  }
0x7e: {  	v22 =	vperm.xlane v17, v0;
	v23 =	vperm.xlane v17, v1;
	v24 =	vld [tilespmem:s29+$0xFFFFFFD0]  }
0x7f: {  	v25 =	vperm.xlane v17, v2;
	v26 =	vperm.xlane v17, v3;
	v27 =	vld [tilespmem:s29+$0xFFFFFFC0]  }
0x80: {  	v19 =	vmul.f32 v22, v19;
	v18 =	vmul.f32 v23, v18;
	v22 =	vld [tilespmem:s29+$0xFFFFFFE0]  }
0x81: {  	v16 =	vmul.f32 v26, v16;
	v20 =	vmul.f32 v25, v20;
	v23 =	vld [tilespmem:s29+$0x30]  }
0x82: {  	v25 =	vperm.xlane v17, v5;
	[tilespmem:s29+$0xFFFFFF80] =	vst v19;
	v19 =	vperm.xlane v17, v4;
	v26 =	vld [tilespmem:s29+$0x10]  }
0x83: {  	v28 =	vperm.xlane v17, v7;
	[tilespmem:s29+$0xFFFFFF90] =	vst v18;
	v18 =	vperm.xlane v17, v6;
	v29 =	vld [tilespmem:s29+$0x0]  }
0x84: {  	[tilespmem:s29+$0xFFFFFFA0] =	vst v20;
	v19 =	vmul.f32 v19, v27;
	v20 =	vmul.f32 v25, v24;
	v24 =	vld [tilespmem:s29+$0x20]  }
0x85: {  	[tilespmem:s29+$0xFFFFFFB0] =	vst v16;
	v16 =	vmul.f32 v18, v22;
	v18 =	vmul.f32 v28, v21;
	v21 =	vld [tilespmem:s29+$0x70]  }
0x86: {  	v22 =	vperm.xlane v17, v9;
	[tilespmem:s29+$0xFFFFFFC0] =	vst v19;
	v19 =	vperm.xlane v17, v8;
	v25 =	vld [tilespmem:s29+$0x50]  }
0x87: {  	v27 =	vperm.xlane v17, v11;
	[tilespmem:s29+$0xFFFFFFD0] =	vst v20;
	v20 =	vperm.xlane v17, v10;
	v28 =	vld [tilespmem:s29+$0x40]  }
0x88: {  	[tilespmem:s29+$0xFFFFFFE0] =	vst v16;
	v16 =	vmul.f32 v19, v29;
	v19 =	vmul.f32 v22, v26;
	v22 =	vld [tilespmem:s29+$0x60]  }
0x89: {  	[tilespmem:s29+$0xFFFFFFF0] =	vst v18;
	v18 =	vmul.f32 v20, v24;
	v20 =	vmul.f32 v27, v23  }
0x8a: {  	v23 =	vperm.xlane v17, v13;
	[tilespmem:s29+$0x0] =	vst v16;
	v16 =	vperm.xlane v17, v12  }
0x8b: {  	[tilespmem:s29+$0x10] =	vst v19;
	v19 =	vperm.xlane v17, v14;
	v17 =	vperm.xlane v17, v15  }
0x8c: {  	[tilespmem:s29+$0x20] =	vst v18;
	v16 =	vmul.f32 v16, v28;
	v18 =	vmul.f32 v23, v25  }
.Ltmp2:
0x8d: {  	[tilespmem:s29+$0x30] =	vst v20;
	v19 =	vmul.f32 v19, v22;
	v17 =	vmul.f32 v17, v21;
	(pc) =	sbr.rel @p0 .LBB2_7-.Ltmp2, $4  }
0x8e: {  	[tilespmem:s29+$0x40] =	vst v16  }
0x8f: {  	[tilespmem:s29+$0x50] =	vst v18  }
0x90: {  	s29 =	sadd.s32 $0x100, s29;
	[tilespmem:s30+$0x60] =	vst v19  }
0x91: {  	s0 =	sshra.s32 s31, $0x2;
	s31 =	sadd.s32 $0x40, s31;
	v16 =	vld [tilespmem:s29+$0xFFFFFFB0];
	[tilespmem:s30+$0x70] =	vst v17;
	s30 =	smov.u32 s29  }
0x92: {  	v17 =	vld [tilespmem:s0+$0x400];
	_ =	sdelay $0x1  }
0x93: {  	v18 =	vld [tilespmem:s29+$0xFFFFFF80]  }
0x94: {  	v19 =	vld [tilespmem:s29+$0xFFFFFF90]  }
0x95: {  	v20 =	vld [tilespmem:s29+$0xFFFFFFA0]  }
0x96: {  	v21 =	vperm.xlane v17, v0  }
0x97: {  	v24 =	vld [tilespmem:s29+$0xFFFFFFD0];
	v22 =	vperm.xlane v17, v1;
	v25 =	vperm.xlane v17, v2  }
0x98: {  	v45 =	vld [tilespmem:s29+$0xFFFFFFE0];
	v44 =	vperm.xlane v17, v3;
	v18 =	vmul.f32 v21, v18  }
0x99: {  	v49 =	vld [tilespmem:s29+$0x10];
	v46 =	vperm.xlane v17, v4;
	v19 =	vmul.f32 v22, v19  }
0x9a: {  	v23 =	vld [tilespmem:s29+$0xFFFFFFC0];
	v47 =	vperm.xlane v17, v5;
	v20 =	vmul.f32 v25, v20;
	[tilespmem:s29+$0xFFFFFF80] =	vst v18  }
0x9b: {  	v26 =	vld [tilespmem:s29+$0xFFFFFFF0];
	v27 =	vperm.xlane v17, v6;
	v16 =	vmul.f32 v44, v16;
	[tilespmem:s29+$0xFFFFFF90] =	vst v19  }
0x9c: {  	v51 =	vld [tilespmem:s29+$0x20];
	v53 =	vperm.xlane v17, v9;
	v21 =	vmul.f32 v47, v24;
	[tilespmem:s29+$0xFFFFFFA0] =	vst v20  }
0x9d: {  	v48 =	vld [tilespmem:s29+$0x0];
	v50 =	vperm.xlane v17, v7;
	v22 =	vmul.f32 v27, v45;
	[tilespmem:s29+$0xFFFFFFB0] =	vst v16  }
0x9e: {  	v55 =	vld [tilespmem:s29+$0x50];
	v52 =	vperm.xlane v17, v8;
	v58 =	vmul.f32 v53, v49;
	[tilespmem:s29+$0xFFFFFFD0] =	vst v21  }
0x9f: {  	v54 =	vld [tilespmem:s29+$0x40];
	v56 =	vperm.xlane v17, v10;
	v18 =	vmul.f32 v46, v23;
	[tilespmem:s29+$0xFFFFFFE0] =	vst v22  }
0xa0: {  	v57 =	vperm.xlane v17, v11;
	v16 =	vld [tilespmem:s29+$0x30];
	v20 =	vmul.f32 v50, v26;
	[tilespmem:s29+$0x10] =	vst v58  }
0xa1: {  	v60 =	vld [tilespmem:s29+$0x70];
	v62 =	vperm.xlane v17, v13;
	v23 =	vmul.f32 v56, v51;
	[tilespmem:s29+$0xFFFFFFC0] =	vst v18  }
0xa2: {  	v59 =	vld [tilespmem:s29+$0x60];
	v61 =	vperm.xlane v17, v12;
	v18 =	vmul.f32 v52, v48;
	[tilespmem:s29+$0xFFFFFFF0] =	vst v20  }
0xa3: {  	v63 =	vperm.xlane v17, v14;
	v19 =	vmul.f32 v62, v55;
	[tilespmem:s29+$0x20] =	vst v23  }
0xa4: {  	v17 =	vperm.xlane v17, v15;
	[tilespmem:s29+$0x0] =	vst v18;
	v18 =	vmul.f32 v61, v54  }
0xa5: {  	[tilespmem:s29+$0x50] =	vst v19;
	v16 =	vmul.f32 v57, v16  }
0xa6: {  	v17 =	vmul.f32 v17, v60;
	[tilespmem:s29+$0x40] =	vst v18  }
0xa7: {  	s28 =	sadd.s32 $0x1, s28;
	[tilespmem:s29+$0x30] =	vst v16;
	v16 =	vmul.f32 v63, v59  }
0xa8: {  	p0 =	sne.s32 s28, $0xCA;
	[tilespmem:s30+$0x70] =	vst v17  }
.Ltmp3:
0xa9: {  	[tilespmem:s30+$0x60] =	vst v16;
	(pc) =	sbr.rel @p0 .LBB2_6-.Ltmp3, $4  }
0xaa: {  	[spmem:s1] =	stream.indirect.scatter.add.f32 [tilespmem:s24], [sflag:$0x1], $0x10, s2, s21, $0xb8;
	[tilespmem:$0x1D000] =	vst v63  }
0xab: {  	_ =	swait.ge [sflag:s20], $0x4000  }
0xac: {  	[sflag:s20] =	ssyncset.done $0x0  }
0xad: {  	[sflag:s20] =	ssyncadd.s32 $0xFFFFC000  }
0xae: {  	[bflag:$0x0] =	sbarrier.arrive $0xFFFF  }
0xaf: {  	[hbm:s15], [sflag:s7] =	dma.local [spmem:s19], $0x3100  }
0xb0: {  	_ =	swait.ge [sflag:s20], $0x3100  }
0xb1: {  	[sflag:s20] =	ssyncset.done $0x0  }
0xb2: {  	[sflag:s20] =	ssyncadd.s32 $0xFFFFCF00  }
0xb3: {  	[spmem:s19], [sflag:s7] =	dma.local [hbm:s6], $0x3100  }
0xb4: {  	_ =	swait.ge [sflag:s20], $0x3100  }
0xb5: {  	[sflag:s20] =	ssyncset.done $0x0  }
0xb6: {  	[sflag:s20] =	ssyncadd.s32 $0xFFFFCF00  }
0xb7: {  	s26 =	simm.s32 $0x0;
	s28 =	simm.s32 $0x0;
	[bflag:$0x0] =	sbarrier.arrive $0xFFFF  }
.LBB2_10:
0xb8: {  	s0 =	sadd.s32 s8, s28  }
0xb9: {  	s29 =	sshll.u32 s0, $0x7  }
0xba: {  	s30 =	sadd.s32 s3, s29  }
0xbb: {  	[tilespmem:s26], [sflag:$0x1] =	stream.linear.gather [hbm4b:s30+s26], $0x400, $0x38;
	[tilespmem:$0x1D000] =	vst v63  }
0xbc: {  	_ =	swait.ge [sflag:s20], $0x400  }
0xbd: {  	[sflag:s20] =	ssyncset.done $0x0  }
0xbe: {  	s29 =	sadd.s32 s29, s10;
	[sflag:s20] =	ssyncadd.s32 $0xFFFFFC00  }
0xbf: {  	[tilespmem:s21], [sflag:$0x1] =	stream.linear.gather [hbm4b:s29+s26], $0x400, $0x38;
	[tilespmem:$0x1D000] =	vst v63  }
0xc0: {  	s0 =	smul.u32 $0x1800, s0;
	_ =	swait.ge [sflag:s20], $0x400  }
0xc1: {  	[sflag:s20] =	ssyncset.done $0x0  }
0xc2: {  	s0 =	sadd.s32 s0, s16;
	[sflag:s20] =	ssyncadd.s32 $0xFFFFFC00  }
0xc3: {  	[tilespmem:s24], [sflag:$0x1] =	stream.strided.gather [hbm4b:s0+s22], $0x4000, s23, s22, $0x38;
	[tilespmem:$0x1D000] =	vst v63  }
0xc4: {  	_ =	swait.ge [sflag:s20], $0x4000  }
0xc5: {  	[sflag:s20] =	ssyncset.done $0x0  }
0xc6: {  	s29 =	simm.s32 $0x880;
	[sflag:s20] =	ssyncadd.s32 $0xFFFFC000  }
0xc7: {  	s31 =	simm.s32 $0x40;
	s30 =	simm.s32 $0x880;
	s0 =	simm.s32 $0x0;
	v16 =	vld [tilespmem:s29+$0xFFFFFFB0]  }
.LBB2_11:
0xc8: {  	p0 =	sne.s32 s31, $0xFC0;
	v17 =	vld [tilespmem:s0+$0x400]  }
0xc9: {  	v18 =	vld [tilespmem:s29+$0xFFFFFF90]  }
0xca: {  	v19 =	vld [tilespmem:s29+$0xFFFFFF80]  }
0xcb: {  	v20 =	vld [tilespmem:s29+$0xFFFFFFA0]  }
0xcc: {  	v21 =	vld [tilespmem:s29+$0xFFFFFFF0]  }
0xcd: {  	v22 =	vperm.xlane v17, v0;
	v23 =	vperm.xlane v17, v1;
	v24 =	vld [tilespmem:s29+$0xFFFFFFD0]  }
0xce: {  	v25 =	vperm.xlane v17, v2;
	v26 =	vperm.xlane v17, v3;
	v27 =	vld [tilespmem:s29+$0xFFFFFFC0]  }
0xcf: {  	v19 =	vmul.f32 v22, v19;
	v18 =	vmul.f32 v23, v18;
	v22 =	vld [tilespmem:s29+$0xFFFFFFE0]  }
0xd0: {  	v16 =	vmul.f32 v26, v16;
	v20 =	vmul.f32 v25, v20;
	v23 =	vld [tilespmem:s29+$0x30]  }
0xd1: {  	v25 =	vperm.xlane v17, v5;
	[tilespmem:s29+$0xFFFFFF80] =	vst v19;
	v19 =	vperm.xlane v17, v4;
	v26 =	vld [tilespmem:s29+$0x10]  }
0xd2: {  	v28 =	vperm.xlane v17, v7;
	[tilespmem:s29+$0xFFFFFF90] =	vst v18;
	v18 =	vperm.xlane v17, v6;
	v29 =	vld [tilespmem:s29+$0x0]  }
0xd3: {  	[tilespmem:s29+$0xFFFFFFA0] =	vst v20;
	v19 =	vmul.f32 v19, v27;
	v20 =	vmul.f32 v25, v24;
	v24 =	vld [tilespmem:s29+$0x20]  }
0xd4: {  	[tilespmem:s29+$0xFFFFFFB0] =	vst v16;
	v16 =	vmul.f32 v18, v22;
	v18 =	vmul.f32 v28, v21;
	v21 =	vld [tilespmem:s29+$0x70]  }
0xd5: {  	v22 =	vperm.xlane v17, v9;
	[tilespmem:s29+$0xFFFFFFC0] =	vst v19;
	v19 =	vperm.xlane v17, v8;
	v25 =	vld [tilespmem:s29+$0x50]  }
0xd6: {  	v27 =	vperm.xlane v17, v11;
	[tilespmem:s29+$0xFFFFFFD0] =	vst v20;
	v20 =	vperm.xlane v17, v10;
	v28 =	vld [tilespmem:s29+$0x40]  }
0xd7: {  	[tilespmem:s29+$0xFFFFFFE0] =	vst v16;
	v16 =	vmul.f32 v19, v29;
	v19 =	vmul.f32 v22, v26;
	v22 =	vld [tilespmem:s29+$0x60]  }
0xd8: {  	[tilespmem:s29+$0xFFFFFFF0] =	vst v18;
	v18 =	vmul.f32 v20, v24;
	v20 =	vmul.f32 v27, v23  }
0xd9: {  	v23 =	vperm.xlane v17, v13;
	[tilespmem:s29+$0x0] =	vst v16;
	v16 =	vperm.xlane v17, v12  }
0xda: {  	[tilespmem:s29+$0x10] =	vst v19;
	v19 =	vperm.xlane v17, v14;
	v17 =	vperm.xlane v17, v15  }
0xdb: {  	[tilespmem:s29+$0x20] =	vst v18;
	v16 =	vmul.f32 v16, v28;
	v18 =	vmul.f32 v23, v25  }
.Ltmp4:
0xdc: {  	[tilespmem:s29+$0x30] =	vst v20;
	v19 =	vmul.f32 v19, v22;
	v17 =	vmul.f32 v17, v21;
	(pc) =	sbr.rel @p0 .LBB2_11-.Ltmp4, $4  }
0xdd: {  	[tilespmem:s29+$0x40] =	vst v16  }
0xde: {  	[tilespmem:s29+$0x50] =	vst v18  }
0xdf: {  	s29 =	sadd.s32 $0x100, s29;
	[tilespmem:s30+$0x60] =	vst v19  }
0xe0: {  	s0 =	sshra.s32 s31, $0x2;
	s31 =	sadd.s32 $0x40, s31;
	v16 =	vld [tilespmem:s29+$0xFFFFFFB0];
	[tilespmem:s30+$0x70] =	vst v17;
	s30 =	smov.u32 s29  }
0xe1: {  	v17 =	vld [tilespmem:s0+$0x400];
	_ =	sdelay $0x1  }
0xe2: {  	v18 =	vld [tilespmem:s29+$0xFFFFFF80]  }
0xe3: {  	v19 =	vld [tilespmem:s29+$0xFFFFFF90]  }
0xe4: {  	v20 =	vld [tilespmem:s29+$0xFFFFFFA0]  }
0xe5: {  	v21 =	vperm.xlane v17, v0  }
0xe6: {  	v24 =	vld [tilespmem:s29+$0xFFFFFFD0];
	v22 =	vperm.xlane v17, v1;
	v25 =	vperm.xlane v17, v2  }
0xe7: {  	v45 =	vld [tilespmem:s29+$0xFFFFFFE0];
	v44 =	vperm.xlane v17, v3;
	v18 =	vmul.f32 v21, v18  }
0xe8: {  	v49 =	vld [tilespmem:s29+$0x10];
	v46 =	vperm.xlane v17, v4;
	v19 =	vmul.f32 v22, v19  }
0xe9: {  	v23 =	vld [tilespmem:s29+$0xFFFFFFC0];
	v47 =	vperm.xlane v17, v5;
	v20 =	vmul.f32 v25, v20;
	[tilespmem:s29+$0xFFFFFF80] =	vst v18  }
0xea: {  	v26 =	vld [tilespmem:s29+$0xFFFFFFF0];
	v27 =	vperm.xlane v17, v6;
	v16 =	vmul.f32 v44, v16;
	[tilespmem:s29+$0xFFFFFF90] =	vst v19  }
0xeb: {  	v51 =	vld [tilespmem:s29+$0x20];
	v53 =	vperm.xlane v17, v9;
	v21 =	vmul.f32 v47, v24;
	[tilespmem:s29+$0xFFFFFFA0] =	vst v20  }
0xec: {  	v48 =	vld [tilespmem:s29+$0x0];
	v50 =	vperm.xlane v17, v7;
	v22 =	vmul.f32 v27, v45;
	[tilespmem:s29+$0xFFFFFFB0] =	vst v16  }
0xed: {  	v55 =	vld [tilespmem:s29+$0x50];
	v52 =	vperm.xlane v17, v8;
	v58 =	vmul.f32 v53, v49;
	[tilespmem:s29+$0xFFFFFFD0] =	vst v21  }
0xee: {  	v54 =	vld [tilespmem:s29+$0x40];
	v56 =	vperm.xlane v17, v10;
	v18 =	vmul.f32 v46, v23;
	[tilespmem:s29+$0xFFFFFFE0] =	vst v22  }
0xef: {  	v57 =	vperm.xlane v17, v11;
	v16 =	vld [tilespmem:s29+$0x30];
	v20 =	vmul.f32 v50, v26;
	[tilespmem:s29+$0x10] =	vst v58  }
0xf0: {  	v60 =	vld [tilespmem:s29+$0x70];
	v62 =	vperm.xlane v17, v13;
	v23 =	vmul.f32 v56, v51;
	[tilespmem:s29+$0xFFFFFFC0] =	vst v18  }
0xf1: {  	v59 =	vld [tilespmem:s29+$0x60];
	v61 =	vperm.xlane v17, v12;
	v18 =	vmul.f32 v52, v48;
	[tilespmem:s29+$0xFFFFFFF0] =	vst v20  }
0xf2: {  	v63 =	vperm.xlane v17, v14;
	v19 =	vmul.f32 v62, v55;
	[tilespmem:s29+$0x20] =	vst v23  }
0xf3: {  	v17 =	vperm.xlane v17, v15;
	[tilespmem:s29+$0x0] =	vst v18;
	v18 =	vmul.f32 v61, v54  }
0xf4: {  	[tilespmem:s29+$0x50] =	vst v19;
	v16 =	vmul.f32 v57, v16  }
0xf5: {  	v17 =	vmul.f32 v17, v60;
	[tilespmem:s29+$0x40] =	vst v18  }
0xf6: {  	s28 =	sadd.s32 $0x1, s28;
	[tilespmem:s29+$0x30] =	vst v16;
	v16 =	vmul.f32 v63, v59  }
0xf7: {  	p0 =	sne.s32 s28, $0xCA;
	[tilespmem:s30+$0x70] =	vst v17  }
.Ltmp5:
0xf8: {  	[tilespmem:s30+$0x60] =	vst v16;
	(pc) =	sbr.rel @p0 .LBB2_10-.Ltmp5, $4  }
0xf9: {  	[spmem:s1] =	stream.indirect.scatter.add.f32 [tilespmem:s24], [sflag:$0x1], $0x10, s2, s21, $0xb8;
	[tilespmem:$0x1D000] =	vst v63  }
0xfa: {  	_ =	swait.ge [sflag:s20], $0x4000  }
0xfb: {  	[sflag:s20] =	ssyncset.done $0x0  }
0xfc: {  	[sflag:s20] =	ssyncadd.s32 $0xFFFFC000  }
0xfd: {  	[bflag:$0x0] =	sbarrier.arrive $0xFFFF  }
0xfe: {  	[hbm:s17], [sflag:s7] =	dma.local [spmem:s19], $0x3100  }
0xff: {  	_ =	swait.ge [sflag:s20], $0x3100  }
0x100: {  	[sflag:s20] =	ssyncset.done $0x0  }
0x101: {  	[sflag:s20] =	ssyncadd.s32 $0xFFFFCF00  }
0x102: {  	[spmem:s19], [sflag:s7] =	dma.local [hbm:s6], $0x3100  }
0x103: {  	_ =	swait.ge [sflag:s20], $0x3100  }
0x104: {  	[sflag:s20] =	ssyncset.done $0x0  }
0x105: {  	[sflag:s20] =	ssyncadd.s32 $0xFFFFCF00  }
0x106: {  	s26 =	simm.s32 $0x0;
	s28 =	simm.s32 $0x0;
	[bflag:$0x0] =	sbarrier.arrive $0xFFFF  }
.LBB2_14:
0x107: {  	s0 =	sadd.s32 s8, s28  }
0x108: {  	s29 =	sshll.u32 s0, $0x7  }
0x109: {  	s30 =	sadd.s32 s3, s29  }
0x10a: {  	[tilespmem:s26], [sflag:$0x1] =	stream.linear.gather [hbm4b:s30+s26], $0x400, $0x38;
	[tilespmem:$0x1D000] =	vst v63  }
0x10b: {  	_ =	swait.ge [sflag:s20], $0x400  }
0x10c: {  	[sflag:s20] =	ssyncset.done $0x0  }
0x10d: {  	s29 =	sadd.s32 s29, s11;
	[sflag:s20] =	ssyncadd.s32 $0xFFFFFC00  }
0x10e: {  	[tilespmem:s21], [sflag:$0x1] =	stream.linear.gather [hbm4b:s29+s26], $0x400, $0x38;
	[tilespmem:$0x1D000] =	vst v63  }
0x10f: {  	s0 =	smul.u32 $0x1800, s0;
	_ =	swait.ge [sflag:s20], $0x400  }
0x110: {  	[sflag:s20] =	ssyncset.done $0x0  }
0x111: {  	s0 =	sadd.s32 s0, s16;
	[sflag:s20] =	ssyncadd.s32 $0xFFFFFC00  }
0x112: {  	[tilespmem:s24], [sflag:$0x1] =	stream.strided.gather [hbm4b:s0+s22], $0x4000, s23, s22, $0x38;
	[tilespmem:$0x1D000] =	vst v63  }
0x113: {  	_ =	swait.ge [sflag:s20], $0x4000  }
0x114: {  	[sflag:s20] =	ssyncset.done $0x0  }
0x115: {  	s29 =	simm.s32 $0x880;
	[sflag:s20] =	ssyncadd.s32 $0xFFFFC000  }
0x116: {  	s31 =	simm.s32 $0x40;
	s30 =	simm.s32 $0x880;
	s0 =	simm.s32 $0x0;
	v16 =	vld [tilespmem:s29+$0xFFFFFFB0]  }
.LBB2_15:
0x117: {  	p0 =	sne.s32 s31, $0xFC0;
	v17 =	vld [tilespmem:s0+$0x400]  }
0x118: {  	v18 =	vld [tilespmem:s29+$0xFFFFFF90]  }
0x119: {  	v19 =	vld [tilespmem:s29+$0xFFFFFF80]  }
0x11a: {  	v20 =	vld [tilespmem:s29+$0xFFFFFFA0]  }
0x11b: {  	v21 =	vld [tilespmem:s29+$0xFFFFFFF0]  }
0x11c: {  	v22 =	vperm.xlane v17, v0;
	v23 =	vperm.xlane v17, v1;
	v24 =	vld [tilespmem:s29+$0xFFFFFFD0]  }
0x11d: {  	v25 =	vperm.xlane v17, v2;
	v26 =	vperm.xlane v17, v3;
	v27 =	vld [tilespmem:s29+$0xFFFFFFC0]  }
0x11e: {  	v19 =	vmul.f32 v22, v19;
	v18 =	vmul.f32 v23, v18;
	v22 =	vld [tilespmem:s29+$0xFFFFFFE0]  }
0x11f: {  	v16 =	vmul.f32 v26, v16;
	v20 =	vmul.f32 v25, v20;
	v23 =	vld [tilespmem:s29+$0x30]  }
0x120: {  	v25 =	vperm.xlane v17, v5;
	[tilespmem:s29+$0xFFFFFF80] =	vst v19;
	v19 =	vperm.xlane v17, v4;
	v26 =	vld [tilespmem:s29+$0x10]  }
0x121: {  	v28 =	vperm.xlane v17, v7;
	[tilespmem:s29+$0xFFFFFF90] =	vst v18;
	v18 =	vperm.xlane v17, v6;
	v29 =	vld [tilespmem:s29+$0x0]  }
0x122: {  	[tilespmem:s29+$0xFFFFFFA0] =	vst v20;
	v19 =	vmul.f32 v19, v27;
	v20 =	vmul.f32 v25, v24;
	v24 =	vld [tilespmem:s29+$0x20]  }
0x123: {  	[tilespmem:s29+$0xFFFFFFB0] =	vst v16;
	v16 =	vmul.f32 v18, v22;
	v18 =	vmul.f32 v28, v21;
	v21 =	vld [tilespmem:s29+$0x70]  }
0x124: {  	v22 =	vperm.xlane v17, v9;
	[tilespmem:s29+$0xFFFFFFC0] =	vst v19;
	v19 =	vperm.xlane v17, v8;
	v25 =	vld [tilespmem:s29+$0x50]  }
0x125: {  	v27 =	vperm.xlane v17, v11;
	[tilespmem:s29+$0xFFFFFFD0] =	vst v20;
	v20 =	vperm.xlane v17, v10;
	v28 =	vld [tilespmem:s29+$0x40]  }
0x126: {  	[tilespmem:s29+$0xFFFFFFE0] =	vst v16;
	v16 =	vmul.f32 v19, v29;
	v19 =	vmul.f32 v22, v26;
	v22 =	vld [tilespmem:s29+$0x60]  }
0x127: {  	[tilespmem:s29+$0xFFFFFFF0] =	vst v18;
	v18 =	vmul.f32 v20, v24;
	v20 =	vmul.f32 v27, v23  }
0x128: {  	v23 =	vperm.xlane v17, v13;
	[tilespmem:s29+$0x0] =	vst v16;
	v16 =	vperm.xlane v17, v12  }
0x129: {  	[tilespmem:s29+$0x10] =	vst v19;
	v19 =	vperm.xlane v17, v14;
	v17 =	vperm.xlane v17, v15  }
0x12a: {  	[tilespmem:s29+$0x20] =	vst v18;
	v16 =	vmul.f32 v16, v28;
	v18 =	vmul.f32 v23, v25  }
.Ltmp6:
0x12b: {  	[tilespmem:s29+$0x30] =	vst v20;
	v19 =	vmul.f32 v19, v22;
	v17 =	vmul.f32 v17, v21;
	(pc) =	sbr.rel @p0 .LBB2_15-.Ltmp6, $4  }
0x12c: {  	[tilespmem:s29+$0x40] =	vst v16  }
0x12d: {  	[tilespmem:s29+$0x50] =	vst v18  }
0x12e: {  	s29 =	sadd.s32 $0x100, s29;
	[tilespmem:s30+$0x60] =	vst v19  }
0x12f: {  	s0 =	sshra.s32 s31, $0x2;
	s31 =	sadd.s32 $0x40, s31;
	v16 =	vld [tilespmem:s29+$0xFFFFFFB0];
	[tilespmem:s30+$0x70] =	vst v17;
	s30 =	smov.u32 s29  }
0x130: {  	v17 =	vld [tilespmem:s0+$0x400];
	_ =	sdelay $0x1  }
0x131: {  	v18 =	vld [tilespmem:s29+$0xFFFFFF80]  }
0x132: {  	v19 =	vld [tilespmem:s29+$0xFFFFFF90]  }
0x133: {  	v20 =	vld [tilespmem:s29+$0xFFFFFFA0]  }
0x134: {  	v21 =	vperm.xlane v17, v0  }
0x135: {  	v24 =	vld [tilespmem:s29+$0xFFFFFFD0];
	v22 =	vperm.xlane v17, v1;
	v25 =	vperm.xlane v17, v2  }
0x136: {  	v45 =	vld [tilespmem:s29+$0xFFFFFFE0];
	v44 =	vperm.xlane v17, v3;
	v18 =	vmul.f32 v21, v18  }
0x137: {  	v49 =	vld [tilespmem:s29+$0x10];
	v46 =	vperm.xlane v17, v4;
	v19 =	vmul.f32 v22, v19  }
0x138: {  	v23 =	vld [tilespmem:s29+$0xFFFFFFC0];
	v47 =	vperm.xlane v17, v5;
	v20 =	vmul.f32 v25, v20;
	[tilespmem:s29+$0xFFFFFF80] =	vst v18  }
0x139: {  	v26 =	vld [tilespmem:s29+$0xFFFFFFF0];
	v27 =	vperm.xlane v17, v6;
	v16 =	vmul.f32 v44, v16;
	[tilespmem:s29+$0xFFFFFF90] =	vst v19  }
0x13a: {  	v51 =	vld [tilespmem:s29+$0x20];
	v53 =	vperm.xlane v17, v9;
	v21 =	vmul.f32 v47, v24;
	[tilespmem:s29+$0xFFFFFFA0] =	vst v20  }
0x13b: {  	v48 =	vld [tilespmem:s29+$0x0];
	v50 =	vperm.xlane v17, v7;
	v22 =	vmul.f32 v27, v45;
	[tilespmem:s29+$0xFFFFFFB0] =	vst v16  }
0x13c: {  	v55 =	vld [tilespmem:s29+$0x50];
	v52 =	vperm.xlane v17, v8;
	v58 =	vmul.f32 v53, v49;
	[tilespmem:s29+$0xFFFFFFD0] =	vst v21  }
0x13d: {  	v54 =	vld [tilespmem:s29+$0x40];
	v56 =	vperm.xlane v17, v10;
	v18 =	vmul.f32 v46, v23;
	[tilespmem:s29+$0xFFFFFFE0] =	vst v22  }
0x13e: {  	v57 =	vperm.xlane v17, v11;
	v16 =	vld [tilespmem:s29+$0x30];
	v20 =	vmul.f32 v50, v26;
	[tilespmem:s29+$0x10] =	vst v58  }
0x13f: {  	v60 =	vld [tilespmem:s29+$0x70];
	v62 =	vperm.xlane v17, v13;
	v23 =	vmul.f32 v56, v51;
	[tilespmem:s29+$0xFFFFFFC0] =	vst v18  }
0x140: {  	v59 =	vld [tilespmem:s29+$0x60];
	v61 =	vperm.xlane v17, v12;
	v18 =	vmul.f32 v52, v48;
	[tilespmem:s29+$0xFFFFFFF0] =	vst v20  }
0x141: {  	v63 =	vperm.xlane v17, v14;
	v19 =	vmul.f32 v62, v55;
	[tilespmem:s29+$0x20] =	vst v23  }
0x142: {  	v17 =	vperm.xlane v17, v15;
	[tilespmem:s29+$0x0] =	vst v18;
	v18 =	vmul.f32 v61, v54  }
0x143: {  	[tilespmem:s29+$0x50] =	vst v19;
	v16 =	vmul.f32 v57, v16  }
0x144: {  	v17 =	vmul.f32 v17, v60;
	[tilespmem:s29+$0x40] =	vst v18  }
0x145: {  	s28 =	sadd.s32 $0x1, s28;
	[tilespmem:s29+$0x30] =	vst v16;
	v16 =	vmul.f32 v63, v59  }
0x146: {  	p0 =	sne.s32 s28, $0xCA;
	[tilespmem:s30+$0x70] =	vst v17  }
.Ltmp7:
0x147: {  	[tilespmem:s30+$0x60] =	vst v16;
	(pc) =	sbr.rel @p0 .LBB2_14-.Ltmp7, $4  }
0x148: {  	[spmem:s1] =	stream.indirect.scatter.add.f32 [tilespmem:s24], [sflag:$0x1], $0x10, s2, s21, $0xb8;
	[tilespmem:$0x1D000] =	vst v63  }
0x149: {  	_ =	swait.ge [sflag:s20], $0x4000  }
0x14a: {  	[sflag:s20] =	ssyncset.done $0x0  }
0x14b: {  	[sflag:s20] =	ssyncadd.s32 $0xFFFFC000  }
0x14c: {  	s25 =	sadd.s32 $0x1, s25  }
0x14d: {  	p0 =	sne.s32 s25, s12  }
.Ltmp8:
0x14e: {  	[bflag:$0x0] =	sbarrier.arrive $0xFFFF;
	(pc) =	sbr.rel @p0 .LBB2_1-.Ltmp8, $4  }
0x14f: {  	[hbm:s18], [sflag:s7] =	dma.local [spmem:s19], $0x3100  }
0x150: {  	_ =	swait.ge [sflag:s20], $0x3100  }
0x151: {  	[sflag:s20] =	ssyncset.done $0x0  }
0x152: {  	[sflag:s20] =	ssyncadd.s32 $0xFFFFCF00  }
0x153: {  	_ =	sfence.sel $0x180000  }
0x154: {  	[bflag:$0x0] =	sbarrier.arrive $0xFFFF  }
0x155: {  	_ =	strace $0x9000004D  }
0x156: {  	[bflag:$0x2] =	sbarrier.arrive $0xFFFF  }
0x157: {  	p0 =	sne.s32 s5, $0x0;
	s0 =	rddreg [dreg:$0x4]  }
0x158: {  	s0 =	sadd.s32 @!p0 $0x100000, s0  }
0x159: {  	[sflag:s0] =	ssyncadd.tile.s32 @!p0 $0x1;
	_ =	shalt  }
.Lfunc_end2:
_tile_overlayer_lowered:
.L_overlay_start_2:
0x15a: {  	(tag) =	ssettag $0x2  }
0x15b: {  	s0 =	rddreg [dreg:$0x0];
	s2 =	stileid.u32  }
0x15c: {  	s1 =	rddreg [dreg:$0x1];
	p0 =	sne.s32 s2, $0x0  }
0x15d: {  	s3 =	rddreg [dreg:$0x2];
	[bflag:$0x3] =	sbarrier.arrive $0xFFFF;
	s2 =	simm.s32 @!p0 $0x1C01  }
0x15e: {  	[timem:s3], [sflag:s2] =	dma.local @!p0 [hbm:s0], s1  }
0x15f: {  	s0 =	simm.s32 @!p0 $0x1  }
0x160: {  	_ =	swait.ge @!p0 [sflag:s0], s1  }
0x161: {  	s1 =	ssub.s32 @!p0 $0x0, s1;
	[sflag:s0] =	ssyncset.done @!p0 $0x0  }
0x162: {  	[sflag:s0] =	ssyncadd.s32 @!p0 s1  }
0x163: {  	[bflag:$0x3] =	sbarrier.arrive $0xFFFF  }
0x164: {  	_ =	shalt  }

// kernel: sparse-core-data-format-call.cloned.1.call-start
scs
called_computation_lowered:
.L_overlay_start_0:
0x0: {  	s1 =	sld [smem:$0x3FD9]  }
0x1: {  	s2 =	sld [smem:$0x3FFE];
	_ =	sdelay $0x1  }
0x2: {  	s3 =	srdreg.scid  }
0x3: {  	s0 =	sand.u32 $0x1, s3  }
0x4: {  	s17 =	sshll.u32 s0, $0xA;
	s1 =	sadd.s32 s2, s1  }
0x5: {  	s1 =	sadd.s32 s1, s17  }
0x6: {  	[smem:$0x3FB6] =	sst s1  }
0x7: {  	_ = 	snop  }
0x8: {  	(tm) =	ssettm $0x1  }
0x9: {  	s18 =	sld [smem:$0x3FFB];
	_ =	sdelay $0x3  }
0xa: {  	_ =	strace s18  }
0xb: {  	s1 =	sld [smem:$0x3FFC];
	_ =	sdelay $0x3  }
0xc: {  	_ =	strace s1  }
0xd: {  	s1 =	sld [smem:$0x3FFD];
	_ =	sdelay $0x3  }
0xe: {  	_ =	strace s1  }
0xf: {  	_ =	strace $0x8FFFFFFF  }
0x10: {  	s19 =	sld [smem:$0x3FDB];
	_ =	sdelay $0x1  }
0x11: {  	s20 =	simm.s32 $_scs_section_size  }
0x12: {  	s4 =	simm.s32 $_size__tile_overlayer_lowered;
	s5 =	simm.s32 $_tile_overlayer_lowered  }
0x13: {  	s23 =	simm.s32 $0x1BFF;
	s22 =	sshll.u32 s5, $0x1;
	s1 =	sadd.s32 s20, s19  }
0x14: {  	s6 =	simm.s32 $0x0;
	s21 =	sshll.u32 s4, $0x1;
	s4 =	sadd.s32 s22, s1  }
0x15: {  	[timem:s6], [sflag:s23] =	dma.local [hbm:s4], s21  }
0x16: {  	_ =	swait.ge [sflag:s23], s21  }
0x17: {  	s2 =	ssub.s32 $0x0, s21;
	[sflag:s23] =	ssyncset.done $0x0  }
0x18: {  	[sflag:s23] =	ssyncadd.s32 s2;
	_ =	sdelay $0x1  }
0x19: {  	s24 =	simm.s32 $0x1B8B  }
0x1a: {  	_ =	swait.ge [sflag:s24], $0x1  }
0x1b: {  	[sflag:s24] =	ssyncset.done $0x0  }
0x1c: {  	s26 =	simm.s32 $0x1B8E;
	s25 =	sld [smem:$0x3FFE];
	[sflag:s24] =	ssyncadd.s32 $0xFFFFFFFF  }
0x1d: {  	s27 =	simm.s32 $execute0_lowered;
	[smem:$0x3FD2] =	sst s26  }
0x1e: {  	s4 =	sshll.u32 s27, $0x1;
	_ =	strace $0x80000049;
	[dreg:$0x1] =	wrdreg $0xFFFFFFFF  }
0x1f: {  	s28 =	simm.s32 $_size_execute0_lowered;
	s1 =	sadd.s32 s1, s4;
	[dreg:$0x0] =	wrdreg $0x0  }
0x20: {  	s4 =	sshll.u32 s28, $0x1;
	[dreg:$0x2] =	wrdreg s1  }
0x21: {  	[dreg:$0x3] =	wrdreg s4  }
0x22: {  	[dreg:$0x4] =	wrdreg $0xC0  }
0x23: {  	_ =	task [dreg:s6], $0x5FFFF  }
0x24: {  	[dreg:$0x1] =	wrdreg $0xFFFFFFFF  }
0x25: {  	[dreg:$0x0] =	wrdreg $0x60  }
0x26: {  	[dreg:$0x2] =	wrdreg s25  }
0x27: {  	[dreg:$0x3] =	wrdreg $0x9  }
0x28: {  	_ =	task.clear_ibuf [dreg:s6], $0x4FFFF;
	_ =	strace $0x90000049  }
0x29: {  	s29 =	simm.s32 $0x9;
	_ =	strace $0x8000004B  }
0x2a: {  	_ =	swait.ge [sflag:s29], $0x1  }
0x2b: {  	[sflag:s29] =	ssyncadd.s32 $0xFFFFFFFF  }
0x2c: {  	_ =	strace $0x9000004B  }
0x2d: {  	_ =	sfence  }
0x2e: {  	s30 =	sld [smem:$0x0];
	_ =	sdelay $0x2  }
0x2f: {  	s31 =	sshll.u32 s3, $0xD;
	s3 =	sshrl.u32 s3, $0x2  }
0x30: {  	s2 =	sand.u32 $0x4000, s31;
	s1 =	sadd.s32 s3, s30  }
0x31: {  	s0 =	sor.u32 s2, s0;
	s1 =	sshll.u32 s1, $0x11  }
0x32: {  	s0 =	sor.u32 s1, s0  }
0x33: {  	s0 =	sadd.s32 $0x8F2B, s0  }
0x34: {  	[sflag:s0] =	ssyncadd.remote.s32 $0x1  }
0x35: {  	_ =	sfence.sel $0xFFFF  }
0x36: {  	[dreg:$0x0] =	wrdreg $0xFFFFFFFF;
	(pc) =	sbr.abs _section_cstart, $3  }
0x37: {  	[dreg:$0x1] =	wrdreg $0xFFFFFFFF  }
0x38: {  	_ =	task.clear_ibuf [dreg:s6], $0x2FFFF;
	_ =	strace $0x9FFFFFFF  }
0x39: {  	(tm) =	ssettm $0x7FFFFFFF  }
tec
execute0_lowered:
.L_overlay_start_1:
0x0: {  	(tag) =	ssettag $0x1  }
0x1: {  	s0 =	srdreg.scid  }
0x2: {  	s5 =	rddreg [dreg:$0x0];
	s1 =	sshll.u32 s0, $0x4  }
0x3: {  	s4 =	simm.s32 $0x1;
	s0 =	stileid.u32;
	s1 =	sand.u32 $0x10, s1  }
0x4: {  	s8 =	simm.s32 $0x2;
	s13 =	simm.s32 $0x0;
	s2 =	sor.u32 s0, s1  }
0x5: {  	s9 =	simm.s32 $0x328000;
	s10 =	simm.s32 $0x0;
	s2 =	sshll.u32 s2, $0x5  }
0x6: {  	s12 =	simm.s32 $0x0;
	s3 =	sadd.s32 $0x349800, s5;
	s6 =	ssub.s32 $0x6500, s2  }
.Ltmp0:
0x7: {  	s1 =	rddreg [dreg:$0x1];
	s7 =	sand.u32 $0x3E0, s6;
	(pc) =	sbr.rel .LBB1_1-.Ltmp0, $4  }
0x8: {  	_ =	strace $0x8000004A;
	p0 =	sne.s32 s7, $0x0;
	s7 =	simm.s32 $0x1  }
0x9: {  	[sflag:s4] =	ssyncpa.u1 $0x0;
	s6 =	sshrl.u32 s6, $0xA;
	s7 =	simm.s32 @!p0 $0x0  }
0xa: {  	s5 =	sadd.s32 $0x4DD800, s5;
	[sflag:s8] =	ssyncpa.u1 $0x0;
	s6 =	sadd.s32 s7, s6  }
0xb: {  	s8 =	simm.s32 $0x1000;
	s11 =	smov.u32 s2;
	s7 =	sadd.s32 $0x1, s6  }
.LBB1_7:
0xc: {  	s15 =	sadd.s32 $0x400, s11  }
0xd: {  	p1 =	sgt.s32 s15, $0x64FF  }
0xe: {  	s15 =	smov.u32 @p1 s2;
	p1 =	sne.s32 s12, s7  }
.Ltmp1:
0xf: {  	p0 =	slt.u32 s12, $0x2;
	(pc) =	sbr.rel @!p1 .LBB1_8-.Ltmp1, $4  }
0x10: {  	s14 =	simm.s32 @!p0 $0x2  }
0x11: {  	s16 =	sadd.s32 $0x1, s12;
	_ =	swait.ge @!p0 [sflag:s14], $0x4000  }
0x12: {  	s13 =	smov.u32 s11;
	s10 =	sadd.s32 $0x4000, s10;
	[sflag:s14] =	ssyncset.done @!p0 $0x0  }
0x13: {  	s12 =	smov.u32 s16;
	s11 =	smov.u32 s15;
	[sflag:s14] =	ssyncadd.s32 @!p0 $0xFFFFC000  }
.LBB1_1:
0x14: {  	p0 =	sge.u32 s12, s6  }
0x15: {  	s14 =	sxor.u32 @!p0 $0xFFFFFFFF, s12  }
0x16: {  	s31 =	sadd.s32 $0xFFFFFFFF, s12;
	s15 =	sshll.u32 @!p0 s11, $0x6;
	s14 =	sshll.u32 @!p0 s14, $0xE  }
0x17: {  	s16 =	simm.s32 @!p0 $0x0;
	s15 =	sadd.s32 @!p0 s3, s15;
	s14 =	sand.u32 @!p0 $0x4000, s14  }
0x18: {  	[tilespmem:s14], [sflag:$0x1] =	stream.linear.gather @!p0 [hbm4b:s15+s16], $0x4000, $0x38;
	[tilespmem:$0x10000] =	vst v63  }
0x19: {  	p0 =	sge.u32 s31, s6  }
.Ltmp2:
0x1a: {  	_ = 	snop;
	(pc) =	sbr.rel @p0 .LBB1_7-.Ltmp2, $1  }
0x1b: {  	_ =	sdelay $0x3  }
0x1c: {  	s14 =	sand.u32 $0x4000, s10  }
0x1d: {  	_ =	swait.ge [sflag:s4], $0x4000;
	s17 =	sshll.u32 s12, $0xE;
	s15 =	sor.u32 $0x8040, s14  }
0x1e: {  	s16 =	sor.u32 $0x40, s14;
	[sflag:s4] =	ssyncset.done $0x0;
	s31 =	sand.u32 $0x4000, s17  }
0x1f: {  	s17 =	simm.s32 $0x0;
	[sflag:s4] =	ssyncadd.s32 $0xFFFFC000;
	s14 =	sor.u32 $0x8000, s31  }
.LBB1_3:
0x20: {  	v0 =	vmov s16;
	_ =	sdelay $0x3  }
0x21: {  	s19 =	simm.s32 $0x0  }
0x22: {  	v6 =	vld.idx.msk [tilespmem:v0+s19+$0x30 ss:$0x1], $0xffff  }
0x23: {  	v7 =	vld.idx.msk [tilespmem:v0+s19+$0xFFFFFFC0 ss:$0x1], $0xffff  }
0x24: {  	v5 =	vld.idx.msk [tilespmem:v0+s19+$0xFFFFFFD0 ss:$0x1], $0xffff  }
0x25: {  	v4 =	vld.idx.msk [tilespmem:v0+s19+$0xFFFFFFE0 ss:$0x1], $0xffff  }
0x26: {  	v3 =	vld.idx.msk [tilespmem:v0+s19+$0xFFFFFFF0 ss:$0x1], $0xffff  }
0x27: {  	v1 =	vld.idx.msk [tilespmem:v0+s19+$0x0 ss:$0x1], $0xffff  }
0x28: {  	v2 =	vld.idx.msk [tilespmem:v0+s19+$0x10 ss:$0x1], $0xffff;
	[tilespmem:s15+$0x30] =	vst v6  }
0x29: {  	s18 =	simm.s32 $0x80;
	s20 =	simm.s32 $0x400;
	[tilespmem:s15+$0xFFFFFFC0] =	vst v7;
	v6 =	vld.idx.msk [tilespmem:v0+s19+$0x20 ss:$0x1], $0xffff;
	s19 =	smov.u32 s15  }
.LBB1_4:
0x2a: {  	p0 =	sne.s32 s20, $0x600;
	v7 =	vld.idx.msk [tilespmem:v0+s18+$0x30 ss:$0x1], $0xffff;
	[tilespmem:s19+$0xFFFFFFD0] =	vst v5  }
0x2b: {  	v8 =	vld.idx.msk [tilespmem:v0+s18+$0xFFFFFFC0 ss:$0x1], $0xffff;
	[tilespmem:s19+$0xFFFFFFE0] =	vst v4  }
0x2c: {  	v5 =	vld.idx.msk [tilespmem:v0+s18+$0xFFFFFFD0 ss:$0x1], $0xffff;
	[tilespmem:s19+$0xFFFFFFF0] =	vst v3  }
.Ltmp3:
0x2d: {  	v4 =	vld.idx.msk [tilespmem:v0+s18+$0xFFFFFFE0 ss:$0x1], $0xffff;
	[tilespmem:s19+$0x0] =	vst v1;
	(pc) =	sbr.rel @p0 .LBB1_4-.Ltmp3, $4  }
0x2e: {  	v3 =	vld.idx.msk [tilespmem:v0+s18+$0xFFFFFFF0 ss:$0x1], $0xffff;
	[tilespmem:s19+$0x10] =	vst v2  }
0x2f: {  	v1 =	vld.idx.msk [tilespmem:v0+s18+$0x0 ss:$0x1], $0xffff;
	[tilespmem:s19+$0x20] =	vst v6;
	s19 =	sadd.s32 $0x1000, s19  }
0x30: {  	v2 =	vld.idx.msk [tilespmem:v0+s18+$0x10 ss:$0x1], $0xffff;
	[tilespmem:s19+$0x30] =	vst v7  }
0x31: {  	[tilespmem:s19+$0xFFFFFFC0] =	vst v8;
	v6 =	vld.idx.msk [tilespmem:v0+s18+$0x20 ss:$0x1], $0xffff;
	s18 =	sshra.s32 s20, $0x2;
	s20 =	sadd.s32 $0x200, s20  }
0x32: {  	_ =	sdelay $0x2  }
0x33: {  	[tilespmem:s19+$0xFFFFFFD0] =	vst v5  }
0x34: {  	v56 =	vld.idx.msk [tilespmem:v0+s18+$0x30 ss:$0x1], $0xffff;
	[tilespmem:s19+$0xFFFFFFE0] =	vst v4  }
0x35: {  	v57 =	vld.idx.msk [tilespmem:v0+s18+$0xFFFFFFC0 ss:$0x1], $0xffff;
	[tilespmem:s19+$0xFFFFFFF0] =	vst v3  }
0x36: {  	v58 =	vld.idx.msk [tilespmem:v0+s18+$0xFFFFFFD0 ss:$0x1], $0xffff;
	[tilespmem:s19+$0x0] =	vst v1  }
0x37: {  	v59 =	vld.idx.msk [tilespmem:v0+s18+$0xFFFFFFE0 ss:$0x1], $0xffff;
	[tilespmem:s19+$0x10] =	vst v2  }
0x38: {  	v60 =	vld.idx.msk [tilespmem:v0+s18+$0xFFFFFFF0 ss:$0x1], $0xffff;
	s31 =	sadd.s32 $0x1000, s19;
	[tilespmem:s19+$0x20] =	vst v6  }
0x39: {  	v61 =	vld.idx.msk [tilespmem:v0+s18+$0x0 ss:$0x1], $0xffff;
	[tilespmem:s31+$0x30] =	vst v56  }
0x3a: {  	v62 =	vld.idx.msk [tilespmem:v0+s18+$0x10 ss:$0x1], $0xffff;
	s17 =	sadd.s32 $0x1, s17;
	[tilespmem:s31+$0xFFFFFFC0] =	vst v57  }
0x3b: {  	v63 =	vld.idx.msk [tilespmem:v0+s18+$0x20 ss:$0x1], $0xffff;
	p0 =	sne.s32 s17, $0x20;
	[tilespmem:s31+$0xFFFFFFD0] =	vst v58  }
.Ltmp4:
0x3c: {  	[tilespmem:s31+$0xFFFFFFE0] =	vst v59;
	(pc) =	sbr.rel @p0 .LBB1_3-.Ltmp4, $4  }
0x3d: {  	[tilespmem:s31+$0xFFFFFFF0] =	vst v60  }
0x3e: {  	[tilespmem:s31+$0x0] =	vst v61  }
0x3f: {  	[tilespmem:s31+$0x10] =	vst v62  }
0x40: {  	s15 =	sadd.s32 $0x80, s15;
	s16 =	sadd.s32 $0x200, s16;
	[tilespmem:s31+$0x20] =	vst v63  }
0x41: {  	s13 =	sand.u32 $0x1FFFFFF, s13  }
0x42: {  	s15 =	smulhi.u32 $0x288DF0D, s13;
	_ =	sdelay $0x1  }
0x43: {  	s15 =	sshrl.u32 s15, $0x8  }
0x44: {  	s15 =	smul.u32 $0x6500, s15  }
.Ltmp5:
0x45: {  	_ = 	snop;
	(pc) =	sbr.rel .LBB1_7-.Ltmp5, $4  }
0x46: {  	s13 =	ssub.s32 s13, s15  }
0x47: {  	s13 =	sshll.u32 s13, $0x4  }
0x48: {  	s13 =	sadd.s32 s5, s13  }
0x49: {  	[hbm4b:s13+s8] =	stream.strided.scatter [tilespmem:s14], [sflag:$0x2], $0x4000, s9, s8, $0x38;
	[tilespmem:$0x10000] =	vst v63  }
.LBB1_8:
0x4a: {  	_ =	sfence.sel $0x180000  }
0x4b: {  	s2 =	simm.s32 $0x1;
	[bflag:$0x0] =	sbarrier.arrive $0xFFFF  }
0x4c: {  	s31 =	simm.s32 $0x2;
	[sflag:s2] =	ssyncpa.u1 $0x1  }
0x4d: {  	[sflag:s31] =	ssyncpa.u1 $0x1  }
0x4e: {  	p0 =	sne.s32 s0, $0x0;
	_ =	strace $0x9000004A  }
0x4f: {  	s0 =	sadd.s32 @!p0 $0x100000, s1;
	[bflag:$0x2] =	sbarrier.arrive $0xFFFF  }
0x50: {  	[sflag:s0] =	ssyncadd.tile.s32 @!p0 $0x1;
	_ =	shalt  }
.Lfunc_end1:
_tile_overlayer_lowered:
.L_overlay_start_2:
0x51: {  	(tag) =	ssettag $0x2  }
0x52: {  	s0 =	rddreg [dreg:$0x0];
	s2 =	stileid.u32  }
0x53: {  	s1 =	rddreg [dreg:$0x1];
	p0 =	sne.s32 s2, $0x0  }
0x54: {  	s3 =	rddreg [dreg:$0x2];
	[bflag:$0x3] =	sbarrier.arrive $0xFFFF;
	s2 =	simm.s32 @!p0 $0x1C01  }
0x55: {  	[timem:s3], [sflag:s2] =	dma.local @!p0 [hbm:s0], s1  }
0x56: {  	s0 =	simm.s32 @!p0 $0x1  }
0x57: {  	_ =	swait.ge @!p0 [sflag:s0], s1  }
0x58: {  	s1 =	ssub.s32 @!p0 $0x0, s1;
	[sflag:s0] =	ssyncset.done @!p0 $0x0  }
0x59: {  	[sflag:s0] =	ssyncadd.s32 @!p0 s1  }
0x5a: {  	[bflag:$0x3] =	sbarrier.arrive $0xFFFF  }
0x5b: {  	_ =	shalt  }

</sc_bundles>
